<compile_context>
chip_gen: v7x
topology: tpu7x:2x2x1
jax: 0.10.2.dev20260603
libtpu: 0.0.44.dev20260713+nightly
codegen_flags: <defaults>
</compile_context>

<pallas_src>
import numpy as np

import jax
import jax.numpy as jnp
from jax import lax
from jax.experimental import pallas as pl
from jax.experimental.pallas import tpu as pltpu
from jax.experimental.pallas import tpu_sc as plsc

_B = 4096
_SEQ = 200
_V = 100000
_D = 128
_DW = _D // 2
_NC = 2
_NS = 16
_NW = _NC * _NS
_BPW = _B // _NW
_HALF = _SEQ // 2
_NSLOT = 8
_NU = 2 * _BPW



def _pool_body(text_hbm, emb_hbm, out_hbm, idx_v, rows_v, pooled_v, *sems):
    wid = lax.axis_index("s") * _NC + lax.axis_index("c")
    base = wid * _BPW
    pltpu.sync_copy(text_hbm.at[pl.ds(base * 2, 2 * _BPW)], idx_v)

    scale = jnp.float32(1.0 / _SEQ)
    himask = jnp.int32(-65536)

    def start_unit(u, h, slot):
        del h
        pltpu.async_copy(emb_hbm.at[idx_v.at[u]],
                         rows_v.at[slot], sems[slot])

    def wait_reduce_unit(u, h, slot):
        pltpu.make_async_copy(emb_hbm.at[idx_v.at[u]],
                              rows_v.at[slot], sems[slot]).wait()

        def red(t, accs):
            out = [None] * 8
            for c in range(4):
                w = rows_v[slot, t, pl.ds(c * 16, 16)]
                lo = lax.bitcast_convert_type(w << 16, jnp.float32)
                hi = lax.bitcast_convert_type(w, jnp.float32)
                out[c] = accs[c] + lo
                out[c + 4] = accs[c + 4] + hi
            return tuple(out)

        accs = tuple(jnp.zeros((16,), jnp.float32) for _ in range(8))
        accs = lax.fori_loop(0, _HALF, red, accs, unroll=2)
        s = u >> 1
        if h == 0:
            for a in range(8):
                pooled_v[s, pl.ds(a * 16, 16)] = accs[a] * scale
        else:
            for a in range(8):
                plsc.addupdate(pooled_v.at[s, pl.ds(a * 16, 16)],
                               accs[a] * scale)

    for k in range(_NSLOT - 1):
        start_unit(jnp.int32(k), k & 1, k)

    def group_body(g, carry):
        u0 = _NSLOT * g
        for k in range(_NSLOT):
            uk = u0 + k
            nxt = uk + (_NSLOT - 1)

            @pl.when(nxt < _NU)
            def _():
                start_unit(nxt, (k + _NSLOT - 1) & 1, (k + _NSLOT - 1) % _NSLOT)

            wait_reduce_unit(uk, k & 1, k)
        return carry

    lax.fori_loop(0, _NU // _NSLOT, group_body, 0)
    pltpu.sync_copy(pooled_v, out_hbm.at[pl.ds(base, _BPW)])


_pool = pl.kernel(
    _pool_body,
    out_type=jax.ShapeDtypeStruct((_B, _D), jnp.float32),
    mesh=plsc.VectorSubcoreMesh(core_axis_name="c", subcore_axis_name="s"),
    compiler_params=pltpu.CompilerParams(use_tc_tiling_on_sc=False),
    scratch_types=[
        pltpu.VMEM((2 * _BPW, _HALF), jnp.int32),
        pltpu.VMEM((_NSLOT, _HALF, _DW), jnp.int32),
        pltpu.VMEM((_BPW, _D), jnp.float32),
    ] + [pltpu.SemaphoreType.DMA] * _NSLOT,
)


def _mlp_body(pooled_ref, w1_ref, b1_ref, w2_ref, b2_ref, out_ref):
    h = jnp.dot(pooled_ref[...], w1_ref[...],
                preferred_element_type=jnp.float32) + b1_ref[...]
    h = jnp.where(h >= 0, h, h * jnp.float32(0.01))
    out_ref[...] = jnp.dot(h, w2_ref[...],
                           preferred_element_type=jnp.float32) + b2_ref[...]


def _mlp(pooled, W1, b1, W2, b2):
    return pl.pallas_call(
        _mlp_body,
        out_shape=jax.ShapeDtypeStruct((_B, W2.shape[1]), jnp.float32),
    )(pooled, W1, b1, W2, b2)


def _pack_body(emb_a_ref, emb_b_ref, out_ref):
    ba = lax.bitcast_convert_type(emb_a_ref[...], jnp.uint32)
    bb = lax.bitcast_convert_type(emb_b_ref[...], jnp.uint32)
    himask = jnp.uint32(0xFFFF0000)
    wa = (ba[:, :_DW] >> 16) | (ba[:, _DW:] & himask)
    wb = (bb[:, :_DW] >> 16) | (bb[:, _DW:] & himask)
    out_ref[...] = lax.bitcast_convert_type(
        jnp.concatenate([wa, wb], axis=1), jnp.int32)


_PACK_BLK = 5000
_VH = _V // 2


def _pack(emb):
    packed50 = pl.pallas_call(
        _pack_body,
        grid=(_VH // _PACK_BLK,),
        in_specs=[pl.BlockSpec((_PACK_BLK, _D), lambda i: (i, 0)),
                  pl.BlockSpec((_PACK_BLK, _D),
                               lambda i: (i + _VH // _PACK_BLK, 0))],
        out_specs=pl.BlockSpec((_PACK_BLK, _D), lambda i: (i, 0)),
        out_shape=jax.ShapeDtypeStruct((_VH, _D), jnp.int32),
    )(emb, emb)
    return packed50.reshape(_V, _DW)


def kernel(text, emb, W1, b1, W2, b2):
    t = text.astype(jnp.int32)
    t = jnp.where(t < _VH, t * 2, (t - _VH) * 2 + 1)
    text2 = t.reshape(_B * 2, _HALF)
    pooled = _pool(text2, _pack(emb))
    logits = _mlp(pooled, W1, b1.reshape(1, -1), W2, b2.reshape(1, -1))
    return logits

# --- scband reference (transcript-rebuilt; emitter-appended) ---
"""Pipeline reference for scband-text-classifier-738734374952 (READ-ONLY COPY).

The authoritative reference and input builder live on the scoring server;
editing this copy changes nothing except your own understanding.
"""

import jax, jax.numpy as jnp
import numpy as np

VOCAB = 100000
EMBED = 128
HIDDEN = 128
NUM_CLASS = 20
BATCH = 4096
SEQ = 200


def setup_inputs(seed: int = 0) -> dict:
    key = jax.random.key(seed)
    k_text, k_emb, k_w1, k_b1, k_w2, k_b2 = jax.random.split(key, 6)
    text = jax.random.randint(k_text, (BATCH, SEQ), 0, VOCAB, dtype=jnp.int64 if jax.config.jax_enable_x64 else jnp.int32)
    emb = jax.random.normal(k_emb, (VOCAB, EMBED), dtype=jnp.float32)
    # nn.Linear default init ~ U(-1/sqrt(fan_in), 1/sqrt(fan_in)); exact values irrelevant for benchmarking
    W1 = jax.random.uniform(k_w1, (EMBED, HIDDEN), dtype=jnp.float32, minval=-1.0 / np.sqrt(EMBED), maxval=1.0 / np.sqrt(EMBED))
    b1 = jax.random.uniform(k_b1, (HIDDEN,), dtype=jnp.float32, minval=-1.0 / np.sqrt(EMBED), maxval=1.0 / np.sqrt(EMBED))
    W2 = jax.random.uniform(k_w2, (HIDDEN, NUM_CLASS), dtype=jnp.float32, minval=-1.0 / np.sqrt(HIDDEN), maxval=1.0 / np.sqrt(HIDDEN))
    b2 = jax.random.uniform(k_b2, (NUM_CLASS,), dtype=jnp.float32, minval=-1.0 / np.sqrt(HIDDEN), maxval=1.0 / np.sqrt(HIDDEN))
    return {"text": text, "emb": emb, "W1": W1, "b1": b1, "W2": W2, "b2": b2}


def reference(text, emb, W1, b1, W2, b2):
    # embedding lookup (gather) -> mean over sequence dim
    embedded = jnp.take(emb, text, axis=0)           # [B, L, D]
    pooled = embedded.mean(axis=1)                    # [B, D]
    # dropout is defined in the torch module but never applied in forward
    hidden = jax.nn.leaky_relu(pooled @ W1 + b1, negative_slope=0.01)
    logits = hidden @ W2 + b2                         # [B, num_class]
    return logits

if __name__ == "__main__":
    import jax
    _d = setup_inputs()
    print(jax.jit(kernel)(*tuple(_d.values())))

</pallas_src>

<mosaic_0001>
#map = affine_map<(d0, d1) -> (0, 0)>
module attributes {stable_mosaic.version = 14 : i64} {
  func.func @_pool_body(%arg0: i32, %arg1: i32, %arg2: memref<8192x100xi32, #tpu.memory_space<hbm>>, %arg3: memref<100000x64xi32, #tpu.memory_space<hbm>>, %arg4: memref<4096x128xf32, #tpu.memory_space<hbm>>, %arg5: memref<256x100xi32, #tpu.memory_space<vmem>>, %arg6: memref<8x100x64xi32, #tpu.memory_space<vmem>>, %arg7: memref<128x128xf32, #tpu.memory_space<vmem>>, %arg8: memref<!tpu.dma_semaphore, #tpu.memory_space<semaphore_mem>>, %arg9: memref<!tpu.dma_semaphore, #tpu.memory_space<semaphore_mem>>, %arg10: memref<!tpu.dma_semaphore, #tpu.memory_space<semaphore_mem>>, %arg11: memref<!tpu.dma_semaphore, #tpu.memory_space<semaphore_mem>>, %arg12: memref<!tpu.dma_semaphore, #tpu.memory_space<semaphore_mem>>, %arg13: memref<!tpu.dma_semaphore, #tpu.memory_space<semaphore_mem>>, %arg14: memref<!tpu.dma_semaphore, #tpu.memory_space<semaphore_mem>>, %arg15: memref<!tpu.dma_semaphore, #tpu.memory_space<semaphore_mem>>) attributes {dimension_semantics = [#tpu.dimension_semantics<core_parallel>, #tpu.dimension_semantics<subcore_parallel>], iteration_bounds = array<i64: 2, 16>, scalar_prefetch = 0 : i64, scratch_operands = 11 : i64, tpu.core_type = #tpu.core_type<sc_vector_subcore>, window_params = [{transform_indices = #map}, {transform_indices = #map}, {transform_indices = #map}]} {
    %mul3A = arith.constant 2 : i32
    %mul3A_0 = arith.muli %arg1, %mul3A : i32
    %add3A = arith.addi %mul3A_0, %arg0 : i32
    %mul3A_1 = arith.constant 128 : i32
    %mul3A_2 = arith.muli %add3A, %mul3A_1 : i32
    %mul3A_3 = arith.constant 2 : i32
    %mul3A_4 = arith.muli %mul3A_2, %mul3A_3 : i32
    "tpu.region"() ({
      %run_scoped3A = tpu.sem_alloc : memref<!tpu.dma_semaphore, #tpu.memory_space<semaphore_mem>>
      %dma_start3A_94 = arith.constant 0 : i32
      %dma_start3A_95 = tpu.memref_slice %arg2[%mul3A_4, %dma_start3A_94] : memref<8192x100xi32, #tpu.memory_space<hbm>> -> memref<256x100xi32, #tpu.memory_space<hbm>>
      %dma_start3A_96 = arith.constant 0 : i32
      %dma_start3A_97 = tpu.memref_slice %arg2[%mul3A_4, %dma_start3A_96] : memref<8192x100xi32, #tpu.memory_space<hbm>> -> memref<256x100xi32, #tpu.memory_space<hbm>>
      tpu.enqueue_dma source(%dma_start3A_97 : memref<256x100xi32, #tpu.memory_space<hbm>>) target(%arg5 : memref<256x100xi32, #tpu.memory_space<vmem>>) target_semaphore(%run_scoped3A : memref<!tpu.dma_semaphore, #tpu.memory_space<semaphore_mem>>)
      %dma_wait3A = arith.constant 0 : i32
      %dma_wait3A_98 = tpu.memref_slice %arg2[%mul3A_4, %dma_wait3A] : memref<8192x100xi32, #tpu.memory_space<hbm>> -> memref<256x100xi32, #tpu.memory_space<hbm>>
      %dma_wait3A_99 = arith.constant 0 : i32
      %dma_wait3A_100 = tpu.memref_slice %arg2[%mul3A_4, %dma_wait3A_99] : memref<8192x100xi32, #tpu.memory_space<hbm>> -> memref<256x100xi32, #tpu.memory_space<hbm>>
      tpu.wait_dma2 semaphore(%run_scoped3A : memref<!tpu.dma_semaphore, #tpu.memory_space<semaphore_mem>>) src(%dma_wait3A_100 : memref<256x100xi32, #tpu.memory_space<hbm>>) dst(%arg5 : memref<256x100xi32, #tpu.memory_space<vmem>>)
      tpu.yield
    }) : () -> ()
    %dma_start3A = arith.constant 0 : i32
    %dma_start3A_5 = arith.constant 0 : i32
    %dma_start3A_6 = arith.constant 0 : i32
    %dma_start3A_7 = arith.constant 0 : i32
    %dma_start3A_8 = tpu.memref_slice %arg6[%dma_start3A_5, %dma_start3A_6, %dma_start3A_7] : memref<8x100x64xi32, #tpu.memory_space<vmem>> -> memref<1x100x64xi32, #tpu.memory_space<vmem>>
    %dma_start3A_9 = tpu.memref_squeeze %dma_start3A_8 : memref<1x100x64xi32, #tpu.memory_space<vmem>> -> memref<100x64xi32, #tpu.memory_space<vmem>>
    %dma_start3A_10 = arith.constant 0 : i32
    %dma_start3A_11 = tpu.memref_slice %arg5[%dma_start3A, %dma_start3A_10] : memref<256x100xi32, #tpu.memory_space<vmem>> -> memref<1x100xi32, #tpu.memory_space<vmem>>
    %dma_start3A_12 = tpu.memref_squeeze %dma_start3A_11 : memref<1x100xi32, #tpu.memory_space<vmem>> -> memref<100xi32, #tpu.memory_space<vmem>>
    %dma_start3A_13 = arith.constant 0 : i32
    %dma_start3A_14 = arith.constant 0 : i32
    %dma_start3A_15 = tpu.memref_slice %arg3[%dma_start3A_13, %dma_start3A_14] : memref<100000x64xi32, #tpu.memory_space<hbm>> -> memref<100000x64xi32, #tpu.memory_space<hbm>>
    tpu.enqueue_indirect_dma source(%dma_start3A_15 : memref<100000x64xi32, #tpu.memory_space<hbm>>) target(%dma_start3A_9 : memref<100x64xi32, #tpu.memory_space<vmem>>) offsets(%dma_start3A_12 : memref<100xi32, #tpu.memory_space<vmem>>) semaphore(%arg8 : memref<!tpu.dma_semaphore, #tpu.memory_space<semaphore_mem>>)
    %dma_start3A_16 = arith.constant 1 : i32
    %dma_start3A_17 = arith.constant 1 : i32
    %dma_start3A_18 = arith.constant 0 : i32
    %dma_start3A_19 = arith.constant 0 : i32
    %dma_start3A_20 = tpu.memref_slice %arg6[%dma_start3A_17, %dma_start3A_18, %dma_start3A_19] : memref<8x100x64xi32, #tpu.memory_space<vmem>> -> memref<1x100x64xi32, #tpu.memory_space<vmem>>
    %dma_start3A_21 = tpu.memref_squeeze %dma_start3A_20 : memref<1x100x64xi32, #tpu.memory_space<vmem>> -> memref<100x64xi32, #tpu.memory_space<vmem>>
    %dma_start3A_22 = arith.constant 0 : i32
    %dma_start3A_23 = tpu.memref_slice %arg5[%dma_start3A_16, %dma_start3A_22] : memref<256x100xi32, #tpu.memory_space<vmem>> -> memref<1x100xi32, #tpu.memory_space<vmem>>
    %dma_start3A_24 = tpu.memref_squeeze %dma_start3A_23 : memref<1x100xi32, #tpu.memory_space<vmem>> -> memref<100xi32, #tpu.memory_space<vmem>>
    %dma_start3A_25 = arith.constant 0 : i32
    %dma_start3A_26 = arith.constant 0 : i32
    %dma_start3A_27 = tpu.memref_slice %arg3[%dma_start3A_25, %dma_start3A_26] : memref<100000x64xi32, #tpu.memory_space<hbm>> -> memref<100000x64xi32, #tpu.memory_space<hbm>>
    tpu.enqueue_indirect_dma source(%dma_start3A_27 : memref<100000x64xi32, #tpu.memory_space<hbm>>) target(%dma_start3A_21 : memref<100x64xi32, #tpu.memory_space<vmem>>) offsets(%dma_start3A_24 : memref<100xi32, #tpu.memory_space<vmem>>) semaphore(%arg9 : memref<!tpu.dma_semaphore, #tpu.memory_space<semaphore_mem>>)
    %dma_start3A_28 = arith.constant 2 : i32
    %dma_start3A_29 = arith.constant 2 : i32
    %dma_start3A_30 = arith.constant 0 : i32
    %dma_start3A_31 = arith.constant 0 : i32
    %dma_start3A_32 = tpu.memref_slice %arg6[%dma_start3A_29, %dma_start3A_30, %dma_start3A_31] : memref<8x100x64xi32, #tpu.memory_space<vmem>> -> memref<1x100x64xi32, #tpu.memory_space<vmem>>
    %dma_start3A_33 = tpu.memref_squeeze %dma_start3A_32 : memref<1x100x64xi32, #tpu.memory_space<vmem>> -> memref<100x64xi32, #tpu.memory_space<vmem>>
    %dma_start3A_34 = arith.constant 0 : i32
    %dma_start3A_35 = tpu.memref_slice %arg5[%dma_start3A_28, %dma_start3A_34] : memref<256x100xi32, #tpu.memory_space<vmem>> -> memref<1x100xi32, #tpu.memory_space<vmem>>
    %dma_start3A_36 = tpu.memref_squeeze %dma_start3A_35 : memref<1x100xi32, #tpu.memory_space<vmem>> -> memref<100xi32, #tpu.memory_space<vmem>>
    %dma_start3A_37 = arith.constant 0 : i32
    %dma_start3A_38 = arith.constant 0 : i32
    %dma_start3A_39 = tpu.memref_slice %arg3[%dma_start3A_37, %dma_start3A_38] : memref<100000x64xi32, #tpu.memory_space<hbm>> -> memref<100000x64xi32, #tpu.memory_space<hbm>>
    tpu.enqueue_indirect_dma source(%dma_start3A_39 : memref<100000x64xi32, #tpu.memory_space<hbm>>) target(%dma_start3A_33 : memref<100x64xi32, #tpu.memory_space<vmem>>) offsets(%dma_start3A_36 : memref<100xi32, #tpu.memory_space<vmem>>) semaphore(%arg10 : memref<!tpu.dma_semaphore, #tpu.memory_space<semaphore_mem>>)
    %dma_start3A_40 = arith.constant 3 : i32
    %dma_start3A_41 = arith.constant 3 : i32
    %dma_start3A_42 = arith.constant 0 : i32
    %dma_start3A_43 = arith.constant 0 : i32
    %dma_start3A_44 = tpu.memref_slice %arg6[%dma_start3A_41, %dma_start3A_42, %dma_start3A_43] : memref<8x100x64xi32, #tpu.memory_space<vmem>> -> memref<1x100x64xi32, #tpu.memory_space<vmem>>
    %dma_start3A_45 = tpu.memref_squeeze %dma_start3A_44 : memref<1x100x64xi32, #tpu.memory_space<vmem>> -> memref<100x64xi32, #tpu.memory_space<vmem>>
    %dma_start3A_46 = arith.constant 0 : i32
    %dma_start3A_47 = tpu.memref_slice %arg5[%dma_start3A_40, %dma_start3A_46] : memref<256x100xi32, #tpu.memory_space<vmem>> -> memref<1x100xi32, #tpu.memory_space<vmem>>
    %dma_start3A_48 = tpu.memref_squeeze %dma_start3A_47 : memref<1x100xi32, #tpu.memory_space<vmem>> -> memref<100xi32, #tpu.memory_space<vmem>>
    %dma_start3A_49 = arith.constant 0 : i32
    %dma_start3A_50 = arith.constant 0 : i32
    %dma_start3A_51 = tpu.memref_slice %arg3[%dma_start3A_49, %dma_start3A_50] : memref<100000x64xi32, #tpu.memory_space<hbm>> -> memref<100000x64xi32, #tpu.memory_space<hbm>>
    tpu.enqueue_indirect_dma source(%dma_start3A_51 : memref<100000x64xi32, #tpu.memory_space<hbm>>) target(%dma_start3A_45 : memref<100x64xi32, #tpu.memory_space<vmem>>) offsets(%dma_start3A_48 : memref<100xi32, #tpu.memory_space<vmem>>) semaphore(%arg11 : memref<!tpu.dma_semaphore, #tpu.memory_space<semaphore_mem>>)
    %dma_start3A_52 = arith.constant 4 : i32
    %dma_start3A_53 = arith.constant 4 : i32
    %dma_start3A_54 = arith.constant 0 : i32
    %dma_start3A_55 = arith.constant 0 : i32
    %dma_start3A_56 = tpu.memref_slice %arg6[%dma_start3A_53, %dma_start3A_54, %dma_start3A_55] : memref<8x100x64xi32, #tpu.memory_space<vmem>> -> memref<1x100x64xi32, #tpu.memory_space<vmem>>
    %dma_start3A_57 = tpu.memref_squeeze %dma_start3A_56 : memref<1x100x64xi32, #tpu.memory_space<vmem>> -> memref<100x64xi32, #tpu.memory_space<vmem>>
    %dma_start3A_58 = arith.constant 0 : i32
    %dma_start3A_59 = tpu.memref_slice %arg5[%dma_start3A_52, %dma_start3A_58] : memref<256x100xi32, #tpu.memory_space<vmem>> -> memref<1x100xi32, #tpu.memory_space<vmem>>
    %dma_start3A_60 = tpu.memref_squeeze %dma_start3A_59 : memref<1x100xi32, #tpu.memory_space<vmem>> -> memref<100xi32, #tpu.memory_space<vmem>>
    %dma_start3A_61 = arith.constant 0 : i32
    %dma_start3A_62 = arith.constant 0 : i32
    %dma_start3A_63 = tpu.memref_slice %arg3[%dma_start3A_61, %dma_start3A_62] : memref<100000x64xi32, #tpu.memory_space<hbm>> -> memref<100000x64xi32, #tpu.memory_space<hbm>>
    tpu.enqueue_indirect_dma source(%dma_start3A_63 : memref<100000x64xi32, #tpu.memory_space<hbm>>) target(%dma_start3A_57 : memref<100x64xi32, #tpu.memory_space<vmem>>) offsets(%dma_start3A_60 : memref<100xi32, #tpu.memory_space<vmem>>) semaphore(%arg12 : memref<!tpu.dma_semaphore, #tpu.memory_space<semaphore_mem>>)
    %dma_start3A_64 = arith.constant 5 : i32
    %dma_start3A_65 = arith.constant 5 : i32
    %dma_start3A_66 = arith.constant 0 : i32
    %dma_start3A_67 = arith.constant 0 : i32
    %dma_start3A_68 = tpu.memref_slice %arg6[%dma_start3A_65, %dma_start3A_66, %dma_start3A_67] : memref<8x100x64xi32, #tpu.memory_space<vmem>> -> memref<1x100x64xi32, #tpu.memory_space<vmem>>
    %dma_start3A_69 = tpu.memref_squeeze %dma_start3A_68 : memref<1x100x64xi32, #tpu.memory_space<vmem>> -> memref<100x64xi32, #tpu.memory_space<vmem>>
    %dma_start3A_70 = arith.constant 0 : i32
    %dma_start3A_71 = tpu.memref_slice %arg5[%dma_start3A_64, %dma_start3A_70] : memref<256x100xi32, #tpu.memory_space<vmem>> -> memref<1x100xi32, #tpu.memory_space<vmem>>
    %dma_start3A_72 = tpu.memref_squeeze %dma_start3A_71 : memref<1x100xi32, #tpu.memory_space<vmem>> -> memref<100xi32, #tpu.memory_space<vmem>>
    %dma_start3A_73 = arith.constant 0 : i32
    %dma_start3A_74 = arith.constant 0 : i32
    %dma_start3A_75 = tpu.memref_slice %arg3[%dma_start3A_73, %dma_start3A_74] : memref<100000x64xi32, #tpu.memory_space<hbm>> -> memref<100000x64xi32, #tpu.memory_space<hbm>>
    tpu.enqueue_indirect_dma source(%dma_start3A_75 : memref<100000x64xi32, #tpu.memory_space<hbm>>) target(%dma_start3A_69 : memref<100x64xi32, #tpu.memory_space<vmem>>) offsets(%dma_start3A_72 : memref<100xi32, #tpu.memory_space<vmem>>) semaphore(%arg13 : memref<!tpu.dma_semaphore, #tpu.memory_space<semaphore_mem>>)
    %dma_start3A_76 = arith.constant 6 : i32
    %dma_start3A_77 = arith.constant 6 : i32
    %dma_start3A_78 = arith.constant 0 : i32
    %dma_start3A_79 = arith.constant 0 : i32
    %dma_start3A_80 = tpu.memref_slice %arg6[%dma_start3A_77, %dma_start3A_78, %dma_start3A_79] : memref<8x100x64xi32, #tpu.memory_space<vmem>> -> memref<1x100x64xi32, #tpu.memory_space<vmem>>
    %dma_start3A_81 = tpu.memref_squeeze %dma_start3A_80 : memref<1x100x64xi32, #tpu.memory_space<vmem>> -> memref<100x64xi32, #tpu.memory_space<vmem>>
    %dma_start3A_82 = arith.constant 0 : i32
    %dma_start3A_83 = tpu.memref_slice %arg5[%dma_start3A_76, %dma_start3A_82] : memref<256x100xi32, #tpu.memory_space<vmem>> -> memref<1x100xi32, #tpu.memory_space<vmem>>
    %dma_start3A_84 = tpu.memref_squeeze %dma_start3A_83 : memref<1x100xi32, #tpu.memory_space<vmem>> -> memref<100xi32, #tpu.memory_space<vmem>>
    %dma_start3A_85 = arith.constant 0 : i32
    %dma_start3A_86 = arith.constant 0 : i32
    %dma_start3A_87 = tpu.memref_slice %arg3[%dma_start3A_85, %dma_start3A_86] : memref<100000x64xi32, #tpu.memory_space<hbm>> -> memref<100000x64xi32, #tpu.memory_space<hbm>>
    tpu.enqueue_indirect_dma source(%dma_start3A_87 : memref<100000x64xi32, #tpu.memory_space<hbm>>) target(%dma_start3A_81 : memref<100x64xi32, #tpu.memory_space<vmem>>) offsets(%dma_start3A_84 : memref<100xi32, #tpu.memory_space<vmem>>) semaphore(%arg14 : memref<!tpu.dma_semaphore, #tpu.memory_space<semaphore_mem>>)
    %scan3A = arith.constant 0 : i32
    %scan3A_88 = arith.constant 5.000000e-03 : f32
    %scan3A_89 = arith.constant 0 : i32
    %scan3A_90 = arith.constant 32 : i32
    %scan3A_91 = arith.addi %scan3A_89, %scan3A_90 : i32
    %scan3A_92 = arith.constant 1 : i32
    scf.for %scan3A_94 = %scan3A_89 to %scan3A_91 step %scan3A_92  : i32 {
      %mul3A_95 = arith.constant 8 : i32
      %mul3A_96 = arith.muli %mul3A_95, %scan3A_94 : i32
      %add3A_97 = arith.constant 0 : i32
      %add3A_98 = arith.addi %mul3A_96, %add3A_97 : i32
      %add3A_99 = arith.constant 7 : i32
      %add3A_100 = arith.addi %add3A_98, %add3A_99 : i32
      %lt3A = arith.constant 256 : i32
      %lt3A_101 = arith.cmpi slt, %add3A_100, %lt3A : i32
      %convert_element_type3A = arith.extui %lt3A_101 : i1 to i32
      %cond3A = arith.constant 0 : i32
      %cond3A_102 = arith.cmpi ne, %convert_element_type3A, %cond3A : i32
      scf.if %cond3A_102 {
        %dma_start3A_890 = arith.constant 7 : i32
        %dma_start3A_891 = arith.constant 0 : i32
        %dma_start3A_892 = arith.constant 0 : i32
        %dma_start3A_893 = tpu.memref_slice %arg6[%dma_start3A_890, %dma_start3A_891, %dma_start3A_892] : memref<8x100x64xi32, #tpu.memory_space<vmem>> -> memref<1x100x64xi32, #tpu.memory_space<vmem>>
        %dma_start3A_894 = tpu.memref_squeeze %dma_start3A_893 : memref<1x100x64xi32, #tpu.memory_space<vmem>> -> memref<100x64xi32, #tpu.memory_space<vmem>>
        %dma_start3A_895 = arith.constant 0 : i32
        %dma_start3A_896 = tpu.memref_slice %arg5[%add3A_100, %dma_start3A_895] : memref<256x100xi32, #tpu.memory_space<vmem>> -> memref<1x100xi32, #tpu.memory_space<vmem>>
        %dma_start3A_897 = tpu.memref_squeeze %dma_start3A_896 : memref<1x100xi32, #tpu.memory_space<vmem>> -> memref<100xi32, #tpu.memory_space<vmem>>
        %dma_start3A_898 = arith.constant 0 : i32
        %dma_start3A_899 = arith.constant 0 : i32
        %dma_start3A_900 = tpu.memref_slice %arg3[%dma_start3A_898, %dma_start3A_899] : memref<100000x64xi32, #tpu.memory_space<hbm>> -> memref<100000x64xi32, #tpu.memory_space<hbm>>
        tpu.enqueue_indirect_dma source(%dma_start3A_900 : memref<100000x64xi32, #tpu.memory_space<hbm>>) target(%dma_start3A_894 : memref<100x64xi32, #tpu.memory_space<vmem>>) offsets(%dma_start3A_897 : memref<100xi32, #tpu.memory_space<vmem>>) semaphore(%arg15 : memref<!tpu.dma_semaphore, #tpu.memory_space<semaphore_mem>>)
      } else {
      }
      %dma_wait3A = arith.constant 0 : i32
      %dma_wait3A_103 = arith.constant 0 : i32
      %dma_wait3A_104 = arith.constant 0 : i32
      %dma_wait3A_105 = tpu.memref_slice %arg6[%dma_wait3A, %dma_wait3A_103, %dma_wait3A_104] : memref<8x100x64xi32, #tpu.memory_space<vmem>> -> memref<1x100x64xi32, #tpu.memory_space<vmem>>
      %dma_wait3A_106 = tpu.memref_squeeze %dma_wait3A_105 : memref<1x100x64xi32, #tpu.memory_space<vmem>> -> memref<100x64xi32, #tpu.memory_space<vmem>>
      %dma_wait3A_107 = arith.constant 0 : i32
      %dma_wait3A_108 = tpu.memref_slice %arg5[%add3A_98, %dma_wait3A_107] : memref<256x100xi32, #tpu.memory_space<vmem>> -> memref<1x100xi32, #tpu.memory_space<vmem>>
      %dma_wait3A_109 = tpu.memref_squeeze %dma_wait3A_108 : memref<1x100xi32, #tpu.memory_space<vmem>> -> memref<100xi32, #tpu.memory_space<vmem>>
      %dma_wait3A_110 = arith.constant 0 : i32
      %dma_wait3A_111 = arith.constant 0 : i32
      %dma_wait3A_112 = tpu.memref_slice %arg3[%dma_wait3A_110, %dma_wait3A_111] : memref<100000x64xi32, #tpu.memory_space<hbm>> -> memref<100000x64xi32, #tpu.memory_space<hbm>>
      tpu.wait_indirect_dma semaphore(%arg8 : memref<!tpu.dma_semaphore, #tpu.memory_space<semaphore_mem>>) src(%dma_wait3A_112 : memref<100000x64xi32, #tpu.memory_space<hbm>>) dst(%dma_wait3A_106 : memref<100x64xi32, #tpu.memory_space<vmem>>)
      %broadcast_in_dim3A = arith.constant 0.000000e+00 : f32
      %broadcast_in_dim3A_113 = vector.broadcast %broadcast_in_dim3A : f32 to vector<16xf32>
      %broadcast_in_dim3A_114 = arith.constant 0.000000e+00 : f32
      %broadcast_in_dim3A_115 = vector.broadcast %broadcast_in_dim3A_114 : f32 to vector<16xf32>
      %broadcast_in_dim3A_116 = arith.constant 0.000000e+00 : f32
      %broadcast_in_dim3A_117 = vector.broadcast %broadcast_in_dim3A_116 : f32 to vector<16xf32>
      %broadcast_in_dim3A_118 = arith.constant 0.000000e+00 : f32
      %broadcast_in_dim3A_119 = vector.broadcast %broadcast_in_dim3A_118 : f32 to vector<16xf32>
      %broadcast_in_dim3A_120 = arith.constant 0.000000e+00 : f32
      %broadcast_in_dim3A_121 = vector.broadcast %broadcast_in_dim3A_120 : f32 to vector<16xf32>
      %broadcast_in_dim3A_122 = arith.constant 0.000000e+00 : f32
      %broadcast_in_dim3A_123 = vector.broadcast %broadcast_in_dim3A_122 : f32 to vector<16xf32>
      %broadcast_in_dim3A_124 = arith.constant 0.000000e+00 : f32
      %broadcast_in_dim3A_125 = vector.broadcast %broadcast_in_dim3A_124 : f32 to vector<16xf32>
      %broadcast_in_dim3A_126 = arith.constant 0.000000e+00 : f32
      %broadcast_in_dim3A_127 = vector.broadcast %broadcast_in_dim3A_126 : f32 to vector<16xf32>
      %scan3A_128 = arith.constant 0 : i32
      %scan3A_129 = arith.constant 100 : i32
      %scan3A_130 = arith.addi %scan3A_128, %scan3A_129 : i32
      %scan3A_131 = arith.constant 2 : i32
      %scan3A_132:8 = scf.for %scan3A_890 = %scan3A_128 to %scan3A_130 step %scan3A_131 iter_args(%scan3A_891 = %broadcast_in_dim3A_113, %scan3A_892 = %broadcast_in_dim3A_115, %scan3A_893 = %broadcast_in_dim3A_117, %scan3A_894 = %broadcast_in_dim3A_119, %scan3A_895 = %broadcast_in_dim3A_121, %scan3A_896 = %broadcast_in_dim3A_123, %scan3A_897 = %broadcast_in_dim3A_125, %scan3A_898 = %broadcast_in_dim3A_127) -> (vector<16xf32>, vector<16xf32>, vector<16xf32>, vector<16xf32>, vector<16xf32>, vector<16xf32>, vector<16xf32>, vector<16xf32>)  : i32 {
        %get3A = arith.constant 0 : i32
        %get3A_899 = arith.index_cast %get3A : i32 to index
        %get3A_900 = arith.index_cast %scan3A_890 : i32 to index
        %get3A_901 = arith.constant 0 : index
        %get3A_902 = tpu.vector_load %arg6[%get3A_899, %get3A_900, %get3A_901] {strides = array<i32>} : memref<8x100x64xi32, #tpu.memory_space<vmem>>, vector<1x1x16xi32>,
        %get3A_903 = vector.shape_cast %get3A_902 : vector<1x1x16xi32> to vector<16xi32>
        %shift_left3A = arith.constant 16 : i32
        %shift_left3A_904 = vector.broadcast %shift_left3A : i32 to vector<16xi32>
        %shift_left3A_905 = arith.shli %get3A_903, %shift_left3A_904 : vector<16xi32>
        %bitcast_convert_type3A = tpu.bitcast %shift_left3A_905 : vector<16xi32> -> vector<16xf32>
        %bitcast_convert_type3A_906 = tpu.bitcast %get3A_903 : vector<16xi32> -> vector<16xf32>
        %add3A_907 = arith.addf %scan3A_891, %bitcast_convert_type3A : vector<16xf32>
        %add3A_908 = arith.addf %scan3A_895, %bitcast_convert_type3A_906 : vector<16xf32>
        %get3A_909 = arith.constant 0 : i32
        %get3A_910 = arith.index_cast %get3A_909 : i32 to index
        %get3A_911 = arith.index_cast %scan3A_890 : i32 to index
        %get3A_912 = arith.constant 16 : index
        %get3A_913 = tpu.vector_load %arg6[%get3A_910, %get3A_911, %get3A_912] {strides = array<i32>} : memref<8x100x64xi32, #tpu.memory_space<vmem>>, vector<1x1x16xi32>,
        %get3A_914 = vector.shape_cast %get3A_913 : vector<1x1x16xi32> to vector<16xi32>
        %shift_left3A_915 = arith.constant 16 : i32
        %shift_left3A_916 = vector.broadcast %shift_left3A_915 : i32 to vector<16xi32>
        %shift_left3A_917 = arith.shli %get3A_914, %shift_left3A_916 : vector<16xi32>
        %bitcast_convert_type3A_918 = tpu.bitcast %shift_left3A_917 : vector<16xi32> -> vector<16xf32>
        %bitcast_convert_type3A_919 = tpu.bitcast %get3A_914 : vector<16xi32> -> vector<16xf32>
        %add3A_920 = arith.addf %scan3A_892, %bitcast_convert_type3A_918 : vector<16xf32>
        %add3A_921 = arith.addf %scan3A_896, %bitcast_convert_type3A_919 : vector<16xf32>
        %get3A_922 = arith.constant 0 : i32
        %get3A_923 = arith.index_cast %get3A_922 : i32 to index
        %get3A_924 = arith.index_cast %scan3A_890 : i32 to index
        %get3A_925 = arith.constant 32 : index
        %get3A_926 = tpu.vector_load %arg6[%get3A_923, %get3A_924, %get3A_925] {strides = array<i32>} : memref<8x100x64xi32, #tpu.memory_space<vmem>>, vector<1x1x16xi32>,
        %get3A_927 = vector.shape_cast %get3A_926 : vector<1x1x16xi32> to vector<16xi32>
        %shift_left3A_928 = arith.constant 16 : i32
        %shift_left3A_929 = vector.broadcast %shift_left3A_928 : i32 to vector<16xi32>
        %shift_left3A_930 = arith.shli %get3A_927, %shift_left3A_929 : vector<16xi32>
        %bitcast_convert_type3A_931 = tpu.bitcast %shift_left3A_930 : vector<16xi32> -> vector<16xf32>
        %bitcast_convert_type3A_932 = tpu.bitcast %get3A_927 : vector<16xi32> -> vector<16xf32>
        %add3A_933 = arith.addf %scan3A_893, %bitcast_convert_type3A_931 : vector<16xf32>
        %add3A_934 = arith.addf %scan3A_897, %bitcast_convert_type3A_932 : vector<16xf32>
        %get3A_935 = arith.constant 0 : i32
        %get3A_936 = arith.index_cast %get3A_935 : i32 to index
        %get3A_937 = arith.index_cast %scan3A_890 : i32 to index
        %get3A_938 = arith.constant 48 : index
        %get3A_939 = tpu.vector_load %arg6[%get3A_936, %get3A_937, %get3A_938] {strides = array<i32>} : memref<8x100x64xi32, #tpu.memory_space<vmem>>, vector<1x1x16xi32>,
        %get3A_940 = vector.shape_cast %get3A_939 : vector<1x1x16xi32> to vector<16xi32>
        %shift_left3A_941 = arith.constant 16 : i32
        %shift_left3A_942 = vector.broadcast %shift_left3A_941 : i32 to vector<16xi32>
        %shift_left3A_943 = arith.shli %get3A_940, %shift_left3A_942 : vector<16xi32>
        %bitcast_convert_type3A_944 = tpu.bitcast %shift_left3A_943 : vector<16xi32> -> vector<16xf32>
        %bitcast_convert_type3A_945 = tpu.bitcast %get3A_940 : vector<16xi32> -> vector<16xf32>
        %add3A_946 = arith.addf %scan3A_894, %bitcast_convert_type3A_944 : vector<16xf32>
        %add3A_947 = arith.addf %scan3A_898, %bitcast_convert_type3A_945 : vector<16xf32>
        %scan3A_948 = arith.constant 1 : i32
        %scan3A_949 = arith.addi %scan3A_890, %scan3A_948 : i32
        %get3A_950 = arith.constant 0 : i32
        %get3A_951 = arith.index_cast %get3A_950 : i32 to index
        %get3A_952 = arith.index_cast %scan3A_949 : i32 to index
        %get3A_953 = arith.constant 0 : index
        %get3A_954 = tpu.vector_load %arg6[%get3A_951, %get3A_952, %get3A_953] {strides = array<i32>} : memref<8x100x64xi32, #tpu.memory_space<vmem>>, vector<1x1x16xi32>,
        %get3A_955 = vector.shape_cast %get3A_954 : vector<1x1x16xi32> to vector<16xi32>
        %shift_left3A_956 = arith.constant 16 : i32
        %shift_left3A_957 = vector.broadcast %shift_left3A_956 : i32 to vector<16xi32>
        %shift_left3A_958 = arith.shli %get3A_955, %shift_left3A_957 : vector<16xi32>
        %bitcast_convert_type3A_959 = tpu.bitcast %shift_left3A_958 : vector<16xi32> -> vector<16xf32>
        %bitcast_convert_type3A_960 = tpu.bitcast %get3A_955 : vector<16xi32> -> vector<16xf32>
        %add3A_961 = arith.addf %add3A_907, %bitcast_convert_type3A_959 : vector<16xf32>
        %add3A_962 = arith.addf %add3A_908, %bitcast_convert_type3A_960 : vector<16xf32>
        %get3A_963 = arith.constant 0 : i32
        %get3A_964 = arith.index_cast %get3A_963 : i32 to index
        %get3A_965 = arith.index_cast %scan3A_949 : i32 to index
        %get3A_966 = arith.constant 16 : index
        %get3A_967 = tpu.vector_load %arg6[%get3A_964, %get3A_965, %get3A_966] {strides = array<i32>} : memref<8x100x64xi32, #tpu.memory_space<vmem>>, vector<1x1x16xi32>,
        %get3A_968 = vector.shape_cast %get3A_967 : vector<1x1x16xi32> to vector<16xi32>
        %shift_left3A_969 = arith.constant 16 : i32
        %shift_left3A_970 = vector.broadcast %shift_left3A_969 : i32 to vector<16xi32>
        %shift_left3A_971 = arith.shli %get3A_968, %shift_left3A_970 : vector<16xi32>
        %bitcast_convert_type3A_972 = tpu.bitcast %shift_left3A_971 : vector<16xi32> -> vector<16xf32>
        %bitcast_convert_type3A_973 = tpu.bitcast %get3A_968 : vector<16xi32> -> vector<16xf32>
        %add3A_974 = arith.addf %add3A_920, %bitcast_convert_type3A_972 : vector<16xf32>
        %add3A_975 = arith.addf %add3A_921, %bitcast_convert_type3A_973 : vector<16xf32>
        %get3A_976 = arith.constant 0 : i32
        %get3A_977 = arith.index_cast %get3A_976 : i32 to index
        %get3A_978 = arith.index_cast %scan3A_949 : i32 to index
        %get3A_979 = arith.constant 32 : index
        %get3A_980 = tpu.vector_load %arg6[%get3A_977, %get3A_978, %get3A_979] {strides = array<i32>} : memref<8x100x64xi32, #tpu.memory_space<vmem>>, vector<1x1x16xi32>,
        %get3A_981 = vector.shape_cast %get3A_980 : vector<1x1x16xi32> to vector<16xi32>
        %shift_left3A_982 = arith.constant 16 : i32
        %shift_left3A_983 = vector.broadcast %shift_left3A_982 : i32 to vector<16xi32>
        %shift_left3A_984 = arith.shli %get3A_981, %shift_left3A_983 : vector<16xi32>
        %bitcast_convert_type3A_985 = tpu.bitcast %shift_left3A_984 : vector<16xi32> -> vector<16xf32>
        %bitcast_convert_type3A_986 = tpu.bitcast %get3A_981 : vector<16xi32> -> vector<16xf32>
        %add3A_987 = arith.addf %add3A_933, %bitcast_convert_type3A_985 : vector<16xf32>
        %add3A_988 = arith.addf %add3A_934, %bitcast_convert_type3A_986 : vector<16xf32>
        %get3A_989 = arith.constant 0 : i32
        %get3A_990 = arith.index_cast %get3A_989 : i32 to index
        %get3A_991 = arith.index_cast %scan3A_949 : i32 to index
        %get3A_992 = arith.constant 48 : index
        %get3A_993 = tpu.vector_load %arg6[%get3A_990, %get3A_991, %get3A_992] {strides = array<i32>} : memref<8x100x64xi32, #tpu.memory_space<vmem>>, vector<1x1x16xi32>,
        %get3A_994 = vector.shape_cast %get3A_993 : vector<1x1x16xi32> to vector<16xi32>
        %shift_left3A_995 = arith.constant 16 : i32
        %shift_left3A_996 = vector.broadcast %shift_left3A_995 : i32 to vector<16xi32>
        %shift_left3A_997 = arith.shli %get3A_994, %shift_left3A_996 : vector<16xi32>
        %bitcast_convert_type3A_998 = tpu.bitcast %shift_left3A_997 : vector<16xi32> -> vector<16xf32>
        %bitcast_convert_type3A_999 = tpu.bitcast %get3A_994 : vector<16xi32> -> vector<16xf32>
        %add3A_1000 = arith.addf %add3A_946, %bitcast_convert_type3A_998 : vector<16xf32>
        %add3A_1001 = arith.addf %add3A_947, %bitcast_convert_type3A_999 : vector<16xf32>
        scf.yield %add3A_961, %add3A_974, %add3A_987, %add3A_1000, %add3A_962, %add3A_975, %add3A_988, %add3A_1001 : vector<16xf32>, vector<16xf32>, vector<16xf32>, vector<16xf32>, vector<16xf32>, vector<16xf32>, vector<16xf32>, vector<16xf32>
      }
      %scan3A_133 = arith.constant 100 : i32
      %shift_right_arithmetic3A = arith.constant 1 : i32
      %shift_right_arithmetic3A_134 = arith.shrsi %add3A_98, %shift_right_arithmetic3A : i32
      %mul3A_135 = vector.broadcast %scan3A_88 : f32 to vector<16xf32>
      %mul3A_136 = arith.mulf %scan3A_132#0, %mul3A_135 : vector<16xf32>
      %swap3A = arith.index_cast %shift_right_arithmetic3A_134 : i32 to index
      %swap3A_137 = arith.constant 0 : index
      %swap3A_138 = tpu.vector_load %arg7[%swap3A, %swap3A_137] {strides = array<i32>} : memref<128x128xf32, #tpu.memory_space<vmem>>, vector<1x16xf32>,
      %swap3A_139 = vector.shape_cast %swap3A_138 : vector<1x16xf32> to vector<16xf32>
      %swap3A_140 = vector.shape_cast %mul3A_136 : vector<16xf32> to vector<1x16xf32>
      tpu.vector_store %arg7[%swap3A, %swap3A_137], %swap3A_140 {strides = array<i32>} : memref<128x128xf32, #tpu.memory_space<vmem>>, vector<1x16xf32>,
      %mul3A_141 = vector.broadcast %scan3A_88 : f32 to vector<16xf32>
      %mul3A_142 = arith.mulf %scan3A_132#1, %mul3A_141 : vector<16xf32>
      %swap3A_143 = arith.index_cast %shift_right_arithmetic3A_134 : i32 to index
      %swap3A_144 = arith.constant 16 : index
      %swap3A_145 = tpu.vector_load %arg7[%swap3A_143, %swap3A_144] {strides = array<i32>} : memref<128x128xf32, #tpu.memory_space<vmem>>, vector<1x16xf32>,
      %swap3A_146 = vector.shape_cast %swap3A_145 : vector<1x16xf32> to vector<16xf32>
      %swap3A_147 = vector.shape_cast %mul3A_142 : vector<16xf32> to vector<1x16xf32>
      tpu.vector_store %arg7[%swap3A_143, %swap3A_144], %swap3A_147 {strides = array<i32>} : memref<128x128xf32, #tpu.memory_space<vmem>>, vector<1x16xf32>,
      %mul3A_148 = vector.broadcast %scan3A_88 : f32 to vector<16xf32>
      %mul3A_149 = arith.mulf %scan3A_132#2, %mul3A_148 : vector<16xf32>
      %swap3A_150 = arith.index_cast %shift_right_arithmetic3A_134 : i32 to index
      %swap3A_151 = arith.constant 32 : index
      %swap3A_152 = tpu.vector_load %arg7[%swap3A_150, %swap3A_151] {strides = array<i32>} : memref<128x128xf32, #tpu.memory_space<vmem>>, vector<1x16xf32>,
      %swap3A_153 = vector.shape_cast %swap3A_152 : vector<1x16xf32> to vector<16xf32>
      %swap3A_154 = vector.shape_cast %mul3A_149 : vector<16xf32> to vector<1x16xf32>
      tpu.vector_store %arg7[%swap3A_150, %swap3A_151], %swap3A_154 {strides = array<i32>} : memref<128x128xf32, #tpu.memory_space<vmem>>, vector<1x16xf32>,
      %mul3A_155 = vector.broadcast %scan3A_88 : f32 to vector<16xf32>
      %mul3A_156 = arith.mulf %scan3A_132#3, %mul3A_155 : vector<16xf32>
      %swap3A_157 = arith.index_cast %shift_right_arithmetic3A_134 : i32 to index
      %swap3A_158 = arith.constant 48 : index
      %swap3A_159 = tpu.vector_load %arg7[%swap3A_157, %swap3A_158] {strides = array<i32>} : memref<128x128xf32, #tpu.memory_space<vmem>>, vector<1x16xf32>,
      %swap3A_160 = vector.shape_cast %swap3A_159 : vector<1x16xf32> to vector<16xf32>
      %swap3A_161 = vector.shape_cast %mul3A_156 : vector<16xf32> to vector<1x16xf32>
      tpu.vector_store %arg7[%swap3A_157, %swap3A_158], %swap3A_161 {strides = array<i32>} : memref<128x128xf32, #tpu.memory_space<vmem>>, vector<1x16xf32>,
      %mul3A_162 = vector.broadcast %scan3A_88 : f32 to vector<16xf32>
      %mul3A_163 = arith.mulf %scan3A_132#4, %mul3A_162 : vector<16xf32>
      %swap3A_164 = arith.index_cast %shift_right_arithmetic3A_134 : i32 to index
      %swap3A_165 = arith.constant 64 : index
      %swap3A_166 = tpu.vector_load %arg7[%swap3A_164, %swap3A_165] {strides = array<i32>} : memref<128x128xf32, #tpu.memory_space<vmem>>, vector<1x16xf32>,
      %swap3A_167 = vector.shape_cast %swap3A_166 : vector<1x16xf32> to vector<16xf32>
      %swap3A_168 = vector.shape_cast %mul3A_163 : vector<16xf32> to vector<1x16xf32>
      tpu.vector_store %arg7[%swap3A_164, %swap3A_165], %swap3A_168 {strides = array<i32>} : memref<128x128xf32, #tpu.memory_space<vmem>>, vector<1x16xf32>,
      %mul3A_169 = vector.broadcast %scan3A_88 : f32 to vector<16xf32>
      %mul3A_170 = arith.mulf %scan3A_132#5, %mul3A_169 : vector<16xf32>
      %swap3A_171 = arith.index_cast %shift_right_arithmetic3A_134 : i32 to index
      %swap3A_172 = arith.constant 80 : index
      %swap3A_173 = tpu.vector_load %arg7[%swap3A_171, %swap3A_172] {strides = array<i32>} : memref<128x128xf32, #tpu.memory_space<vmem>>, vector<1x16xf32>,
      %swap3A_174 = vector.shape_cast %swap3A_173 : vector<1x16xf32> to vector<16xf32>
      %swap3A_175 = vector.shape_cast %mul3A_170 : vector<16xf32> to vector<1x16xf32>
      tpu.vector_store %arg7[%swap3A_171, %swap3A_172], %swap3A_175 {strides = array<i32>} : memref<128x128xf32, #tpu.memory_space<vmem>>, vector<1x16xf32>,
      %mul3A_176 = vector.broadcast %scan3A_88 : f32 to vector<16xf32>
      %mul3A_177 = arith.mulf %scan3A_132#6, %mul3A_176 : vector<16xf32>
      %swap3A_178 = arith.index_cast %shift_right_arithmetic3A_134 : i32 to index
      %swap3A_179 = arith.constant 96 : index
      %swap3A_180 = tpu.vector_load %arg7[%swap3A_178, %swap3A_179] {strides = array<i32>} : memref<128x128xf32, #tpu.memory_space<vmem>>, vector<1x16xf32>,
      %swap3A_181 = vector.shape_cast %swap3A_180 : vector<1x16xf32> to vector<16xf32>
      %swap3A_182 = vector.shape_cast %mul3A_177 : vector<16xf32> to vector<1x16xf32>
      tpu.vector_store %arg7[%swap3A_178, %swap3A_179], %swap3A_182 {strides = array<i32>} : memref<128x128xf32, #tpu.memory_space<vmem>>, vector<1x16xf32>,
      %mul3A_183 = vector.broadcast %scan3A_88 : f32 to vector<16xf32>
      %mul3A_184 = arith.mulf %scan3A_132#7, %mul3A_183 : vector<16xf32>
      %swap3A_185 = arith.index_cast %shift_right_arithmetic3A_134 : i32 to index
      %swap3A_186 = arith.constant 112 : index
      %swap3A_187 = tpu.vector_load %arg7[%swap3A_185, %swap3A_186] {strides = array<i32>} : memref<128x128xf32, #tpu.memory_space<vmem>>, vector<1x16xf32>,
      %swap3A_188 = vector.shape_cast %swap3A_187 : vector<1x16xf32> to vector<16xf32>
      %swap3A_189 = vector.shape_cast %mul3A_184 : vector<16xf32> to vector<1x16xf32>
      tpu.vector_store %arg7[%swap3A_185, %swap3A_186], %swap3A_189 {strides = array<i32>} : memref<128x128xf32, #tpu.memory_space<vmem>>, vector<1x16xf32>,
      %add3A_190 = arith.constant 1 : i32
      %add3A_191 = arith.addi %mul3A_96, %add3A_190 : i32
      %add3A_192 = arith.constant 7 : i32
      %add3A_193 = arith.addi %add3A_191, %add3A_192 : i32
      %lt3A_194 = arith.constant 256 : i32
      %lt3A_195 = arith.cmpi slt, %add3A_193, %lt3A_194 : i32
      %convert_element_type3A_196 = arith.extui %lt3A_195 : i1 to i32
      %cond3A_197 = arith.constant 0 : i32
      %cond3A_198 = arith.cmpi ne, %convert_element_type3A_196, %cond3A_197 : i32
      scf.if %cond3A_198 {
        %dma_start3A_890 = arith.constant 0 : i32
        %dma_start3A_891 = arith.constant 0 : i32
        %dma_start3A_892 = arith.constant 0 : i32
        %dma_start3A_893 = tpu.memref_slice %arg6[%dma_start3A_890, %dma_start3A_891, %dma_start3A_892] : memref<8x100x64xi32, #tpu.memory_space<vmem>> -> memref<1x100x64xi32, #tpu.memory_space<vmem>>
        %dma_start3A_894 = tpu.memref_squeeze %dma_start3A_893 : memref<1x100x64xi32, #tpu.memory_space<vmem>> -> memref<100x64xi32, #tpu.memory_space<vmem>>
        %dma_start3A_895 = arith.constant 0 : i32
        %dma_start3A_896 = tpu.memref_slice %arg5[%add3A_193, %dma_start3A_895] : memref<256x100xi32, #tpu.memory_space<vmem>> -> memref<1x100xi32, #tpu.memory_space<vmem>>
        %dma_start3A_897 = tpu.memref_squeeze %dma_start3A_896 : memref<1x100xi32, #tpu.memory_space<vmem>> -> memref<100xi32, #tpu.memory_space<vmem>>
        %dma_start3A_898 = arith.constant 0 : i32
        %dma_start3A_899 = arith.constant 0 : i32
        %dma_start3A_900 = tpu.memref_slice %arg3[%dma_start3A_898, %dma_start3A_899] : memref<100000x64xi32, #tpu.memory_space<hbm>> -> memref<100000x64xi32, #tpu.memory_space<hbm>>
        tpu.enqueue_indirect_dma source(%dma_start3A_900 : memref<100000x64xi32, #tpu.memory_space<hbm>>) target(%dma_start3A_894 : memref<100x64xi32, #tpu.memory_space<vmem>>) offsets(%dma_start3A_897 : memref<100xi32, #tpu.memory_space<vmem>>) semaphore(%arg8 : memref<!tpu.dma_semaphore, #tpu.memory_space<semaphore_mem>>)
      } else {
      }
      %dma_wait3A_199 = arith.constant 1 : i32
      %dma_wait3A_200 = arith.constant 0 : i32
      %dma_wait3A_201 = arith.constant 0 : i32
      %dma_wait3A_202 = tpu.memref_slice %arg6[%dma_wait3A_199, %dma_wait3A_200, %dma_wait3A_201] : memref<8x100x64xi32, #tpu.memory_space<vmem>> -> memref<1x100x64xi32, #tpu.memory_space<vmem>>
      %dma_wait3A_203 = tpu.memref_squeeze %dma_wait3A_202 : memref<1x100x64xi32, #tpu.memory_space<vmem>> -> memref<100x64xi32, #tpu.memory_space<vmem>>
      %dma_wait3A_204 = arith.constant 0 : i32
      %dma_wait3A_205 = tpu.memref_slice %arg5[%add3A_191, %dma_wait3A_204] : memref<256x100xi32, #tpu.memory_space<vmem>> -> memref<1x100xi32, #tpu.memory_space<vmem>>
      %dma_wait3A_206 = tpu.memref_squeeze %dma_wait3A_205 : memref<1x100xi32, #tpu.memory_space<vmem>> -> memref<100xi32, #tpu.memory_space<vmem>>
      %dma_wait3A_207 = arith.constant 0 : i32
      %dma_wait3A_208 = arith.constant 0 : i32
      %dma_wait3A_209 = tpu.memref_slice %arg3[%dma_wait3A_207, %dma_wait3A_208] : memref<100000x64xi32, #tpu.memory_space<hbm>> -> memref<100000x64xi32, #tpu.memory_space<hbm>>
      tpu.wait_indirect_dma semaphore(%arg9 : memref<!tpu.dma_semaphore, #tpu.memory_space<semaphore_mem>>) src(%dma_wait3A_209 : memref<100000x64xi32, #tpu.memory_space<hbm>>) dst(%dma_wait3A_203 : memref<100x64xi32, #tpu.memory_space<vmem>>)
      %broadcast_in_dim3A_210 = arith.constant 0.000000e+00 : f32
      %broadcast_in_dim3A_211 = vector.broadcast %broadcast_in_dim3A_210 : f32 to vector<16xf32>
      %broadcast_in_dim3A_212 = arith.constant 0.000000e+00 : f32
      %broadcast_in_dim3A_213 = vector.broadcast %broadcast_in_dim3A_212 : f32 to vector<16xf32>
      %broadcast_in_dim3A_214 = arith.constant 0.000000e+00 : f32
      %broadcast_in_dim3A_215 = vector.broadcast %broadcast_in_dim3A_214 : f32 to vector<16xf32>
      %broadcast_in_dim3A_216 = arith.constant 0.000000e+00 : f32
      %broadcast_in_dim3A_217 = vector.broadcast %broadcast_in_dim3A_216 : f32 to vector<16xf32>
      %broadcast_in_dim3A_218 = arith.constant 0.000000e+00 : f32
      %broadcast_in_dim3A_219 = vector.broadcast %broadcast_in_dim3A_218 : f32 to vector<16xf32>
      %broadcast_in_dim3A_220 = arith.constant 0.000000e+00 : f32
      %broadcast_in_dim3A_221 = vector.broadcast %broadcast_in_dim3A_220 : f32 to vector<16xf32>
      %broadcast_in_dim3A_222 = arith.constant 0.000000e+00 : f32
      %broadcast_in_dim3A_223 = vector.broadcast %broadcast_in_dim3A_222 : f32 to vector<16xf32>
      %broadcast_in_dim3A_224 = arith.constant 0.000000e+00 : f32
      %broadcast_in_dim3A_225 = vector.broadcast %broadcast_in_dim3A_224 : f32 to vector<16xf32>
      %scan3A_226 = arith.constant 0 : i32
      %scan3A_227 = arith.constant 100 : i32
      %scan3A_228 = arith.addi %scan3A_226, %scan3A_227 : i32
      %scan3A_229 = arith.constant 2 : i32
      %scan3A_230:8 = scf.for %scan3A_890 = %scan3A_226 to %scan3A_228 step %scan3A_229 iter_args(%scan3A_891 = %broadcast_in_dim3A_211, %scan3A_892 = %broadcast_in_dim3A_213, %scan3A_893 = %broadcast_in_dim3A_215, %scan3A_894 = %broadcast_in_dim3A_217, %scan3A_895 = %broadcast_in_dim3A_219, %scan3A_896 = %broadcast_in_dim3A_221, %scan3A_897 = %broadcast_in_dim3A_223, %scan3A_898 = %broadcast_in_dim3A_225) -> (vector<16xf32>, vector<16xf32>, vector<16xf32>, vector<16xf32>, vector<16xf32>, vector<16xf32>, vector<16xf32>, vector<16xf32>)  : i32 {
        %get3A = arith.constant 1 : i32
        %get3A_899 = arith.index_cast %get3A : i32 to index
        %get3A_900 = arith.index_cast %scan3A_890 : i32 to index
        %get3A_901 = arith.constant 0 : index
        %get3A_902 = tpu.vector_load %arg6[%get3A_899, %get3A_900, %get3A_901] {strides = array<i32>} : memref<8x100x64xi32, #tpu.memory_space<vmem>>, vector<1x1x16xi32>,
        %get3A_903 = vector.shape_cast %get3A_902 : vector<1x1x16xi32> to vector<16xi32>
        %shift_left3A = arith.constant 16 : i32
        %shift_left3A_904 = vector.broadcast %shift_left3A : i32 to vector<16xi32>
        %shift_left3A_905 = arith.shli %get3A_903, %shift_left3A_904 : vector<16xi32>
        %bitcast_convert_type3A = tpu.bitcast %shift_left3A_905 : vector<16xi32> -> vector<16xf32>
        %bitcast_convert_type3A_906 = tpu.bitcast %get3A_903 : vector<16xi32> -> vector<16xf32>
        %add3A_907 = arith.addf %scan3A_891, %bitcast_convert_type3A : vector<16xf32>
        %add3A_908 = arith.addf %scan3A_895, %bitcast_convert_type3A_906 : vector<16xf32>
        %get3A_909 = arith.constant 1 : i32
        %get3A_910 = arith.index_cast %get3A_909 : i32 to index
        %get3A_911 = arith.index_cast %scan3A_890 : i32 to index
        %get3A_912 = arith.constant 16 : index
        %get3A_913 = tpu.vector_load %arg6[%get3A_910, %get3A_911, %get3A_912] {strides = array<i32>} : memref<8x100x64xi32, #tpu.memory_space<vmem>>, vector<1x1x16xi32>,
        %get3A_914 = vector.shape_cast %get3A_913 : vector<1x1x16xi32> to vector<16xi32>
        %shift_left3A_915 = arith.constant 16 : i32
        %shift_left3A_916 = vector.broadcast %shift_left3A_915 : i32 to vector<16xi32>
        %shift_left3A_917 = arith.shli %get3A_914, %shift_left3A_916 : vector<16xi32>
        %bitcast_convert_type3A_918 = tpu.bitcast %shift_left3A_917 : vector<16xi32> -> vector<16xf32>
        %bitcast_convert_type3A_919 = tpu.bitcast %get3A_914 : vector<16xi32> -> vector<16xf32>
        %add3A_920 = arith.addf %scan3A_892, %bitcast_convert_type3A_918 : vector<16xf32>
        %add3A_921 = arith.addf %scan3A_896, %bitcast_convert_type3A_919 : vector<16xf32>
        %get3A_922 = arith.constant 1 : i32
        %get3A_923 = arith.index_cast %get3A_922 : i32 to index
        %get3A_924 = arith.index_cast %scan3A_890 : i32 to index
        %get3A_925 = arith.constant 32 : index
        %get3A_926 = tpu.vector_load %arg6[%get3A_923, %get3A_924, %get3A_925] {strides = array<i32>} : memref<8x100x64xi32, #tpu.memory_space<vmem>>, vector<1x1x16xi32>,
        %get3A_927 = vector.shape_cast %get3A_926 : vector<1x1x16xi32> to vector<16xi32>
        %shift_left3A_928 = arith.constant 16 : i32
        %shift_left3A_929 = vector.broadcast %shift_left3A_928 : i32 to vector<16xi32>
        %shift_left3A_930 = arith.shli %get3A_927, %shift_left3A_929 : vector<16xi32>
        %bitcast_convert_type3A_931 = tpu.bitcast %shift_left3A_930 : vector<16xi32> -> vector<16xf32>
        %bitcast_convert_type3A_932 = tpu.bitcast %get3A_927 : vector<16xi32> -> vector<16xf32>
        %add3A_933 = arith.addf %scan3A_893, %bitcast_convert_type3A_931 : vector<16xf32>
        %add3A_934 = arith.addf %scan3A_897, %bitcast_convert_type3A_932 : vector<16xf32>
        %get3A_935 = arith.constant 1 : i32
        %get3A_936 = arith.index_cast %get3A_935 : i32 to index
        %get3A_937 = arith.index_cast %scan3A_890 : i32 to index
        %get3A_938 = arith.constant 48 : index
        %get3A_939 = tpu.vector_load %arg6[%get3A_936, %get3A_937, %get3A_938] {strides = array<i32>} : memref<8x100x64xi32, #tpu.memory_space<vmem>>, vector<1x1x16xi32>,
        %get3A_940 = vector.shape_cast %get3A_939 : vector<1x1x16xi32> to vector<16xi32>
        %shift_left3A_941 = arith.constant 16 : i32
        %shift_left3A_942 = vector.broadcast %shift_left3A_941 : i32 to vector<16xi32>
        %shift_left3A_943 = arith.shli %get3A_940, %shift_left3A_942 : vector<16xi32>
        %bitcast_convert_type3A_944 = tpu.bitcast %shift_left3A_943 : vector<16xi32> -> vector<16xf32>
        %bitcast_convert_type3A_945 = tpu.bitcast %get3A_940 : vector<16xi32> -> vector<16xf32>
        %add3A_946 = arith.addf %scan3A_894, %bitcast_convert_type3A_944 : vector<16xf32>
        %add3A_947 = arith.addf %scan3A_898, %bitcast_convert_type3A_945 : vector<16xf32>
        %scan3A_948 = arith.constant 1 : i32
        %scan3A_949 = arith.addi %scan3A_890, %scan3A_948 : i32
        %get3A_950 = arith.constant 1 : i32
        %get3A_951 = arith.index_cast %get3A_950 : i32 to index
        %get3A_952 = arith.index_cast %scan3A_949 : i32 to index
        %get3A_953 = arith.constant 0 : index
        %get3A_954 = tpu.vector_load %arg6[%get3A_951, %get3A_952, %get3A_953] {strides = array<i32>} : memref<8x100x64xi32, #tpu.memory_space<vmem>>, vector<1x1x16xi32>,
        %get3A_955 = vector.shape_cast %get3A_954 : vector<1x1x16xi32> to vector<16xi32>
        %shift_left3A_956 = arith.constant 16 : i32
        %shift_left3A_957 = vector.broadcast %shift_left3A_956 : i32 to vector<16xi32>
        %shift_left3A_958 = arith.shli %get3A_955, %shift_left3A_957 : vector<16xi32>
        %bitcast_convert_type3A_959 = tpu.bitcast %shift_left3A_958 : vector<16xi32> -> vector<16xf32>
        %bitcast_convert_type3A_960 = tpu.bitcast %get3A_955 : vector<16xi32> -> vector<16xf32>
        %add3A_961 = arith.addf %add3A_907, %bitcast_convert_type3A_959 : vector<16xf32>
        %add3A_962 = arith.addf %add3A_908, %bitcast_convert_type3A_960 : vector<16xf32>
        %get3A_963 = arith.constant 1 : i32
        %get3A_964 = arith.index_cast %get3A_963 : i32 to index
        %get3A_965 = arith.index_cast %scan3A_949 : i32 to index
        %get3A_966 = arith.constant 16 : index
        %get3A_967 = tpu.vector_load %arg6[%get3A_964, %get3A_965, %get3A_966] {strides = array<i32>} : memref<8x100x64xi32, #tpu.memory_space<vmem>>, vector<1x1x16xi32>,
        %get3A_968 = vector.shape_cast %get3A_967 : vector<1x1x16xi32> to vector<16xi32>
        %shift_left3A_969 = arith.constant 16 : i32
        %shift_left3A_970 = vector.broadcast %shift_left3A_969 : i32 to vector<16xi32>
        %shift_left3A_971 = arith.shli %get3A_968, %shift_left3A_970 : vector<16xi32>
        %bitcast_convert_type3A_972 = tpu.bitcast %shift_left3A_971 : vector<16xi32> -> vector<16xf32>
        %bitcast_convert_type3A_973 = tpu.bitcast %get3A_968 : vector<16xi32> -> vector<16xf32>
        %add3A_974 = arith.addf %add3A_920, %bitcast_convert_type3A_972 : vector<16xf32>
        %add3A_975 = arith.addf %add3A_921, %bitcast_convert_type3A_973 : vector<16xf32>
        %get3A_976 = arith.constant 1 : i32
        %get3A_977 = arith.index_cast %get3A_976 : i32 to index
        %get3A_978 = arith.index_cast %scan3A_949 : i32 to index
        %get3A_979 = arith.constant 32 : index
        %get3A_980 = tpu.vector_load %arg6[%get3A_977, %get3A_978, %get3A_979] {strides = array<i32>} : memref<8x100x64xi32, #tpu.memory_space<vmem>>, vector<1x1x16xi32>,
        %get3A_981 = vector.shape_cast %get3A_980 : vector<1x1x16xi32> to vector<16xi32>
        %shift_left3A_982 = arith.constant 16 : i32
        %shift_left3A_983 = vector.broadcast %shift_left3A_982 : i32 to vector<16xi32>
        %shift_left3A_984 = arith.shli %get3A_981, %shift_left3A_983 : vector<16xi32>
        %bitcast_convert_type3A_985 = tpu.bitcast %shift_left3A_984 : vector<16xi32> -> vector<16xf32>
        %bitcast_convert_type3A_986 = tpu.bitcast %get3A_981 : vector<16xi32> -> vector<16xf32>
        %add3A_987 = arith.addf %add3A_933, %bitcast_convert_type3A_985 : vector<16xf32>
        %add3A_988 = arith.addf %add3A_934, %bitcast_convert_type3A_986 : vector<16xf32>
        %get3A_989 = arith.constant 1 : i32
        %get3A_990 = arith.index_cast %get3A_989 : i32 to index
        %get3A_991 = arith.index_cast %scan3A_949 : i32 to index
        %get3A_992 = arith.constant 48 : index
        %get3A_993 = tpu.vector_load %arg6[%get3A_990, %get3A_991, %get3A_992] {strides = array<i32>} : memref<8x100x64xi32, #tpu.memory_space<vmem>>, vector<1x1x16xi32>,
        %get3A_994 = vector.shape_cast %get3A_993 : vector<1x1x16xi32> to vector<16xi32>
        %shift_left3A_995 = arith.constant 16 : i32
        %shift_left3A_996 = vector.broadcast %shift_left3A_995 : i32 to vector<16xi32>
        %shift_left3A_997 = arith.shli %get3A_994, %shift_left3A_996 : vector<16xi32>
        %bitcast_convert_type3A_998 = tpu.bitcast %shift_left3A_997 : vector<16xi32> -> vector<16xf32>
        %bitcast_convert_type3A_999 = tpu.bitcast %get3A_994 : vector<16xi32> -> vector<16xf32>
        %add3A_1000 = arith.addf %add3A_946, %bitcast_convert_type3A_998 : vector<16xf32>
        %add3A_1001 = arith.addf %add3A_947, %bitcast_convert_type3A_999 : vector<16xf32>
        scf.yield %add3A_961, %add3A_974, %add3A_987, %add3A_1000, %add3A_962, %add3A_975, %add3A_988, %add3A_1001 : vector<16xf32>, vector<16xf32>, vector<16xf32>, vector<16xf32>, vector<16xf32>, vector<16xf32>, vector<16xf32>, vector<16xf32>
      }
      %scan3A_231 = arith.constant 100 : i32
      %shift_right_arithmetic3A_232 = arith.constant 1 : i32
      %shift_right_arithmetic3A_233 = arith.shrsi %add3A_191, %shift_right_arithmetic3A_232 : i32
      %mul3A_234 = vector.broadcast %scan3A_88 : f32 to vector<16xf32>
      %mul3A_235 = arith.mulf %scan3A_230#0, %mul3A_234 : vector<16xf32>
      %swap3A_236 = arith.index_cast %shift_right_arithmetic3A_233 : i32 to index
      %swap3A_237 = arith.constant 0 : index
      %swap3A_238 = tpu.vector_load %arg7[%swap3A_236, %swap3A_237] {strides = array<i32>} : memref<128x128xf32, #tpu.memory_space<vmem>>, vector<1x16xf32>,
      %swap3A_239 = vector.shape_cast %swap3A_238 : vector<1x16xf32> to vector<16xf32>
      %swap3A_240 = vector.shape_cast %mul3A_235 : vector<16xf32> to vector<1x16xf32>
      tpu.vector_store %arg7[%swap3A_236, %swap3A_237], %swap3A_240 {add = true, strides = array<i32>} : memref<128x128xf32, #tpu.memory_space<vmem>>, vector<1x16xf32>,
      %mul3A_241 = vector.broadcast %scan3A_88 : f32 to vector<16xf32>
      %mul3A_242 = arith.mulf %scan3A_230#1, %mul3A_241 : vector<16xf32>
      %swap3A_243 = arith.index_cast %shift_right_arithmetic3A_233 : i32 to index
      %swap3A_244 = arith.constant 16 : index
      %swap3A_245 = tpu.vector_load %arg7[%swap3A_243, %swap3A_244] {strides = array<i32>} : memref<128x128xf32, #tpu.memory_space<vmem>>, vector<1x16xf32>,
      %swap3A_246 = vector.shape_cast %swap3A_245 : vector<1x16xf32> to vector<16xf32>
      %swap3A_247 = vector.shape_cast %mul3A_242 : vector<16xf32> to vector<1x16xf32>
      tpu.vector_store %arg7[%swap3A_243, %swap3A_244], %swap3A_247 {add = true, strides = array<i32>} : memref<128x128xf32, #tpu.memory_space<vmem>>, vector<1x16xf32>,
      %mul3A_248 = vector.broadcast %scan3A_88 : f32 to vector<16xf32>
      %mul3A_249 = arith.mulf %scan3A_230#2, %mul3A_248 : vector<16xf32>
      %swap3A_250 = arith.index_cast %shift_right_arithmetic3A_233 : i32 to index
      %swap3A_251 = arith.constant 32 : index
      %swap3A_252 = tpu.vector_load %arg7[%swap3A_250, %swap3A_251] {strides = array<i32>} : memref<128x128xf32, #tpu.memory_space<vmem>>, vector<1x16xf32>,
      %swap3A_253 = vector.shape_cast %swap3A_252 : vector<1x16xf32> to vector<16xf32>
      %swap3A_254 = vector.shape_cast %mul3A_249 : vector<16xf32> to vector<1x16xf32>
      tpu.vector_store %arg7[%swap3A_250, %swap3A_251], %swap3A_254 {add = true, strides = array<i32>} : memref<128x128xf32, #tpu.memory_space<vmem>>, vector<1x16xf32>,
      %mul3A_255 = vector.broadcast %scan3A_88 : f32 to vector<16xf32>
      %mul3A_256 = arith.mulf %scan3A_230#3, %mul3A_255 : vector<16xf32>
      %swap3A_257 = arith.index_cast %shift_right_arithmetic3A_233 : i32 to index
      %swap3A_258 = arith.constant 48 : index
      %swap3A_259 = tpu.vector_load %arg7[%swap3A_257, %swap3A_258] {strides = array<i32>} : memref<128x128xf32, #tpu.memory_space<vmem>>, vector<1x16xf32>,
      %swap3A_260 = vector.shape_cast %swap3A_259 : vector<1x16xf32> to vector<16xf32>
      %swap3A_261 = vector.shape_cast %mul3A_256 : vector<16xf32> to vector<1x16xf32>
      tpu.vector_store %arg7[%swap3A_257, %swap3A_258], %swap3A_261 {add = true, strides = array<i32>} : memref<128x128xf32, #tpu.memory_space<vmem>>, vector<1x16xf32>,
      %mul3A_262 = vector.broadcast %scan3A_88 : f32 to vector<16xf32>
      %mul3A_263 = arith.mulf %scan3A_230#4, %mul3A_262 : vector<16xf32>
      %swap3A_264 = arith.index_cast %shift_right_arithmetic3A_233 : i32 to index
      %swap3A_265 = arith.constant 64 : index
      %swap3A_266 = tpu.vector_load %arg7[%swap3A_264, %swap3A_265] {strides = array<i32>} : memref<128x128xf32, #tpu.memory_space<vmem>>, vector<1x16xf32>,
      %swap3A_267 = vector.shape_cast %swap3A_266 : vector<1x16xf32> to vector<16xf32>
      %swap3A_268 = vector.shape_cast %mul3A_263 : vector<16xf32> to vector<1x16xf32>
      tpu.vector_store %arg7[%swap3A_264, %swap3A_265], %swap3A_268 {add = true, strides = array<i32>} : memref<128x128xf32, #tpu.memory_space<vmem>>, vector<1x16xf32>,
      %mul3A_269 = vector.broadcast %scan3A_88 : f32 to vector<16xf32>
      %mul3A_270 = arith.mulf %scan3A_230#5, %mul3A_269 : vector<16xf32>
      %swap3A_271 = arith.index_cast %shift_right_arithmetic3A_233 : i32 to index
      %swap3A_272 = arith.constant 80 : index
      %swap3A_273 = tpu.vector_load %arg7[%swap3A_271, %swap3A_272] {strides = array<i32>} : memref<128x128xf32, #tpu.memory_space<vmem>>, vector<1x16xf32>,
      %swap3A_274 = vector.shape_cast %swap3A_273 : vector<1x16xf32> to vector<16xf32>
      %swap3A_275 = vector.shape_cast %mul3A_270 : vector<16xf32> to vector<1x16xf32>
      tpu.vector_store %arg7[%swap3A_271, %swap3A_272], %swap3A_275 {add = true, strides = array<i32>} : memref<128x128xf32, #tpu.memory_space<vmem>>, vector<1x16xf32>,
      %mul3A_276 = vector.broadcast %scan3A_88 : f32 to vector<16xf32>
      %mul3A_277 = arith.mulf %scan3A_230#6, %mul3A_276 : vector<16xf32>
      %swap3A_278 = arith.index_cast %shift_right_arithmetic3A_233 : i32 to index
      %swap3A_279 = arith.constant 96 : index
      %swap3A_280 = tpu.vector_load %arg7[%swap3A_278, %swap3A_279] {strides = array<i32>} : memref<128x128xf32, #tpu.memory_space<vmem>>, vector<1x16xf32>,
      %swap3A_281 = vector.shape_cast %swap3A_280 : vector<1x16xf32> to vector<16xf32>
      %swap3A_282 = vector.shape_cast %mul3A_277 : vector<16xf32> to vector<1x16xf32>
      tpu.vector_store %arg7[%swap3A_278, %swap3A_279], %swap3A_282 {add = true, strides = array<i32>} : memref<128x128xf32, #tpu.memory_space<vmem>>, vector<1x16xf32>,
      %mul3A_283 = vector.broadcast %scan3A_88 : f32 to vector<16xf32>
      %mul3A_284 = arith.mulf %scan3A_230#7, %mul3A_283 : vector<16xf32>
      %swap3A_285 = arith.index_cast %shift_right_arithmetic3A_233 : i32 to index
      %swap3A_286 = arith.constant 112 : index
      %swap3A_287 = tpu.vector_load %arg7[%swap3A_285, %swap3A_286] {strides = array<i32>} : memref<128x128xf32, #tpu.memory_space<vmem>>, vector<1x16xf32>,
      %swap3A_288 = vector.shape_cast %swap3A_287 : vector<1x16xf32> to vector<16xf32>
      %swap3A_289 = vector.shape_cast %mul3A_284 : vector<16xf32> to vector<1x16xf32>
      tpu.vector_store %arg7[%swap3A_285, %swap3A_286], %swap3A_289 {add = true, strides = array<i32>} : memref<128x128xf32, #tpu.memory_space<vmem>>, vector<1x16xf32>,
      %add3A_290 = arith.constant 2 : i32
      %add3A_291 = arith.addi %mul3A_96, %add3A_290 : i32
      %add3A_292 = arith.constant 7 : i32
      %add3A_293 = arith.addi %add3A_291, %add3A_292 : i32
      %lt3A_294 = arith.constant 256 : i32
      %lt3A_295 = arith.cmpi slt, %add3A_293, %lt3A_294 : i32
      %convert_element_type3A_296 = arith.extui %lt3A_295 : i1 to i32
      %cond3A_297 = arith.constant 0 : i32
      %cond3A_298 = arith.cmpi ne, %convert_element_type3A_296, %cond3A_297 : i32
      scf.if %cond3A_298 {
        %dma_start3A_890 = arith.constant 1 : i32
        %dma_start3A_891 = arith.constant 0 : i32
        %dma_start3A_892 = arith.constant 0 : i32
        %dma_start3A_893 = tpu.memref_slice %arg6[%dma_start3A_890, %dma_start3A_891, %dma_start3A_892] : memref<8x100x64xi32, #tpu.memory_space<vmem>> -> memref<1x100x64xi32, #tpu.memory_space<vmem>>
        %dma_start3A_894 = tpu.memref_squeeze %dma_start3A_893 : memref<1x100x64xi32, #tpu.memory_space<vmem>> -> memref<100x64xi32, #tpu.memory_space<vmem>>
        %dma_start3A_895 = arith.constant 0 : i32
        %dma_start3A_896 = tpu.memref_slice %arg5[%add3A_293, %dma_start3A_895] : memref<256x100xi32, #tpu.memory_space<vmem>> -> memref<1x100xi32, #tpu.memory_space<vmem>>
        %dma_start3A_897 = tpu.memref_squeeze %dma_start3A_896 : memref<1x100xi32, #tpu.memory_space<vmem>> -> memref<100xi32, #tpu.memory_space<vmem>>
        %dma_start3A_898 = arith.constant 0 : i32
        %dma_start3A_899 = arith.constant 0 : i32
        %dma_start3A_900 = tpu.memref_slice %arg3[%dma_start3A_898, %dma_start3A_899] : memref<100000x64xi32, #tpu.memory_space<hbm>> -> memref<100000x64xi32, #tpu.memory_space<hbm>>
        tpu.enqueue_indirect_dma source(%dma_start3A_900 : memref<100000x64xi32, #tpu.memory_space<hbm>>) target(%dma_start3A_894 : memref<100x64xi32, #tpu.memory_space<vmem>>) offsets(%dma_start3A_897 : memref<100xi32, #tpu.memory_space<vmem>>) semaphore(%arg9 : memref<!tpu.dma_semaphore, #tpu.memory_space<semaphore_mem>>)
      } else {
      }
      %dma_wait3A_299 = arith.constant 2 : i32
      %dma_wait3A_300 = arith.constant 0 : i32
      %dma_wait3A_301 = arith.constant 0 : i32
      %dma_wait3A_302 = tpu.memref_slice %arg6[%dma_wait3A_299, %dma_wait3A_300, %dma_wait3A_301] : memref<8x100x64xi32, #tpu.memory_space<vmem>> -> memref<1x100x64xi32, #tpu.memory_space<vmem>>
      %dma_wait3A_303 = tpu.memref_squeeze %dma_wait3A_302 : memref<1x100x64xi32, #tpu.memory_space<vmem>> -> memref<100x64xi32, #tpu.memory_space<vmem>>
      %dma_wait3A_304 = arith.constant 0 : i32
      %dma_wait3A_305 = tpu.memref_slice %arg5[%add3A_291, %dma_wait3A_304] : memref<256x100xi32, #tpu.memory_space<vmem>> -> memref<1x100xi32, #tpu.memory_space<vmem>>
      %dma_wait3A_306 = tpu.memref_squeeze %dma_wait3A_305 : memref<1x100xi32, #tpu.memory_space<vmem>> -> memref<100xi32, #tpu.memory_space<vmem>>
      %dma_wait3A_307 = arith.constant 0 : i32
      %dma_wait3A_308 = arith.constant 0 : i32
      %dma_wait3A_309 = tpu.memref_slice %arg3[%dma_wait3A_307, %dma_wait3A_308] : memref<100000x64xi32, #tpu.memory_space<hbm>> -> memref<100000x64xi32, #tpu.memory_space<hbm>>
      tpu.wait_indirect_dma semaphore(%arg10 : memref<!tpu.dma_semaphore, #tpu.memory_space<semaphore_mem>>) src(%dma_wait3A_309 : memref<100000x64xi32, #tpu.memory_space<hbm>>) dst(%dma_wait3A_303 : memref<100x64xi32, #tpu.memory_space<vmem>>)
      %broadcast_in_dim3A_310 = arith.constant 0.000000e+00 : f32
      %broadcast_in_dim3A_311 = vector.broadcast %broadcast_in_dim3A_310 : f32 to vector<16xf32>
      %broadcast_in_dim3A_312 = arith.constant 0.000000e+00 : f32
      %broadcast_in_dim3A_313 = vector.broadcast %broadcast_in_dim3A_312 : f32 to vector<16xf32>
      %broadcast_in_dim3A_314 = arith.constant 0.000000e+00 : f32
      %broadcast_in_dim3A_315 = vector.broadcast %broadcast_in_dim3A_314 : f32 to vector<16xf32>
      %broadcast_in_dim3A_316 = arith.constant 0.000000e+00 : f32
      %broadcast_in_dim3A_317 = vector.broadcast %broadcast_in_dim3A_316 : f32 to vector<16xf32>
      %broadcast_in_dim3A_318 = arith.constant 0.000000e+00 : f32
      %broadcast_in_dim3A_319 = vector.broadcast %broadcast_in_dim3A_318 : f32 to vector<16xf32>
      %broadcast_in_dim3A_320 = arith.constant 0.000000e+00 : f32
      %broadcast_in_dim3A_321 = vector.broadcast %broadcast_in_dim3A_320 : f32 to vector<16xf32>
      %broadcast_in_dim3A_322 = arith.constant 0.000000e+00 : f32
      %broadcast_in_dim3A_323 = vector.broadcast %broadcast_in_dim3A_322 : f32 to vector<16xf32>
      %broadcast_in_dim3A_324 = arith.constant 0.000000e+00 : f32
      %broadcast_in_dim3A_325 = vector.broadcast %broadcast_in_dim3A_324 : f32 to vector<16xf32>
      %scan3A_326 = arith.constant 0 : i32
      %scan3A_327 = arith.constant 100 : i32
      %scan3A_328 = arith.addi %scan3A_326, %scan3A_327 : i32
      %scan3A_329 = arith.constant 2 : i32
      %scan3A_330:8 = scf.for %scan3A_890 = %scan3A_326 to %scan3A_328 step %scan3A_329 iter_args(%scan3A_891 = %broadcast_in_dim3A_311, %scan3A_892 = %broadcast_in_dim3A_313, %scan3A_893 = %broadcast_in_dim3A_315, %scan3A_894 = %broadcast_in_dim3A_317, %scan3A_895 = %broadcast_in_dim3A_319, %scan3A_896 = %broadcast_in_dim3A_321, %scan3A_897 = %broadcast_in_dim3A_323, %scan3A_898 = %broadcast_in_dim3A_325) -> (vector<16xf32>, vector<16xf32>, vector<16xf32>, vector<16xf32>, vector<16xf32>, vector<16xf32>, vector<16xf32>, vector<16xf32>)  : i32 {
        %get3A = arith.constant 2 : i32
        %get3A_899 = arith.index_cast %get3A : i32 to index
        %get3A_900 = arith.index_cast %scan3A_890 : i32 to index
        %get3A_901 = arith.constant 0 : index
        %get3A_902 = tpu.vector_load %arg6[%get3A_899, %get3A_900, %get3A_901] {strides = array<i32>} : memref<8x100x64xi32, #tpu.memory_space<vmem>>, vector<1x1x16xi32>,
        %get3A_903 = vector.shape_cast %get3A_902 : vector<1x1x16xi32> to vector<16xi32>
        %shift_left3A = arith.constant 16 : i32
        %shift_left3A_904 = vector.broadcast %shift_left3A : i32 to vector<16xi32>
        %shift_left3A_905 = arith.shli %get3A_903, %shift_left3A_904 : vector<16xi32>
        %bitcast_convert_type3A = tpu.bitcast %shift_left3A_905 : vector<16xi32> -> vector<16xf32>
        %bitcast_convert_type3A_906 = tpu.bitcast %get3A_903 : vector<16xi32> -> vector<16xf32>
        %add3A_907 = arith.addf %scan3A_891, %bitcast_convert_type3A : vector<16xf32>
        %add3A_908 = arith.addf %scan3A_895, %bitcast_convert_type3A_906 : vector<16xf32>
        %get3A_909 = arith.constant 2 : i32
        %get3A_910 = arith.index_cast %get3A_909 : i32 to index
        %get3A_911 = arith.index_cast %scan3A_890 : i32 to index
        %get3A_912 = arith.constant 16 : index
        %get3A_913 = tpu.vector_load %arg6[%get3A_910, %get3A_911, %get3A_912] {strides = array<i32>} : memref<8x100x64xi32, #tpu.memory_space<vmem>>, vector<1x1x16xi32>,
        %get3A_914 = vector.shape_cast %get3A_913 : vector<1x1x16xi32> to vector<16xi32>
        %shift_left3A_915 = arith.constant 16 : i32
        %shift_left3A_916 = vector.broadcast %shift_left3A_915 : i32 to vector<16xi32>
        %shift_left3A_917 = arith.shli %get3A_914, %shift_left3A_916 : vector<16xi32>
        %bitcast_convert_type3A_918 = tpu.bitcast %shift_left3A_917 : vector<16xi32> -> vector<16xf32>
        %bitcast_convert_type3A_919 = tpu.bitcast %get3A_914 : vector<16xi32> -> vector<16xf32>
        %add3A_920 = arith.addf %scan3A_892, %bitcast_convert_type3A_918 : vector<16xf32>
        %add3A_921 = arith.addf %scan3A_896, %bitcast_convert_type3A_919 : vector<16xf32>
        %get3A_922 = arith.constant 2 : i32
        %get3A_923 = arith.index_cast %get3A_922 : i32 to index
        %get3A_924 = arith.index_cast %scan3A_890 : i32 to index
        %get3A_925 = arith.constant 32 : index
        %get3A_926 = tpu.vector_load %arg6[%get3A_923, %get3A_924, %get3A_925] {strides = array<i32>} : memref<8x100x64xi32, #tpu.memory_space<vmem>>, vector<1x1x16xi32>,
        %get3A_927 = vector.shape_cast %get3A_926 : vector<1x1x16xi32> to vector<16xi32>
        %shift_left3A_928 = arith.constant 16 : i32
        %shift_left3A_929 = vector.broadcast %shift_left3A_928 : i32 to vector<16xi32>
        %shift_left3A_930 = arith.shli %get3A_927, %shift_left3A_929 : vector<16xi32>
        %bitcast_convert_type3A_931 = tpu.bitcast %shift_left3A_930 : vector<16xi32> -> vector<16xf32>
        %bitcast_convert_type3A_932 = tpu.bitcast %get3A_927 : vector<16xi32> -> vector<16xf32>
        %add3A_933 = arith.addf %scan3A_893, %bitcast_convert_type3A_931 : vector<16xf32>
        %add3A_934 = arith.addf %scan3A_897, %bitcast_convert_type3A_932 : vector<16xf32>
        %get3A_935 = arith.constant 2 : i32
        %get3A_936 = arith.index_cast %get3A_935 : i32 to index
        %get3A_937 = arith.index_cast %scan3A_890 : i32 to index
        %get3A_938 = arith.constant 48 : index
        %get3A_939 = tpu.vector_load %arg6[%get3A_936, %get3A_937, %get3A_938] {strides = array<i32>} : memref<8x100x64xi32, #tpu.memory_space<vmem>>, vector<1x1x16xi32>,
        %get3A_940 = vector.shape_cast %get3A_939 : vector<1x1x16xi32> to vector<16xi32>
        %shift_left3A_941 = arith.constant 16 : i32
        %shift_left3A_942 = vector.broadcast %shift_left3A_941 : i32 to vector<16xi32>
        %shift_left3A_943 = arith.shli %get3A_940, %shift_left3A_942 : vector<16xi32>
        %bitcast_convert_type3A_944 = tpu.bitcast %shift_left3A_943 : vector<16xi32> -> vector<16xf32>
        %bitcast_convert_type3A_945 = tpu.bitcast %get3A_940 : vector<16xi32> -> vector<16xf32>
        %add3A_946 = arith.addf %scan3A_894, %bitcast_convert_type3A_944 : vector<16xf32>
        %add3A_947 = arith.addf %scan3A_898, %bitcast_convert_type3A_945 : vector<16xf32>
        %scan3A_948 = arith.constant 1 : i32
        %scan3A_949 = arith.addi %scan3A_890, %scan3A_948 : i32
        %get3A_950 = arith.constant 2 : i32
        %get3A_951 = arith.index_cast %get3A_950 : i32 to index
        %get3A_952 = arith.index_cast %scan3A_949 : i32 to index
        %get3A_953 = arith.constant 0 : index
        %get3A_954 = tpu.vector_load %arg6[%get3A_951, %get3A_952, %get3A_953] {strides = array<i32>} : memref<8x100x64xi32, #tpu.memory_space<vmem>>, vector<1x1x16xi32>,
        %get3A_955 = vector.shape_cast %get3A_954 : vector<1x1x16xi32> to vector<16xi32>
        %shift_left3A_956 = arith.constant 16 : i32
        %shift_left3A_957 = vector.broadcast %shift_left3A_956 : i32 to vector<16xi32>
        %shift_left3A_958 = arith.shli %get3A_955, %shift_left3A_957 : vector<16xi32>
        %bitcast_convert_type3A_959 = tpu.bitcast %shift_left3A_958 : vector<16xi32> -> vector<16xf32>
        %bitcast_convert_type3A_960 = tpu.bitcast %get3A_955 : vector<16xi32> -> vector<16xf32>
        %add3A_961 = arith.addf %add3A_907, %bitcast_convert_type3A_959 : vector<16xf32>
        %add3A_962 = arith.addf %add3A_908, %bitcast_convert_type3A_960 : vector<16xf32>
        %get3A_963 = arith.constant 2 : i32
        %get3A_964 = arith.index_cast %get3A_963 : i32 to index
        %get3A_965 = arith.index_cast %scan3A_949 : i32 to index
        %get3A_966 = arith.constant 16 : index
        %get3A_967 = tpu.vector_load %arg6[%get3A_964, %get3A_965, %get3A_966] {strides = array<i32>} : memref<8x100x64xi32, #tpu.memory_space<vmem>>, vector<1x1x16xi32>,
        %get3A_968 = vector.shape_cast %get3A_967 : vector<1x1x16xi32> to vector<16xi32>
        %shift_left3A_969 = arith.constant 16 : i32
        %shift_left3A_970 = vector.broadcast %shift_left3A_969 : i32 to vector<16xi32>
        %shift_left3A_971 = arith.shli %get3A_968, %shift_left3A_970 : vector<16xi32>
        %bitcast_convert_type3A_972 = tpu.bitcast %shift_left3A_971 : vector<16xi32> -> vector<16xf32>
        %bitcast_convert_type3A_973 = tpu.bitcast %get3A_968 : vector<16xi32> -> vector<16xf32>
        %add3A_974 = arith.addf %add3A_920, %bitcast_convert_type3A_972 : vector<16xf32>
        %add3A_975 = arith.addf %add3A_921, %bitcast_convert_type3A_973 : vector<16xf32>
        %get3A_976 = arith.constant 2 : i32
        %get3A_977 = arith.index_cast %get3A_976 : i32 to index
        %get3A_978 = arith.index_cast %scan3A_949 : i32 to index
        %get3A_979 = arith.constant 32 : index
        %get3A_980 = tpu.vector_load %arg6[%get3A_977, %get3A_978, %get3A_979] {strides = array<i32>} : memref<8x100x64xi32, #tpu.memory_space<vmem>>, vector<1x1x16xi32>,
        %get3A_981 = vector.shape_cast %get3A_980 : vector<1x1x16xi32> to vector<16xi32>
        %shift_left3A_982 = arith.constant 16 : i32
        %shift_left3A_983 = vector.broadcast %shift_left3A_982 : i32 to vector<16xi32>
        %shift_left3A_984 = arith.shli %get3A_981, %shift_left3A_983 : vector<16xi32>
        %bitcast_convert_type3A_985 = tpu.bitcast %shift_left3A_984 : vector<16xi32> -> vector<16xf32>
        %bitcast_convert_type3A_986 = tpu.bitcast %get3A_981 : vector<16xi32> -> vector<16xf32>
        %add3A_987 = arith.addf %add3A_933, %bitcast_convert_type3A_985 : vector<16xf32>
        %add3A_988 = arith.addf %add3A_934, %bitcast_convert_type3A_986 : vector<16xf32>
        %get3A_989 = arith.constant 2 : i32
        %get3A_990 = arith.index_cast %get3A_989 : i32 to index
        %get3A_991 = arith.index_cast %scan3A_949 : i32 to index
        %get3A_992 = arith.constant 48 : index
        %get3A_993 = tpu.vector_load %arg6[%get3A_990, %get3A_991, %get3A_992] {strides = array<i32>} : memref<8x100x64xi32, #tpu.memory_space<vmem>>, vector<1x1x16xi32>,
        %get3A_994 = vector.shape_cast %get3A_993 : vector<1x1x16xi32> to vector<16xi32>
        %shift_left3A_995 = arith.constant 16 : i32
        %shift_left3A_996 = vector.broadcast %shift_left3A_995 : i32 to vector<16xi32>
        %shift_left3A_997 = arith.shli %get3A_994, %shift_left3A_996 : vector<16xi32>
        %bitcast_convert_type3A_998 = tpu.bitcast %shift_left3A_997 : vector<16xi32> -> vector<16xf32>
        %bitcast_convert_type3A_999 = tpu.bitcast %get3A_994 : vector<16xi32> -> vector<16xf32>
        %add3A_1000 = arith.addf %add3A_946, %bitcast_convert_type3A_998 : vector<16xf32>
        %add3A_1001 = arith.addf %add3A_947, %bitcast_convert_type3A_999 : vector<16xf32>
        scf.yield %add3A_961, %add3A_974, %add3A_987, %add3A_1000, %add3A_962, %add3A_975, %add3A_988, %add3A_1001 : vector<16xf32>, vector<16xf32>, vector<16xf32>, vector<16xf32>, vector<16xf32>, vector<16xf32>, vector<16xf32>, vector<16xf32>
      }
      %scan3A_331 = arith.constant 100 : i32
      %shift_right_arithmetic3A_332 = arith.constant 1 : i32
      %shift_right_arithmetic3A_333 = arith.shrsi %add3A_291, %shift_right_arithmetic3A_332 : i32
      %mul3A_334 = vector.broadcast %scan3A_88 : f32 to vector<16xf32>
      %mul3A_335 = arith.mulf %scan3A_330#0, %mul3A_334 : vector<16xf32>
      %swap3A_336 = arith.index_cast %shift_right_arithmetic3A_333 : i32 to index
      %swap3A_337 = arith.constant 0 : index
      %swap3A_338 = tpu.vector_load %arg7[%swap3A_336, %swap3A_337] {strides = array<i32>} : memref<128x128xf32, #tpu.memory_space<vmem>>, vector<1x16xf32>,
      %swap3A_339 = vector.shape_cast %swap3A_338 : vector<1x16xf32> to vector<16xf32>
      %swap3A_340 = vector.shape_cast %mul3A_335 : vector<16xf32> to vector<1x16xf32>
      tpu.vector_store %arg7[%swap3A_336, %swap3A_337], %swap3A_340 {strides = array<i32>} : memref<128x128xf32, #tpu.memory_space<vmem>>, vector<1x16xf32>,
      %mul3A_341 = vector.broadcast %scan3A_88 : f32 to vector<16xf32>
      %mul3A_342 = arith.mulf %scan3A_330#1, %mul3A_341 : vector<16xf32>
      %swap3A_343 = arith.index_cast %shift_right_arithmetic3A_333 : i32 to index
      %swap3A_344 = arith.constant 16 : index
      %swap3A_345 = tpu.vector_load %arg7[%swap3A_343, %swap3A_344] {strides = array<i32>} : memref<128x128xf32, #tpu.memory_space<vmem>>, vector<1x16xf32>,
      %swap3A_346 = vector.shape_cast %swap3A_345 : vector<1x16xf32> to vector<16xf32>
      %swap3A_347 = vector.shape_cast %mul3A_342 : vector<16xf32> to vector<1x16xf32>
      tpu.vector_store %arg7[%swap3A_343, %swap3A_344], %swap3A_347 {strides = array<i32>} : memref<128x128xf32, #tpu.memory_space<vmem>>, vector<1x16xf32>,
      %mul3A_348 = vector.broadcast %scan3A_88 : f32 to vector<16xf32>
      %mul3A_349 = arith.mulf %scan3A_330#2, %mul3A_348 : vector<16xf32>
      %swap3A_350 = arith.index_cast %shift_right_arithmetic3A_333 : i32 to index
      %swap3A_351 = arith.constant 32 : index
      %swap3A_352 = tpu.vector_load %arg7[%swap3A_350, %swap3A_351] {strides = array<i32>} : memref<128x128xf32, #tpu.memory_space<vmem>>, vector<1x16xf32>,
      %swap3A_353 = vector.shape_cast %swap3A_352 : vector<1x16xf32> to vector<16xf32>
      %swap3A_354 = vector.shape_cast %mul3A_349 : vector<16xf32> to vector<1x16xf32>
      tpu.vector_store %arg7[%swap3A_350, %swap3A_351], %swap3A_354 {strides = array<i32>} : memref<128x128xf32, #tpu.memory_space<vmem>>, vector<1x16xf32>,
      %mul3A_355 = vector.broadcast %scan3A_88 : f32 to vector<16xf32>
      %mul3A_356 = arith.mulf %scan3A_330#3, %mul3A_355 : vector<16xf32>
      %swap3A_357 = arith.index_cast %shift_right_arithmetic3A_333 : i32 to index
      %swap3A_358 = arith.constant 48 : index
      %swap3A_359 = tpu.vector_load %arg7[%swap3A_357, %swap3A_358] {strides = array<i32>} : memref<128x128xf32, #tpu.memory_space<vmem>>, vector<1x16xf32>,
      %swap3A_360 = vector.shape_cast %swap3A_359 : vector<1x16xf32> to vector<16xf32>
      %swap3A_361 = vector.shape_cast %mul3A_356 : vector<16xf32> to vector<1x16xf32>
      tpu.vector_store %arg7[%swap3A_357, %swap3A_358], %swap3A_361 {strides = array<i32>} : memref<128x128xf32, #tpu.memory_space<vmem>>, vector<1x16xf32>,
      %mul3A_362 = vector.broadcast %scan3A_88 : f32 to vector<16xf32>
      %mul3A_363 = arith.mulf %scan3A_330#4, %mul3A_362 : vector<16xf32>
      %swap3A_364 = arith.index_cast %shift_right_arithmetic3A_333 : i32 to index
      %swap3A_365 = arith.constant 64 : index
      %swap3A_366 = tpu.vector_load %arg7[%swap3A_364, %swap3A_365] {strides = array<i32>} : memref<128x128xf32, #tpu.memory_space<vmem>>, vector<1x16xf32>,
      %swap3A_367 = vector.shape_cast %swap3A_366 : vector<1x16xf32> to vector<16xf32>
      %swap3A_368 = vector.shape_cast %mul3A_363 : vector<16xf32> to vector<1x16xf32>
      tpu.vector_store %arg7[%swap3A_364, %swap3A_365], %swap3A_368 {strides = array<i32>} : memref<128x128xf32, #tpu.memory_space<vmem>>, vector<1x16xf32>,
      %mul3A_369 = vector.broadcast %scan3A_88 : f32 to vector<16xf32>
      %mul3A_370 = arith.mulf %scan3A_330#5, %mul3A_369 : vector<16xf32>
      %swap3A_371 = arith.index_cast %shift_right_arithmetic3A_333 : i32 to index
      %swap3A_372 = arith.constant 80 : index
      %swap3A_373 = tpu.vector_load %arg7[%swap3A_371, %swap3A_372] {strides = array<i32>} : memref<128x128xf32, #tpu.memory_space<vmem>>, vector<1x16xf32>,
      %swap3A_374 = vector.shape_cast %swap3A_373 : vector<1x16xf32> to vector<16xf32>
      %swap3A_375 = vector.shape_cast %mul3A_370 : vector<16xf32> to vector<1x16xf32>
      tpu.vector_store %arg7[%swap3A_371, %swap3A_372], %swap3A_375 {strides = array<i32>} : memref<128x128xf32, #tpu.memory_space<vmem>>, vector<1x16xf32>,
      %mul3A_376 = vector.broadcast %scan3A_88 : f32 to vector<16xf32>
      %mul3A_377 = arith.mulf %scan3A_330#6, %mul3A_376 : vector<16xf32>
      %swap3A_378 = arith.index_cast %shift_right_arithmetic3A_333 : i32 to index
      %swap3A_379 = arith.constant 96 : index
      %swap3A_380 = tpu.vector_load %arg7[%swap3A_378, %swap3A_379] {strides = array<i32>} : memref<128x128xf32, #tpu.memory_space<vmem>>, vector<1x16xf32>,
      %swap3A_381 = vector.shape_cast %swap3A_380 : vector<1x16xf32> to vector<16xf32>
      %swap3A_382 = vector.shape_cast %mul3A_377 : vector<16xf32> to vector<1x16xf32>
      tpu.vector_store %arg7[%swap3A_378, %swap3A_379], %swap3A_382 {strides = array<i32>} : memref<128x128xf32, #tpu.memory_space<vmem>>, vector<1x16xf32>,
      %mul3A_383 = vector.broadcast %scan3A_88 : f32 to vector<16xf32>
      %mul3A_384 = arith.mulf %scan3A_330#7, %mul3A_383 : vector<16xf32>
      %swap3A_385 = arith.index_cast %shift_right_arithmetic3A_333 : i32 to index
      %swap3A_386 = arith.constant 112 : index
      %swap3A_387 = tpu.vector_load %arg7[%swap3A_385, %swap3A_386] {strides = array<i32>} : memref<128x128xf32, #tpu.memory_space<vmem>>, vector<1x16xf32>,
      %swap3A_388 = vector.shape_cast %swap3A_387 : vector<1x16xf32> to vector<16xf32>
      %swap3A_389 = vector.shape_cast %mul3A_384 : vector<16xf32> to vector<1x16xf32>
      tpu.vector_store %arg7[%swap3A_385, %swap3A_386], %swap3A_389 {strides = array<i32>} : memref<128x128xf32, #tpu.memory_space<vmem>>, vector<1x16xf32>,
      %add3A_390 = arith.constant 3 : i32
      %add3A_391 = arith.addi %mul3A_96, %add3A_390 : i32
      %add3A_392 = arith.constant 7 : i32
      %add3A_393 = arith.addi %add3A_391, %add3A_392 : i32
      %lt3A_394 = arith.constant 256 : i32
      %lt3A_395 = arith.cmpi slt, %add3A_393, %lt3A_394 : i32
      %convert_element_type3A_396 = arith.extui %lt3A_395 : i1 to i32
      %cond3A_397 = arith.constant 0 : i32
      %cond3A_398 = arith.cmpi ne, %convert_element_type3A_396, %cond3A_397 : i32
      scf.if %cond3A_398 {
        %dma_start3A_890 = arith.constant 2 : i32
        %dma_start3A_891 = arith.constant 0 : i32
        %dma_start3A_892 = arith.constant 0 : i32
        %dma_start3A_893 = tpu.memref_slice %arg6[%dma_start3A_890, %dma_start3A_891, %dma_start3A_892] : memref<8x100x64xi32, #tpu.memory_space<vmem>> -> memref<1x100x64xi32, #tpu.memory_space<vmem>>
        %dma_start3A_894 = tpu.memref_squeeze %dma_start3A_893 : memref<1x100x64xi32, #tpu.memory_space<vmem>> -> memref<100x64xi32, #tpu.memory_space<vmem>>
        %dma_start3A_895 = arith.constant 0 : i32
        %dma_start3A_896 = tpu.memref_slice %arg5[%add3A_393, %dma_start3A_895] : memref<256x100xi32, #tpu.memory_space<vmem>> -> memref<1x100xi32, #tpu.memory_space<vmem>>
        %dma_start3A_897 = tpu.memref_squeeze %dma_start3A_896 : memref<1x100xi32, #tpu.memory_space<vmem>> -> memref<100xi32, #tpu.memory_space<vmem>>
        %dma_start3A_898 = arith.constant 0 : i32
        %dma_start3A_899 = arith.constant 0 : i32
        %dma_start3A_900 = tpu.memref_slice %arg3[%dma_start3A_898, %dma_start3A_899] : memref<100000x64xi32, #tpu.memory_space<hbm>> -> memref<100000x64xi32, #tpu.memory_space<hbm>>
        tpu.enqueue_indirect_dma source(%dma_start3A_900 : memref<100000x64xi32, #tpu.memory_space<hbm>>) target(%dma_start3A_894 : memref<100x64xi32, #tpu.memory_space<vmem>>) offsets(%dma_start3A_897 : memref<100xi32, #tpu.memory_space<vmem>>) semaphore(%arg10 : memref<!tpu.dma_semaphore, #tpu.memory_space<semaphore_mem>>)
      } else {
      }
      %dma_wait3A_399 = arith.constant 3 : i32
      %dma_wait3A_400 = arith.constant 0 : i32
      %dma_wait3A_401 = arith.constant 0 : i32
      %dma_wait3A_402 = tpu.memref_slice %arg6[%dma_wait3A_399, %dma_wait3A_400, %dma_wait3A_401] : memref<8x100x64xi32, #tpu.memory_space<vmem>> -> memref<1x100x64xi32, #tpu.memory_space<vmem>>
      %dma_wait3A_403 = tpu.memref_squeeze %dma_wait3A_402 : memref<1x100x64xi32, #tpu.memory_space<vmem>> -> memref<100x64xi32, #tpu.memory_space<vmem>>
      %dma_wait3A_404 = arith.constant 0 : i32
      %dma_wait3A_405 = tpu.memref_slice %arg5[%add3A_391, %dma_wait3A_404] : memref<256x100xi32, #tpu.memory_space<vmem>> -> memref<1x100xi32, #tpu.memory_space<vmem>>
      %dma_wait3A_406 = tpu.memref_squeeze %dma_wait3A_405 : memref<1x100xi32, #tpu.memory_space<vmem>> -> memref<100xi32, #tpu.memory_space<vmem>>
      %dma_wait3A_407 = arith.constant 0 : i32
      %dma_wait3A_408 = arith.constant 0 : i32
      %dma_wait3A_409 = tpu.memref_slice %arg3[%dma_wait3A_407, %dma_wait3A_408] : memref<100000x64xi32, #tpu.memory_space<hbm>> -> memref<100000x64xi32, #tpu.memory_space<hbm>>
      tpu.wait_indirect_dma semaphore(%arg11 : memref<!tpu.dma_semaphore, #tpu.memory_space<semaphore_mem>>) src(%dma_wait3A_409 : memref<100000x64xi32, #tpu.memory_space<hbm>>) dst(%dma_wait3A_403 : memref<100x64xi32, #tpu.memory_space<vmem>>)
      %broadcast_in_dim3A_410 = arith.constant 0.000000e+00 : f32
      %broadcast_in_dim3A_411 = vector.broadcast %broadcast_in_dim3A_410 : f32 to vector<16xf32>
      %broadcast_in_dim3A_412 = arith.constant 0.000000e+00 : f32
      %broadcast_in_dim3A_413 = vector.broadcast %broadcast_in_dim3A_412 : f32 to vector<16xf32>
      %broadcast_in_dim3A_414 = arith.constant 0.000000e+00 : f32
      %broadcast_in_dim3A_415 = vector.broadcast %broadcast_in_dim3A_414 : f32 to vector<16xf32>
      %broadcast_in_dim3A_416 = arith.constant 0.000000e+00 : f32
      %broadcast_in_dim3A_417 = vector.broadcast %broadcast_in_dim3A_416 : f32 to vector<16xf32>
      %broadcast_in_dim3A_418 = arith.constant 0.000000e+00 : f32
      %broadcast_in_dim3A_419 = vector.broadcast %broadcast_in_dim3A_418 : f32 to vector<16xf32>
      %broadcast_in_dim3A_420 = arith.constant 0.000000e+00 : f32
      %broadcast_in_dim3A_421 = vector.broadcast %broadcast_in_dim3A_420 : f32 to vector<16xf32>
      %broadcast_in_dim3A_422 = arith.constant 0.000000e+00 : f32
      %broadcast_in_dim3A_423 = vector.broadcast %broadcast_in_dim3A_422 : f32 to vector<16xf32>
      %broadcast_in_dim3A_424 = arith.constant 0.000000e+00 : f32
      %broadcast_in_dim3A_425 = vector.broadcast %broadcast_in_dim3A_424 : f32 to vector<16xf32>
      %scan3A_426 = arith.constant 0 : i32
      %scan3A_427 = arith.constant 100 : i32
      %scan3A_428 = arith.addi %scan3A_426, %scan3A_427 : i32
      %scan3A_429 = arith.constant 2 : i32
      %scan3A_430:8 = scf.for %scan3A_890 = %scan3A_426 to %scan3A_428 step %scan3A_429 iter_args(%scan3A_891 = %broadcast_in_dim3A_411, %scan3A_892 = %broadcast_in_dim3A_413, %scan3A_893 = %broadcast_in_dim3A_415, %scan3A_894 = %broadcast_in_dim3A_417, %scan3A_895 = %broadcast_in_dim3A_419, %scan3A_896 = %broadcast_in_dim3A_421, %scan3A_897 = %broadcast_in_dim3A_423, %scan3A_898 = %broadcast_in_dim3A_425) -> (vector<16xf32>, vector<16xf32>, vector<16xf32>, vector<16xf32>, vector<16xf32>, vector<16xf32>, vector<16xf32>, vector<16xf32>)  : i32 {
        %get3A = arith.constant 3 : i32
        %get3A_899 = arith.index_cast %get3A : i32 to index
        %get3A_900 = arith.index_cast %scan3A_890 : i32 to index
        %get3A_901 = arith.constant 0 : index
        %get3A_902 = tpu.vector_load %arg6[%get3A_899, %get3A_900, %get3A_901] {strides = array<i32>} : memref<8x100x64xi32, #tpu.memory_space<vmem>>, vector<1x1x16xi32>,
        %get3A_903 = vector.shape_cast %get3A_902 : vector<1x1x16xi32> to vector<16xi32>
        %shift_left3A = arith.constant 16 : i32
        %shift_left3A_904 = vector.broadcast %shift_left3A : i32 to vector<16xi32>
        %shift_left3A_905 = arith.shli %get3A_903, %shift_left3A_904 : vector<16xi32>
        %bitcast_convert_type3A = tpu.bitcast %shift_left3A_905 : vector<16xi32> -> vector<16xf32>
        %bitcast_convert_type3A_906 = tpu.bitcast %get3A_903 : vector<16xi32> -> vector<16xf32>
        %add3A_907 = arith.addf %scan3A_891, %bitcast_convert_type3A : vector<16xf32>
        %add3A_908 = arith.addf %scan3A_895, %bitcast_convert_type3A_906 : vector<16xf32>
        %get3A_909 = arith.constant 3 : i32
        %get3A_910 = arith.index_cast %get3A_909 : i32 to index
        %get3A_911 = arith.index_cast %scan3A_890 : i32 to index
        %get3A_912 = arith.constant 16 : index
        %get3A_913 = tpu.vector_load %arg6[%get3A_910, %get3A_911, %get3A_912] {strides = array<i32>} : memref<8x100x64xi32, #tpu.memory_space<vmem>>, vector<1x1x16xi32>,
        %get3A_914 = vector.shape_cast %get3A_913 : vector<1x1x16xi32> to vector<16xi32>
        %shift_left3A_915 = arith.constant 16 : i32
        %shift_left3A_916 = vector.broadcast %shift_left3A_915 : i32 to vector<16xi32>
        %shift_left3A_917 = arith.shli %get3A_914, %shift_left3A_916 : vector<16xi32>
        %bitcast_convert_type3A_918 = tpu.bitcast %shift_left3A_917 : vector<16xi32> -> vector<16xf32>
        %bitcast_convert_type3A_919 = tpu.bitcast %get3A_914 : vector<16xi32> -> vector<16xf32>
        %add3A_920 = arith.addf %scan3A_892, %bitcast_convert_type3A_918 : vector<16xf32>
        %add3A_921 = arith.addf %scan3A_896, %bitcast_convert_type3A_919 : vector<16xf32>
        %get3A_922 = arith.constant 3 : i32
        %get3A_923 = arith.index_cast %get3A_922 : i32 to index
        %get3A_924 = arith.index_cast %scan3A_890 : i32 to index
        %get3A_925 = arith.constant 32 : index
        %get3A_926 = tpu.vector_load %arg6[%get3A_923, %get3A_924, %get3A_925] {strides = array<i32>} : memref<8x100x64xi32, #tpu.memory_space<vmem>>, vector<1x1x16xi32>,
        %get3A_927 = vector.shape_cast %get3A_926 : vector<1x1x16xi32> to vector<16xi32>
        %shift_left3A_928 = arith.constant 16 : i32
        %shift_left3A_929 = vector.broadcast %shift_left3A_928 : i32 to vector<16xi32>
        %shift_left3A_930 = arith.shli %get3A_927, %shift_left3A_929 : vector<16xi32>
        %bitcast_convert_type3A_931 = tpu.bitcast %shift_left3A_930 : vector<16xi32> -> vector<16xf32>
        %bitcast_convert_type3A_932 = tpu.bitcast %get3A_927 : vector<16xi32> -> vector<16xf32>
        %add3A_933 = arith.addf %scan3A_893, %bitcast_convert_type3A_931 : vector<16xf32>
        %add3A_934 = arith.addf %scan3A_897, %bitcast_convert_type3A_932 : vector<16xf32>
        %get3A_935 = arith.constant 3 : i32
        %get3A_936 = arith.index_cast %get3A_935 : i32 to index
        %get3A_937 = arith.index_cast %scan3A_890 : i32 to index
        %get3A_938 = arith.constant 48 : index
        %get3A_939 = tpu.vector_load %arg6[%get3A_936, %get3A_937, %get3A_938] {strides = array<i32>} : memref<8x100x64xi32, #tpu.memory_space<vmem>>, vector<1x1x16xi32>,
        %get3A_940 = vector.shape_cast %get3A_939 : vector<1x1x16xi32> to vector<16xi32>
        %shift_left3A_941 = arith.constant 16 : i32
        %shift_left3A_942 = vector.broadcast %shift_left3A_941 : i32 to vector<16xi32>
        %shift_left3A_943 = arith.shli %get3A_940, %shift_left3A_942 : vector<16xi32>
        %bitcast_convert_type3A_944 = tpu.bitcast %shift_left3A_943 : vector<16xi32> -> vector<16xf32>
        %bitcast_convert_type3A_945 = tpu.bitcast %get3A_940 : vector<16xi32> -> vector<16xf32>
        %add3A_946 = arith.addf %scan3A_894, %bitcast_convert_type3A_944 : vector<16xf32>
        %add3A_947 = arith.addf %scan3A_898, %bitcast_convert_type3A_945 : vector<16xf32>
        %scan3A_948 = arith.constant 1 : i32
        %scan3A_949 = arith.addi %scan3A_890, %scan3A_948 : i32
        %get3A_950 = arith.constant 3 : i32
        %get3A_951 = arith.index_cast %get3A_950 : i32 to index
        %get3A_952 = arith.index_cast %scan3A_949 : i32 to index
        %get3A_953 = arith.constant 0 : index
        %get3A_954 = tpu.vector_load %arg6[%get3A_951, %get3A_952, %get3A_953] {strides = array<i32>} : memref<8x100x64xi32, #tpu.memory_space<vmem>>, vector<1x1x16xi32>,
        %get3A_955 = vector.shape_cast %get3A_954 : vector<1x1x16xi32> to vector<16xi32>
        %shift_left3A_956 = arith.constant 16 : i32
        %shift_left3A_957 = vector.broadcast %shift_left3A_956 : i32 to vector<16xi32>
        %shift_left3A_958 = arith.shli %get3A_955, %shift_left3A_957 : vector<16xi32>
        %bitcast_convert_type3A_959 = tpu.bitcast %shift_left3A_958 : vector<16xi32> -> vector<16xf32>
        %bitcast_convert_type3A_960 = tpu.bitcast %get3A_955 : vector<16xi32> -> vector<16xf32>
        %add3A_961 = arith.addf %add3A_907, %bitcast_convert_type3A_959 : vector<16xf32>
        %add3A_962 = arith.addf %add3A_908, %bitcast_convert_type3A_960 : vector<16xf32>
        %get3A_963 = arith.constant 3 : i32
        %get3A_964 = arith.index_cast %get3A_963 : i32 to index
        %get3A_965 = arith.index_cast %scan3A_949 : i32 to index
        %get3A_966 = arith.constant 16 : index
        %get3A_967 = tpu.vector_load %arg6[%get3A_964, %get3A_965, %get3A_966] {strides = array<i32>} : memref<8x100x64xi32, #tpu.memory_space<vmem>>, vector<1x1x16xi32>,
        %get3A_968 = vector.shape_cast %get3A_967 : vector<1x1x16xi32> to vector<16xi32>
        %shift_left3A_969 = arith.constant 16 : i32
        %shift_left3A_970 = vector.broadcast %shift_left3A_969 : i32 to vector<16xi32>
        %shift_left3A_971 = arith.shli %get3A_968, %shift_left3A_970 : vector<16xi32>
        %bitcast_convert_type3A_972 = tpu.bitcast %shift_left3A_971 : vector<16xi32> -> vector<16xf32>
        %bitcast_convert_type3A_973 = tpu.bitcast %get3A_968 : vector<16xi32> -> vector<16xf32>
        %add3A_974 = arith.addf %add3A_920, %bitcast_convert_type3A_972 : vector<16xf32>
        %add3A_975 = arith.addf %add3A_921, %bitcast_convert_type3A_973 : vector<16xf32>
        %get3A_976 = arith.constant 3 : i32
        %get3A_977 = arith.index_cast %get3A_976 : i32 to index
        %get3A_978 = arith.index_cast %scan3A_949 : i32 to index
        %get3A_979 = arith.constant 32 : index
        %get3A_980 = tpu.vector_load %arg6[%get3A_977, %get3A_978, %get3A_979] {strides = array<i32>} : memref<8x100x64xi32, #tpu.memory_space<vmem>>, vector<1x1x16xi32>,
        %get3A_981 = vector.shape_cast %get3A_980 : vector<1x1x16xi32> to vector<16xi32>
        %shift_left3A_982 = arith.constant 16 : i32
        %shift_left3A_983 = vector.broadcast %shift_left3A_982 : i32 to vector<16xi32>
        %shift_left3A_984 = arith.shli %get3A_981, %shift_left3A_983 : vector<16xi32>
        %bitcast_convert_type3A_985 = tpu.bitcast %shift_left3A_984 : vector<16xi32> -> vector<16xf32>
        %bitcast_convert_type3A_986 = tpu.bitcast %get3A_981 : vector<16xi32> -> vector<16xf32>
        %add3A_987 = arith.addf %add3A_933, %bitcast_convert_type3A_985 : vector<16xf32>
        %add3A_988 = arith.addf %add3A_934, %bitcast_convert_type3A_986 : vector<16xf32>
        %get3A_989 = arith.constant 3 : i32
        %get3A_990 = arith.index_cast %get3A_989 : i32 to index
        %get3A_991 = arith.index_cast %scan3A_949 : i32 to index
        %get3A_992 = arith.constant 48 : index
        %get3A_993 = tpu.vector_load %arg6[%get3A_990, %get3A_991, %get3A_992] {strides = array<i32>} : memref<8x100x64xi32, #tpu.memory_space<vmem>>, vector<1x1x16xi32>,
        %get3A_994 = vector.shape_cast %get3A_993 : vector<1x1x16xi32> to vector<16xi32>
        %shift_left3A_995 = arith.constant 16 : i32
        %shift_left3A_996 = vector.broadcast %shift_left3A_995 : i32 to vector<16xi32>
        %shift_left3A_997 = arith.shli %get3A_994, %shift_left3A_996 : vector<16xi32>
        %bitcast_convert_type3A_998 = tpu.bitcast %shift_left3A_997 : vector<16xi32> -> vector<16xf32>
        %bitcast_convert_type3A_999 = tpu.bitcast %get3A_994 : vector<16xi32> -> vector<16xf32>
        %add3A_1000 = arith.addf %add3A_946, %bitcast_convert_type3A_998 : vector<16xf32>
        %add3A_1001 = arith.addf %add3A_947, %bitcast_convert_type3A_999 : vector<16xf32>
        scf.yield %add3A_961, %add3A_974, %add3A_987, %add3A_1000, %add3A_962, %add3A_975, %add3A_988, %add3A_1001 : vector<16xf32>, vector<16xf32>, vector<16xf32>, vector<16xf32>, vector<16xf32>, vector<16xf32>, vector<16xf32>, vector<16xf32>
      }
      %scan3A_431 = arith.constant 100 : i32
      %shift_right_arithmetic3A_432 = arith.constant 1 : i32
      %shift_right_arithmetic3A_433 = arith.shrsi %add3A_391, %shift_right_arithmetic3A_432 : i32
      %mul3A_434 = vector.broadcast %scan3A_88 : f32 to vector<16xf32>
      %mul3A_435 = arith.mulf %scan3A_430#0, %mul3A_434 : vector<16xf32>
      %swap3A_436 = arith.index_cast %shift_right_arithmetic3A_433 : i32 to index
      %swap3A_437 = arith.constant 0 : index
      %swap3A_438 = tpu.vector_load %arg7[%swap3A_436, %swap3A_437] {strides = array<i32>} : memref<128x128xf32, #tpu.memory_space<vmem>>, vector<1x16xf32>,
      %swap3A_439 = vector.shape_cast %swap3A_438 : vector<1x16xf32> to vector<16xf32>
      %swap3A_440 = vector.shape_cast %mul3A_435 : vector<16xf32> to vector<1x16xf32>
      tpu.vector_store %arg7[%swap3A_436, %swap3A_437], %swap3A_440 {add = true, strides = array<i32>} : memref<128x128xf32, #tpu.memory_space<vmem>>, vector<1x16xf32>,
      %mul3A_441 = vector.broadcast %scan3A_88 : f32 to vector<16xf32>
      %mul3A_442 = arith.mulf %scan3A_430#1, %mul3A_441 : vector<16xf32>
      %swap3A_443 = arith.index_cast %shift_right_arithmetic3A_433 : i32 to index
      %swap3A_444 = arith.constant 16 : index
      %swap3A_445 = tpu.vector_load %arg7[%swap3A_443, %swap3A_444] {strides = array<i32>} : memref<128x128xf32, #tpu.memory_space<vmem>>, vector<1x16xf32>,
      %swap3A_446 = vector.shape_cast %swap3A_445 : vector<1x16xf32> to vector<16xf32>
      %swap3A_447 = vector.shape_cast %mul3A_442 : vector<16xf32> to vector<1x16xf32>
      tpu.vector_store %arg7[%swap3A_443, %swap3A_444], %swap3A_447 {add = true, strides = array<i32>} : memref<128x128xf32, #tpu.memory_space<vmem>>, vector<1x16xf32>,
      %mul3A_448 = vector.broadcast %scan3A_88 : f32 to vector<16xf32>
      %mul3A_449 = arith.mulf %scan3A_430#2, %mul3A_448 : vector<16xf32>
      %swap3A_450 = arith.index_cast %shift_right_arithmetic3A_433 : i32 to index
      %swap3A_451 = arith.constant 32 : index
      %swap3A_452 = tpu.vector_load %arg7[%swap3A_450, %swap3A_451] {strides = array<i32>} : memref<128x128xf32, #tpu.memory_space<vmem>>, vector<1x16xf32>,
      %swap3A_453 = vector.shape_cast %swap3A_452 : vector<1x16xf32> to vector<16xf32>
      %swap3A_454 = vector.shape_cast %mul3A_449 : vector<16xf32> to vector<1x16xf32>
      tpu.vector_store %arg7[%swap3A_450, %swap3A_451], %swap3A_454 {add = true, strides = array<i32>} : memref<128x128xf32, #tpu.memory_space<vmem>>, vector<1x16xf32>,
      %mul3A_455 = vector.broadcast %scan3A_88 : f32 to vector<16xf32>
      %mul3A_456 = arith.mulf %scan3A_430#3, %mul3A_455 : vector<16xf32>
      %swap3A_457 = arith.index_cast %shift_right_arithmetic3A_433 : i32 to index
      %swap3A_458 = arith.constant 48 : index
      %swap3A_459 = tpu.vector_load %arg7[%swap3A_457, %swap3A_458] {strides = array<i32>} : memref<128x128xf32, #tpu.memory_space<vmem>>, vector<1x16xf32>,
      %swap3A_460 = vector.shape_cast %swap3A_459 : vector<1x16xf32> to vector<16xf32>
      %swap3A_461 = vector.shape_cast %mul3A_456 : vector<16xf32> to vector<1x16xf32>
      tpu.vector_store %arg7[%swap3A_457, %swap3A_458], %swap3A_461 {add = true, strides = array<i32>} : memref<128x128xf32, #tpu.memory_space<vmem>>, vector<1x16xf32>,
      %mul3A_462 = vector.broadcast %scan3A_88 : f32 to vector<16xf32>
      %mul3A_463 = arith.mulf %scan3A_430#4, %mul3A_462 : vector<16xf32>
      %swap3A_464 = arith.index_cast %shift_right_arithmetic3A_433 : i32 to index
      %swap3A_465 = arith.constant 64 : index
      %swap3A_466 = tpu.vector_load %arg7[%swap3A_464, %swap3A_465] {strides = array<i32>} : memref<128x128xf32, #tpu.memory_space<vmem>>, vector<1x16xf32>,
      %swap3A_467 = vector.shape_cast %swap3A_466 : vector<1x16xf32> to vector<16xf32>
      %swap3A_468 = vector.shape_cast %mul3A_463 : vector<16xf32> to vector<1x16xf32>
      tpu.vector_store %arg7[%swap3A_464, %swap3A_465], %swap3A_468 {add = true, strides = array<i32>} : memref<128x128xf32, #tpu.memory_space<vmem>>, vector<1x16xf32>,
      %mul3A_469 = vector.broadcast %scan3A_88 : f32 to vector<16xf32>
      %mul3A_470 = arith.mulf %scan3A_430#5, %mul3A_469 : vector<16xf32>
      %swap3A_471 = arith.index_cast %shift_right_arithmetic3A_433 : i32 to index
      %swap3A_472 = arith.constant 80 : index
      %swap3A_473 = tpu.vector_load %arg7[%swap3A_471, %swap3A_472] {strides = array<i32>} : memref<128x128xf32, #tpu.memory_space<vmem>>, vector<1x16xf32>,
      %swap3A_474 = vector.shape_cast %swap3A_473 : vector<1x16xf32> to vector<16xf32>
      %swap3A_475 = vector.shape_cast %mul3A_470 : vector<16xf32> to vector<1x16xf32>
      tpu.vector_store %arg7[%swap3A_471, %swap3A_472], %swap3A_475 {add = true, strides = array<i32>} : memref<128x128xf32, #tpu.memory_space<vmem>>, vector<1x16xf32>,
      %mul3A_476 = vector.broadcast %scan3A_88 : f32 to vector<16xf32>
      %mul3A_477 = arith.mulf %scan3A_430#6, %mul3A_476 : vector<16xf32>
      %swap3A_478 = arith.index_cast %shift_right_arithmetic3A_433 : i32 to index
      %swap3A_479 = arith.constant 96 : index
      %swap3A_480 = tpu.vector_load %arg7[%swap3A_478, %swap3A_479] {strides = array<i32>} : memref<128x128xf32, #tpu.memory_space<vmem>>, vector<1x16xf32>,
      %swap3A_481 = vector.shape_cast %swap3A_480 : vector<1x16xf32> to vector<16xf32>
      %swap3A_482 = vector.shape_cast %mul3A_477 : vector<16xf32> to vector<1x16xf32>
      tpu.vector_store %arg7[%swap3A_478, %swap3A_479], %swap3A_482 {add = true, strides = array<i32>} : memref<128x128xf32, #tpu.memory_space<vmem>>, vector<1x16xf32>,
      %mul3A_483 = vector.broadcast %scan3A_88 : f32 to vector<16xf32>
      %mul3A_484 = arith.mulf %scan3A_430#7, %mul3A_483 : vector<16xf32>
      %swap3A_485 = arith.index_cast %shift_right_arithmetic3A_433 : i32 to index
      %swap3A_486 = arith.constant 112 : index
      %swap3A_487 = tpu.vector_load %arg7[%swap3A_485, %swap3A_486] {strides = array<i32>} : memref<128x128xf32, #tpu.memory_space<vmem>>, vector<1x16xf32>,
      %swap3A_488 = vector.shape_cast %swap3A_487 : vector<1x16xf32> to vector<16xf32>
      %swap3A_489 = vector.shape_cast %mul3A_484 : vector<16xf32> to vector<1x16xf32>
      tpu.vector_store %arg7[%swap3A_485, %swap3A_486], %swap3A_489 {add = true, strides = array<i32>} : memref<128x128xf32, #tpu.memory_space<vmem>>, vector<1x16xf32>,
      %add3A_490 = arith.constant 4 : i32
      %add3A_491 = arith.addi %mul3A_96, %add3A_490 : i32
      %add3A_492 = arith.constant 7 : i32
      %add3A_493 = arith.addi %add3A_491, %add3A_492 : i32
      %lt3A_494 = arith.constant 256 : i32
      %lt3A_495 = arith.cmpi slt, %add3A_493, %lt3A_494 : i32
      %convert_element_type3A_496 = arith.extui %lt3A_495 : i1 to i32
      %cond3A_497 = arith.constant 0 : i32
      %cond3A_498 = arith.cmpi ne, %convert_element_type3A_496, %cond3A_497 : i32
      scf.if %cond3A_498 {
        %dma_start3A_890 = arith.constant 3 : i32
        %dma_start3A_891 = arith.constant 0 : i32
        %dma_start3A_892 = arith.constant 0 : i32
        %dma_start3A_893 = tpu.memref_slice %arg6[%dma_start3A_890, %dma_start3A_891, %dma_start3A_892] : memref<8x100x64xi32, #tpu.memory_space<vmem>> -> memref<1x100x64xi32, #tpu.memory_space<vmem>>
        %dma_start3A_894 = tpu.memref_squeeze %dma_start3A_893 : memref<1x100x64xi32, #tpu.memory_space<vmem>> -> memref<100x64xi32, #tpu.memory_space<vmem>>
        %dma_start3A_895 = arith.constant 0 : i32
        %dma_start3A_896 = tpu.memref_slice %arg5[%add3A_493, %dma_start3A_895] : memref<256x100xi32, #tpu.memory_space<vmem>> -> memref<1x100xi32, #tpu.memory_space<vmem>>
        %dma_start3A_897 = tpu.memref_squeeze %dma_start3A_896 : memref<1x100xi32, #tpu.memory_space<vmem>> -> memref<100xi32, #tpu.memory_space<vmem>>
        %dma_start3A_898 = arith.constant 0 : i32
        %dma_start3A_899 = arith.constant 0 : i32
        %dma_start3A_900 = tpu.memref_slice %arg3[%dma_start3A_898, %dma_start3A_899] : memref<100000x64xi32, #tpu.memory_space<hbm>> -> memref<100000x64xi32, #tpu.memory_space<hbm>>
        tpu.enqueue_indirect_dma source(%dma_start3A_900 : memref<100000x64xi32, #tpu.memory_space<hbm>>) target(%dma_start3A_894 : memref<100x64xi32, #tpu.memory_space<vmem>>) offsets(%dma_start3A_897 : memref<100xi32, #tpu.memory_space<vmem>>) semaphore(%arg11 : memref<!tpu.dma_semaphore, #tpu.memory_space<semaphore_mem>>)
      } else {
      }
      %dma_wait3A_499 = arith.constant 4 : i32
      %dma_wait3A_500 = arith.constant 0 : i32
      %dma_wait3A_501 = arith.constant 0 : i32
      %dma_wait3A_502 = tpu.memref_slice %arg6[%dma_wait3A_499, %dma_wait3A_500, %dma_wait3A_501] : memref<8x100x64xi32, #tpu.memory_space<vmem>> -> memref<1x100x64xi32, #tpu.memory_space<vmem>>
      %dma_wait3A_503 = tpu.memref_squeeze %dma_wait3A_502 : memref<1x100x64xi32, #tpu.memory_space<vmem>> -> memref<100x64xi32, #tpu.memory_space<vmem>>
      %dma_wait3A_504 = arith.constant 0 : i32
      %dma_wait3A_505 = tpu.memref_slice %arg5[%add3A_491, %dma_wait3A_504] : memref<256x100xi32, #tpu.memory_space<vmem>> -> memref<1x100xi32, #tpu.memory_space<vmem>>
      %dma_wait3A_506 = tpu.memref_squeeze %dma_wait3A_505 : memref<1x100xi32, #tpu.memory_space<vmem>> -> memref<100xi32, #tpu.memory_space<vmem>>
      %dma_wait3A_507 = arith.constant 0 : i32
      %dma_wait3A_508 = arith.constant 0 : i32
      %dma_wait3A_509 = tpu.memref_slice %arg3[%dma_wait3A_507, %dma_wait3A_508] : memref<100000x64xi32, #tpu.memory_space<hbm>> -> memref<100000x64xi32, #tpu.memory_space<hbm>>
      tpu.wait_indirect_dma semaphore(%arg12 : memref<!tpu.dma_semaphore, #tpu.memory_space<semaphore_mem>>) src(%dma_wait3A_509 : memref<100000x64xi32, #tpu.memory_space<hbm>>) dst(%dma_wait3A_503 : memref<100x64xi32, #tpu.memory_space<vmem>>)
      %broadcast_in_dim3A_510 = arith.constant 0.000000e+00 : f32
      %broadcast_in_dim3A_511 = vector.broadcast %broadcast_in_dim3A_510 : f32 to vector<16xf32>
      %broadcast_in_dim3A_512 = arith.constant 0.000000e+00 : f32
      %broadcast_in_dim3A_513 = vector.broadcast %broadcast_in_dim3A_512 : f32 to vector<16xf32>
      %broadcast_in_dim3A_514 = arith.constant 0.000000e+00 : f32
      %broadcast_in_dim3A_515 = vector.broadcast %broadcast_in_dim3A_514 : f32 to vector<16xf32>
      %broadcast_in_dim3A_516 = arith.constant 0.000000e+00 : f32
      %broadcast_in_dim3A_517 = vector.broadcast %broadcast_in_dim3A_516 : f32 to vector<16xf32>
      %broadcast_in_dim3A_518 = arith.constant 0.000000e+00 : f32
      %broadcast_in_dim3A_519 = vector.broadcast %broadcast_in_dim3A_518 : f32 to vector<16xf32>
      %broadcast_in_dim3A_520 = arith.constant 0.000000e+00 : f32
      %broadcast_in_dim3A_521 = vector.broadcast %broadcast_in_dim3A_520 : f32 to vector<16xf32>
      %broadcast_in_dim3A_522 = arith.constant 0.000000e+00 : f32
      %broadcast_in_dim3A_523 = vector.broadcast %broadcast_in_dim3A_522 : f32 to vector<16xf32>
      %broadcast_in_dim3A_524 = arith.constant 0.000000e+00 : f32
      %broadcast_in_dim3A_525 = vector.broadcast %broadcast_in_dim3A_524 : f32 to vector<16xf32>
      %scan3A_526 = arith.constant 0 : i32
      %scan3A_527 = arith.constant 100 : i32
      %scan3A_528 = arith.addi %scan3A_526, %scan3A_527 : i32
      %scan3A_529 = arith.constant 2 : i32
      %scan3A_530:8 = scf.for %scan3A_890 = %scan3A_526 to %scan3A_528 step %scan3A_529 iter_args(%scan3A_891 = %broadcast_in_dim3A_511, %scan3A_892 = %broadcast_in_dim3A_513, %scan3A_893 = %broadcast_in_dim3A_515, %scan3A_894 = %broadcast_in_dim3A_517, %scan3A_895 = %broadcast_in_dim3A_519, %scan3A_896 = %broadcast_in_dim3A_521, %scan3A_897 = %broadcast_in_dim3A_523, %scan3A_898 = %broadcast_in_dim3A_525) -> (vector<16xf32>, vector<16xf32>, vector<16xf32>, vector<16xf32>, vector<16xf32>, vector<16xf32>, vector<16xf32>, vector<16xf32>)  : i32 {
        %get3A = arith.constant 4 : i32
        %get3A_899 = arith.index_cast %get3A : i32 to index
        %get3A_900 = arith.index_cast %scan3A_890 : i32 to index
        %get3A_901 = arith.constant 0 : index
        %get3A_902 = tpu.vector_load %arg6[%get3A_899, %get3A_900, %get3A_901] {strides = array<i32>} : memref<8x100x64xi32, #tpu.memory_space<vmem>>, vector<1x1x16xi32>,
        %get3A_903 = vector.shape_cast %get3A_902 : vector<1x1x16xi32> to vector<16xi32>
        %shift_left3A = arith.constant 16 : i32
        %shift_left3A_904 = vector.broadcast %shift_left3A : i32 to vector<16xi32>
        %shift_left3A_905 = arith.shli %get3A_903, %shift_left3A_904 : vector<16xi32>
        %bitcast_convert_type3A = tpu.bitcast %shift_left3A_905 : vector<16xi32> -> vector<16xf32>
        %bitcast_convert_type3A_906 = tpu.bitcast %get3A_903 : vector<16xi32> -> vector<16xf32>
        %add3A_907 = arith.addf %scan3A_891, %bitcast_convert_type3A : vector<16xf32>
        %add3A_908 = arith.addf %scan3A_895, %bitcast_convert_type3A_906 : vector<16xf32>
        %get3A_909 = arith.constant 4 : i32
        %get3A_910 = arith.index_cast %get3A_909 : i32 to index
        %get3A_911 = arith.index_cast %scan3A_890 : i32 to index
        %get3A_912 = arith.constant 16 : index
        %get3A_913 = tpu.vector_load %arg6[%get3A_910, %get3A_911, %get3A_912] {strides = array<i32>} : memref<8x100x64xi32, #tpu.memory_space<vmem>>, vector<1x1x16xi32>,
        %get3A_914 = vector.shape_cast %get3A_913 : vector<1x1x16xi32> to vector<16xi32>
        %shift_left3A_915 = arith.constant 16 : i32
        %shift_left3A_916 = vector.broadcast %shift_left3A_915 : i32 to vector<16xi32>
        %shift_left3A_917 = arith.shli %get3A_914, %shift_left3A_916 : vector<16xi32>
        %bitcast_convert_type3A_918 = tpu.bitcast %shift_left3A_917 : vector<16xi32> -> vector<16xf32>
        %bitcast_convert_type3A_919 = tpu.bitcast %get3A_914 : vector<16xi32> -> vector<16xf32>
        %add3A_920 = arith.addf %scan3A_892, %bitcast_convert_type3A_918 : vector<16xf32>
        %add3A_921 = arith.addf %scan3A_896, %bitcast_convert_type3A_919 : vector<16xf32>
        %get3A_922 = arith.constant 4 : i32
        %get3A_923 = arith.index_cast %get3A_922 : i32 to index
        %get3A_924 = arith.index_cast %scan3A_890 : i32 to index
        %get3A_925 = arith.constant 32 : index
        %get3A_926 = tpu.vector_load %arg6[%get3A_923, %get3A_924, %get3A_925] {strides = array<i32>} : memref<8x100x64xi32, #tpu.memory_space<vmem>>, vector<1x1x16xi32>,
        %get3A_927 = vector.shape_cast %get3A_926 : vector<1x1x16xi32> to vector<16xi32>
        %shift_left3A_928 = arith.constant 16 : i32
        %shift_left3A_929 = vector.broadcast %shift_left3A_928 : i32 to vector<16xi32>
        %shift_left3A_930 = arith.shli %get3A_927, %shift_left3A_929 : vector<16xi32>
        %bitcast_convert_type3A_931 = tpu.bitcast %shift_left3A_930 : vector<16xi32> -> vector<16xf32>
        %bitcast_convert_type3A_932 = tpu.bitcast %get3A_927 : vector<16xi32> -> vector<16xf32>
        %add3A_933 = arith.addf %scan3A_893, %bitcast_convert_type3A_931 : vector<16xf32>
        %add3A_934 = arith.addf %scan3A_897, %bitcast_convert_type3A_932 : vector<16xf32>
        %get3A_935 = arith.constant 4 : i32
        %get3A_936 = arith.index_cast %get3A_935 : i32 to index
        %get3A_937 = arith.index_cast %scan3A_890 : i32 to index
        %get3A_938 = arith.constant 48 : index
        %get3A_939 = tpu.vector_load %arg6[%get3A_936, %get3A_937, %get3A_938] {strides = array<i32>} : memref<8x100x64xi32, #tpu.memory_space<vmem>>, vector<1x1x16xi32>,
        %get3A_940 = vector.shape_cast %get3A_939 : vector<1x1x16xi32> to vector<16xi32>
        %shift_left3A_941 = arith.constant 16 : i32
        %shift_left3A_942 = vector.broadcast %shift_left3A_941 : i32 to vector<16xi32>
        %shift_left3A_943 = arith.shli %get3A_940, %shift_left3A_942 : vector<16xi32>
        %bitcast_convert_type3A_944 = tpu.bitcast %shift_left3A_943 : vector<16xi32> -> vector<16xf32>
        %bitcast_convert_type3A_945 = tpu.bitcast %get3A_940 : vector<16xi32> -> vector<16xf32>
        %add3A_946 = arith.addf %scan3A_894, %bitcast_convert_type3A_944 : vector<16xf32>
        %add3A_947 = arith.addf %scan3A_898, %bitcast_convert_type3A_945 : vector<16xf32>
        %scan3A_948 = arith.constant 1 : i32
        %scan3A_949 = arith.addi %scan3A_890, %scan3A_948 : i32
        %get3A_950 = arith.constant 4 : i32
        %get3A_951 = arith.index_cast %get3A_950 : i32 to index
        %get3A_952 = arith.index_cast %scan3A_949 : i32 to index
        %get3A_953 = arith.constant 0 : index
        %get3A_954 = tpu.vector_load %arg6[%get3A_951, %get3A_952, %get3A_953] {strides = array<i32>} : memref<8x100x64xi32, #tpu.memory_space<vmem>>, vector<1x1x16xi32>,
        %get3A_955 = vector.shape_cast %get3A_954 : vector<1x1x16xi32> to vector<16xi32>
        %shift_left3A_956 = arith.constant 16 : i32
        %shift_left3A_957 = vector.broadcast %shift_left3A_956 : i32 to vector<16xi32>
        %shift_left3A_958 = arith.shli %get3A_955, %shift_left3A_957 : vector<16xi32>
        %bitcast_convert_type3A_959 = tpu.bitcast %shift_left3A_958 : vector<16xi32> -> vector<16xf32>
        %bitcast_convert_type3A_960 = tpu.bitcast %get3A_955 : vector<16xi32> -> vector<16xf32>
        %add3A_961 = arith.addf %add3A_907, %bitcast_convert_type3A_959 : vector<16xf32>
        %add3A_962 = arith.addf %add3A_908, %bitcast_convert_type3A_960 : vector<16xf32>
        %get3A_963 = arith.constant 4 : i32
        %get3A_964 = arith.index_cast %get3A_963 : i32 to index
        %get3A_965 = arith.index_cast %scan3A_949 : i32 to index
        %get3A_966 = arith.constant 16 : index
        %get3A_967 = tpu.vector_load %arg6[%get3A_964, %get3A_965, %get3A_966] {strides = array<i32>} : memref<8x100x64xi32, #tpu.memory_space<vmem>>, vector<1x1x16xi32>,
        %get3A_968 = vector.shape_cast %get3A_967 : vector<1x1x16xi32> to vector<16xi32>
        %shift_left3A_969 = arith.constant 16 : i32
        %shift_left3A_970 = vector.broadcast %shift_left3A_969 : i32 to vector<16xi32>
        %shift_left3A_971 = arith.shli %get3A_968, %shift_left3A_970 : vector<16xi32>
        %bitcast_convert_type3A_972 = tpu.bitcast %shift_left3A_971 : vector<16xi32> -> vector<16xf32>
        %bitcast_convert_type3A_973 = tpu.bitcast %get3A_968 : vector<16xi32> -> vector<16xf32>
        %add3A_974 = arith.addf %add3A_920, %bitcast_convert_type3A_972 : vector<16xf32>
        %add3A_975 = arith.addf %add3A_921, %bitcast_convert_type3A_973 : vector<16xf32>
        %get3A_976 = arith.constant 4 : i32
        %get3A_977 = arith.index_cast %get3A_976 : i32 to index
        %get3A_978 = arith.index_cast %scan3A_949 : i32 to index
        %get3A_979 = arith.constant 32 : index
        %get3A_980 = tpu.vector_load %arg6[%get3A_977, %get3A_978, %get3A_979] {strides = array<i32>} : memref<8x100x64xi32, #tpu.memory_space<vmem>>, vector<1x1x16xi32>,
        %get3A_981 = vector.shape_cast %get3A_980 : vector<1x1x16xi32> to vector<16xi32>
        %shift_left3A_982 = arith.constant 16 : i32
        %shift_left3A_983 = vector.broadcast %shift_left3A_982 : i32 to vector<16xi32>
        %shift_left3A_984 = arith.shli %get3A_981, %shift_left3A_983 : vector<16xi32>
        %bitcast_convert_type3A_985 = tpu.bitcast %shift_left3A_984 : vector<16xi32> -> vector<16xf32>
        %bitcast_convert_type3A_986 = tpu.bitcast %get3A_981 : vector<16xi32> -> vector<16xf32>
        %add3A_987 = arith.addf %add3A_933, %bitcast_convert_type3A_985 : vector<16xf32>
        %add3A_988 = arith.addf %add3A_934, %bitcast_convert_type3A_986 : vector<16xf32>
        %get3A_989 = arith.constant 4 : i32
        %get3A_990 = arith.index_cast %get3A_989 : i32 to index
        %get3A_991 = arith.index_cast %scan3A_949 : i32 to index
        %get3A_992 = arith.constant 48 : index
        %get3A_993 = tpu.vector_load %arg6[%get3A_990, %get3A_991, %get3A_992] {strides = array<i32>} : memref<8x100x64xi32, #tpu.memory_space<vmem>>, vector<1x1x16xi32>,
        %get3A_994 = vector.shape_cast %get3A_993 : vector<1x1x16xi32> to vector<16xi32>
        %shift_left3A_995 = arith.constant 16 : i32
        %shift_left3A_996 = vector.broadcast %shift_left3A_995 : i32 to vector<16xi32>
        %shift_left3A_997 = arith.shli %get3A_994, %shift_left3A_996 : vector<16xi32>
        %bitcast_convert_type3A_998 = tpu.bitcast %shift_left3A_997 : vector<16xi32> -> vector<16xf32>
        %bitcast_convert_type3A_999 = tpu.bitcast %get3A_994 : vector<16xi32> -> vector<16xf32>
        %add3A_1000 = arith.addf %add3A_946, %bitcast_convert_type3A_998 : vector<16xf32>
        %add3A_1001 = arith.addf %add3A_947, %bitcast_convert_type3A_999 : vector<16xf32>
        scf.yield %add3A_961, %add3A_974, %add3A_987, %add3A_1000, %add3A_962, %add3A_975, %add3A_988, %add3A_1001 : vector<16xf32>, vector<16xf32>, vector<16xf32>, vector<16xf32>, vector<16xf32>, vector<16xf32>, vector<16xf32>, vector<16xf32>
      }
      %scan3A_531 = arith.constant 100 : i32
      %shift_right_arithmetic3A_532 = arith.constant 1 : i32
      %shift_right_arithmetic3A_533 = arith.shrsi %add3A_491, %shift_right_arithmetic3A_532 : i32
      %mul3A_534 = vector.broadcast %scan3A_88 : f32 to vector<16xf32>
      %mul3A_535 = arith.mulf %scan3A_530#0, %mul3A_534 : vector<16xf32>
      %swap3A_536 = arith.index_cast %shift_right_arithmetic3A_533 : i32 to index
      %swap3A_537 = arith.constant 0 : index
      %swap3A_538 = tpu.vector_load %arg7[%swap3A_536, %swap3A_537] {strides = array<i32>} : memref<128x128xf32, #tpu.memory_space<vmem>>, vector<1x16xf32>,
      %swap3A_539 = vector.shape_cast %swap3A_538 : vector<1x16xf32> to vector<16xf32>
      %swap3A_540 = vector.shape_cast %mul3A_535 : vector<16xf32> to vector<1x16xf32>
      tpu.vector_store %arg7[%swap3A_536, %swap3A_537], %swap3A_540 {strides = array<i32>} : memref<128x128xf32, #tpu.memory_space<vmem>>, vector<1x16xf32>,
      %mul3A_541 = vector.broadcast %scan3A_88 : f32 to vector<16xf32>
      %mul3A_542 = arith.mulf %scan3A_530#1, %mul3A_541 : vector<16xf32>
      %swap3A_543 = arith.index_cast %shift_right_arithmetic3A_533 : i32 to index
      %swap3A_544 = arith.constant 16 : index
      %swap3A_545 = tpu.vector_load %arg7[%swap3A_543, %swap3A_544] {strides = array<i32>} : memref<128x128xf32, #tpu.memory_space<vmem>>, vector<1x16xf32>,
      %swap3A_546 = vector.shape_cast %swap3A_545 : vector<1x16xf32> to vector<16xf32>
      %swap3A_547 = vector.shape_cast %mul3A_542 : vector<16xf32> to vector<1x16xf32>
      tpu.vector_store %arg7[%swap3A_543, %swap3A_544], %swap3A_547 {strides = array<i32>} : memref<128x128xf32, #tpu.memory_space<vmem>>, vector<1x16xf32>,
      %mul3A_548 = vector.broadcast %scan3A_88 : f32 to vector<16xf32>
      %mul3A_549 = arith.mulf %scan3A_530#2, %mul3A_548 : vector<16xf32>
      %swap3A_550 = arith.index_cast %shift_right_arithmetic3A_533 : i32 to index
      %swap3A_551 = arith.constant 32 : index
      %swap3A_552 = tpu.vector_load %arg7[%swap3A_550, %swap3A_551] {strides = array<i32>} : memref<128x128xf32, #tpu.memory_space<vmem>>, vector<1x16xf32>,
      %swap3A_553 = vector.shape_cast %swap3A_552 : vector<1x16xf32> to vector<16xf32>
      %swap3A_554 = vector.shape_cast %mul3A_549 : vector<16xf32> to vector<1x16xf32>
      tpu.vector_store %arg7[%swap3A_550, %swap3A_551], %swap3A_554 {strides = array<i32>} : memref<128x128xf32, #tpu.memory_space<vmem>>, vector<1x16xf32>,
      %mul3A_555 = vector.broadcast %scan3A_88 : f32 to vector<16xf32>
      %mul3A_556 = arith.mulf %scan3A_530#3, %mul3A_555 : vector<16xf32>
      %swap3A_557 = arith.index_cast %shift_right_arithmetic3A_533 : i32 to index
      %swap3A_558 = arith.constant 48 : index
      %swap3A_559 = tpu.vector_load %arg7[%swap3A_557, %swap3A_558] {strides = array<i32>} : memref<128x128xf32, #tpu.memory_space<vmem>>, vector<1x16xf32>,
      %swap3A_560 = vector.shape_cast %swap3A_559 : vector<1x16xf32> to vector<16xf32>
      %swap3A_561 = vector.shape_cast %mul3A_556 : vector<16xf32> to vector<1x16xf32>
      tpu.vector_store %arg7[%swap3A_557, %swap3A_558], %swap3A_561 {strides = array<i32>} : memref<128x128xf32, #tpu.memory_space<vmem>>, vector<1x16xf32>,
      %mul3A_562 = vector.broadcast %scan3A_88 : f32 to vector<16xf32>
      %mul3A_563 = arith.mulf %scan3A_530#4, %mul3A_562 : vector<16xf32>
      %swap3A_564 = arith.index_cast %shift_right_arithmetic3A_533 : i32 to index
      %swap3A_565 = arith.constant 64 : index
      %swap3A_566 = tpu.vector_load %arg7[%swap3A_564, %swap3A_565] {strides = array<i32>} : memref<128x128xf32, #tpu.memory_space<vmem>>, vector<1x16xf32>,
      %swap3A_567 = vector.shape_cast %swap3A_566 : vector<1x16xf32> to vector<16xf32>
      %swap3A_568 = vector.shape_cast %mul3A_563 : vector<16xf32> to vector<1x16xf32>
      tpu.vector_store %arg7[%swap3A_564, %swap3A_565], %swap3A_568 {strides = array<i32>} : memref<128x128xf32, #tpu.memory_space<vmem>>, vector<1x16xf32>,
      %mul3A_569 = vector.broadcast %scan3A_88 : f32 to vector<16xf32>
      %mul3A_570 = arith.mulf %scan3A_530#5, %mul3A_569 : vector<16xf32>
      %swap3A_571 = arith.index_cast %shift_right_arithmetic3A_533 : i32 to index
      %swap3A_572 = arith.constant 80 : index
      %swap3A_573 = tpu.vector_load %arg7[%swap3A_571, %swap3A_572] {strides = array<i32>} : memref<128x128xf32, #tpu.memory_space<vmem>>, vector<1x16xf32>,
      %swap3A_574 = vector.shape_cast %swap3A_573 : vector<1x16xf32> to vector<16xf32>
      %swap3A_575 = vector.shape_cast %mul3A_570 : vector<16xf32> to vector<1x16xf32>
      tpu.vector_store %arg7[%swap3A_571, %swap3A_572], %swap3A_575 {strides = array<i32>} : memref<128x128xf32, #tpu.memory_space<vmem>>, vector<1x16xf32>,
      %mul3A_576 = vector.broadcast %scan3A_88 : f32 to vector<16xf32>
      %mul3A_577 = arith.mulf %scan3A_530#6, %mul3A_576 : vector<16xf32>
      %swap3A_578 = arith.index_cast %shift_right_arithmetic3A_533 : i32 to index
      %swap3A_579 = arith.constant 96 : index
      %swap3A_580 = tpu.vector_load %arg7[%swap3A_578, %swap3A_579] {strides = array<i32>} : memref<128x128xf32, #tpu.memory_space<vmem>>, vector<1x16xf32>,
      %swap3A_581 = vector.shape_cast %swap3A_580 : vector<1x16xf32> to vector<16xf32>
      %swap3A_582 = vector.shape_cast %mul3A_577 : vector<16xf32> to vector<1x16xf32>
      tpu.vector_store %arg7[%swap3A_578, %swap3A_579], %swap3A_582 {strides = array<i32>} : memref<128x128xf32, #tpu.memory_space<vmem>>, vector<1x16xf32>,
      %mul3A_583 = vector.broadcast %scan3A_88 : f32 to vector<16xf32>
      %mul3A_584 = arith.mulf %scan3A_530#7, %mul3A_583 : vector<16xf32>
      %swap3A_585 = arith.index_cast %shift_right_arithmetic3A_533 : i32 to index
      %swap3A_586 = arith.constant 112 : index
      %swap3A_587 = tpu.vector_load %arg7[%swap3A_585, %swap3A_586] {strides = array<i32>} : memref<128x128xf32, #tpu.memory_space<vmem>>, vector<1x16xf32>,
      %swap3A_588 = vector.shape_cast %swap3A_587 : vector<1x16xf32> to vector<16xf32>
      %swap3A_589 = vector.shape_cast %mul3A_584 : vector<16xf32> to vector<1x16xf32>
      tpu.vector_store %arg7[%swap3A_585, %swap3A_586], %swap3A_589 {strides = array<i32>} : memref<128x128xf32, #tpu.memory_space<vmem>>, vector<1x16xf32>,
      %add3A_590 = arith.constant 5 : i32
      %add3A_591 = arith.addi %mul3A_96, %add3A_590 : i32
      %add3A_592 = arith.constant 7 : i32
      %add3A_593 = arith.addi %add3A_591, %add3A_592 : i32
      %lt3A_594 = arith.constant 256 : i32
      %lt3A_595 = arith.cmpi slt, %add3A_593, %lt3A_594 : i32
      %convert_element_type3A_596 = arith.extui %lt3A_595 : i1 to i32
      %cond3A_597 = arith.constant 0 : i32
      %cond3A_598 = arith.cmpi ne, %convert_element_type3A_596, %cond3A_597 : i32
      scf.if %cond3A_598 {
        %dma_start3A_890 = arith.constant 4 : i32
        %dma_start3A_891 = arith.constant 0 : i32
        %dma_start3A_892 = arith.constant 0 : i32
        %dma_start3A_893 = tpu.memref_slice %arg6[%dma_start3A_890, %dma_start3A_891, %dma_start3A_892] : memref<8x100x64xi32, #tpu.memory_space<vmem>> -> memref<1x100x64xi32, #tpu.memory_space<vmem>>
        %dma_start3A_894 = tpu.memref_squeeze %dma_start3A_893 : memref<1x100x64xi32, #tpu.memory_space<vmem>> -> memref<100x64xi32, #tpu.memory_space<vmem>>
        %dma_start3A_895 = arith.constant 0 : i32
        %dma_start3A_896 = tpu.memref_slice %arg5[%add3A_593, %dma_start3A_895] : memref<256x100xi32, #tpu.memory_space<vmem>> -> memref<1x100xi32, #tpu.memory_space<vmem>>
        %dma_start3A_897 = tpu.memref_squeeze %dma_start3A_896 : memref<1x100xi32, #tpu.memory_space<vmem>> -> memref<100xi32, #tpu.memory_space<vmem>>
        %dma_start3A_898 = arith.constant 0 : i32
        %dma_start3A_899 = arith.constant 0 : i32
        %dma_start3A_900 = tpu.memref_slice %arg3[%dma_start3A_898, %dma_start3A_899] : memref<100000x64xi32, #tpu.memory_space<hbm>> -> memref<100000x64xi32, #tpu.memory_space<hbm>>
        tpu.enqueue_indirect_dma source(%dma_start3A_900 : memref<100000x64xi32, #tpu.memory_space<hbm>>) target(%dma_start3A_894 : memref<100x64xi32, #tpu.memory_space<vmem>>) offsets(%dma_start3A_897 : memref<100xi32, #tpu.memory_space<vmem>>) semaphore(%arg12 : memref<!tpu.dma_semaphore, #tpu.memory_space<semaphore_mem>>)
      } else {
      }
      %dma_wait3A_599 = arith.constant 5 : i32
      %dma_wait3A_600 = arith.constant 0 : i32
      %dma_wait3A_601 = arith.constant 0 : i32
      %dma_wait3A_602 = tpu.memref_slice %arg6[%dma_wait3A_599, %dma_wait3A_600, %dma_wait3A_601] : memref<8x100x64xi32, #tpu.memory_space<vmem>> -> memref<1x100x64xi32, #tpu.memory_space<vmem>>
      %dma_wait3A_603 = tpu.memref_squeeze %dma_wait3A_602 : memref<1x100x64xi32, #tpu.memory_space<vmem>> -> memref<100x64xi32, #tpu.memory_space<vmem>>
      %dma_wait3A_604 = arith.constant 0 : i32
      %dma_wait3A_605 = tpu.memref_slice %arg5[%add3A_591, %dma_wait3A_604] : memref<256x100xi32, #tpu.memory_space<vmem>> -> memref<1x100xi32, #tpu.memory_space<vmem>>
      %dma_wait3A_606 = tpu.memref_squeeze %dma_wait3A_605 : memref<1x100xi32, #tpu.memory_space<vmem>> -> memref<100xi32, #tpu.memory_space<vmem>>
      %dma_wait3A_607 = arith.constant 0 : i32
      %dma_wait3A_608 = arith.constant 0 : i32
      %dma_wait3A_609 = tpu.memref_slice %arg3[%dma_wait3A_607, %dma_wait3A_608] : memref<100000x64xi32, #tpu.memory_space<hbm>> -> memref<100000x64xi32, #tpu.memory_space<hbm>>
      tpu.wait_indirect_dma semaphore(%arg13 : memref<!tpu.dma_semaphore, #tpu.memory_space<semaphore_mem>>) src(%dma_wait3A_609 : memref<100000x64xi32, #tpu.memory_space<hbm>>) dst(%dma_wait3A_603 : memref<100x64xi32, #tpu.memory_space<vmem>>)
      %broadcast_in_dim3A_610 = arith.constant 0.000000e+00 : f32
      %broadcast_in_dim3A_611 = vector.broadcast %broadcast_in_dim3A_610 : f32 to vector<16xf32>
      %broadcast_in_dim3A_612 = arith.constant 0.000000e+00 : f32
      %broadcast_in_dim3A_613 = vector.broadcast %broadcast_in_dim3A_612 : f32 to vector<16xf32>
      %broadcast_in_dim3A_614 = arith.constant 0.000000e+00 : f32
      %broadcast_in_dim3A_615 = vector.broadcast %broadcast_in_dim3A_614 : f32 to vector<16xf32>
      %broadcast_in_dim3A_616 = arith.constant 0.000000e+00 : f32
      %broadcast_in_dim3A_617 = vector.broadcast %broadcast_in_dim3A_616 : f32 to vector<16xf32>
      %broadcast_in_dim3A_618 = arith.constant 0.000000e+00 : f32
      %broadcast_in_dim3A_619 = vector.broadcast %broadcast_in_dim3A_618 : f32 to vector<16xf32>
      %broadcast_in_dim3A_620 = arith.constant 0.000000e+00 : f32
      %broadcast_in_dim3A_621 = vector.broadcast %broadcast_in_dim3A_620 : f32 to vector<16xf32>
      %broadcast_in_dim3A_622 = arith.constant 0.000000e+00 : f32
      %broadcast_in_dim3A_623 = vector.broadcast %broadcast_in_dim3A_622 : f32 to vector<16xf32>
      %broadcast_in_dim3A_624 = arith.constant 0.000000e+00 : f32
      %broadcast_in_dim3A_625 = vector.broadcast %broadcast_in_dim3A_624 : f32 to vector<16xf32>
      %scan3A_626 = arith.constant 0 : i32
      %scan3A_627 = arith.constant 100 : i32
      %scan3A_628 = arith.addi %scan3A_626, %scan3A_627 : i32
      %scan3A_629 = arith.constant 2 : i32
      %scan3A_630:8 = scf.for %scan3A_890 = %scan3A_626 to %scan3A_628 step %scan3A_629 iter_args(%scan3A_891 = %broadcast_in_dim3A_611, %scan3A_892 = %broadcast_in_dim3A_613, %scan3A_893 = %broadcast_in_dim3A_615, %scan3A_894 = %broadcast_in_dim3A_617, %scan3A_895 = %broadcast_in_dim3A_619, %scan3A_896 = %broadcast_in_dim3A_621, %scan3A_897 = %broadcast_in_dim3A_623, %scan3A_898 = %broadcast_in_dim3A_625) -> (vector<16xf32>, vector<16xf32>, vector<16xf32>, vector<16xf32>, vector<16xf32>, vector<16xf32>, vector<16xf32>, vector<16xf32>)  : i32 {
        %get3A = arith.constant 5 : i32
        %get3A_899 = arith.index_cast %get3A : i32 to index
        %get3A_900 = arith.index_cast %scan3A_890 : i32 to index
        %get3A_901 = arith.constant 0 : index
        %get3A_902 = tpu.vector_load %arg6[%get3A_899, %get3A_900, %get3A_901] {strides = array<i32>} : memref<8x100x64xi32, #tpu.memory_space<vmem>>, vector<1x1x16xi32>,
        %get3A_903 = vector.shape_cast %get3A_902 : vector<1x1x16xi32> to vector<16xi32>
        %shift_left3A = arith.constant 16 : i32
        %shift_left3A_904 = vector.broadcast %shift_left3A : i32 to vector<16xi32>
        %shift_left3A_905 = arith.shli %get3A_903, %shift_left3A_904 : vector<16xi32>
        %bitcast_convert_type3A = tpu.bitcast %shift_left3A_905 : vector<16xi32> -> vector<16xf32>
        %bitcast_convert_type3A_906 = tpu.bitcast %get3A_903 : vector<16xi32> -> vector<16xf32>
        %add3A_907 = arith.addf %scan3A_891, %bitcast_convert_type3A : vector<16xf32>
        %add3A_908 = arith.addf %scan3A_895, %bitcast_convert_type3A_906 : vector<16xf32>
        %get3A_909 = arith.constant 5 : i32
        %get3A_910 = arith.index_cast %get3A_909 : i32 to index
        %get3A_911 = arith.index_cast %scan3A_890 : i32 to index
        %get3A_912 = arith.constant 16 : index
        %get3A_913 = tpu.vector_load %arg6[%get3A_910, %get3A_911, %get3A_912] {strides = array<i32>} : memref<8x100x64xi32, #tpu.memory_space<vmem>>, vector<1x1x16xi32>,
        %get3A_914 = vector.shape_cast %get3A_913 : vector<1x1x16xi32> to vector<16xi32>
        %shift_left3A_915 = arith.constant 16 : i32
        %shift_left3A_916 = vector.broadcast %shift_left3A_915 : i32 to vector<16xi32>
        %shift_left3A_917 = arith.shli %get3A_914, %shift_left3A_916 : vector<16xi32>
        %bitcast_convert_type3A_918 = tpu.bitcast %shift_left3A_917 : vector<16xi32> -> vector<16xf32>
        %bitcast_convert_type3A_919 = tpu.bitcast %get3A_914 : vector<16xi32> -> vector<16xf32>
        %add3A_920 = arith.addf %scan3A_892, %bitcast_convert_type3A_918 : vector<16xf32>
        %add3A_921 = arith.addf %scan3A_896, %bitcast_convert_type3A_919 : vector<16xf32>
        %get3A_922 = arith.constant 5 : i32
        %get3A_923 = arith.index_cast %get3A_922 : i32 to index
        %get3A_924 = arith.index_cast %scan3A_890 : i32 to index
        %get3A_925 = arith.constant 32 : index
        %get3A_926 = tpu.vector_load %arg6[%get3A_923, %get3A_924, %get3A_925] {strides = array<i32>} : memref<8x100x64xi32, #tpu.memory_space<vmem>>, vector<1x1x16xi32>,
        %get3A_927 = vector.shape_cast %get3A_926 : vector<1x1x16xi32> to vector<16xi32>
        %shift_left3A_928 = arith.constant 16 : i32
        %shift_left3A_929 = vector.broadcast %shift_left3A_928 : i32 to vector<16xi32>
        %shift_left3A_930 = arith.shli %get3A_927, %shift_left3A_929 : vector<16xi32>
        %bitcast_convert_type3A_931 = tpu.bitcast %shift_left3A_930 : vector<16xi32> -> vector<16xf32>
        %bitcast_convert_type3A_932 = tpu.bitcast %get3A_927 : vector<16xi32> -> vector<16xf32>
        %add3A_933 = arith.addf %scan3A_893, %bitcast_convert_type3A_931 : vector<16xf32>
        %add3A_934 = arith.addf %scan3A_897, %bitcast_convert_type3A_932 : vector<16xf32>
        %get3A_935 = arith.constant 5 : i32
        %get3A_936 = arith.index_cast %get3A_935 : i32 to index
        %get3A_937 = arith.index_cast %scan3A_890 : i32 to index
        %get3A_938 = arith.constant 48 : index
        %get3A_939 = tpu.vector_load %arg6[%get3A_936, %get3A_937, %get3A_938] {strides = array<i32>} : memref<8x100x64xi32, #tpu.memory_space<vmem>>, vector<1x1x16xi32>,
        %get3A_940 = vector.shape_cast %get3A_939 : vector<1x1x16xi32> to vector<16xi32>
        %shift_left3A_941 = arith.constant 16 : i32
        %shift_left3A_942 = vector.broadcast %shift_left3A_941 : i32 to vector<16xi32>
        %shift_left3A_943 = arith.shli %get3A_940, %shift_left3A_942 : vector<16xi32>
        %bitcast_convert_type3A_944 = tpu.bitcast %shift_left3A_943 : vector<16xi32> -> vector<16xf32>
        %bitcast_convert_type3A_945 = tpu.bitcast %get3A_940 : vector<16xi32> -> vector<16xf32>
        %add3A_946 = arith.addf %scan3A_894, %bitcast_convert_type3A_944 : vector<16xf32>
        %add3A_947 = arith.addf %scan3A_898, %bitcast_convert_type3A_945 : vector<16xf32>
        %scan3A_948 = arith.constant 1 : i32
        %scan3A_949 = arith.addi %scan3A_890, %scan3A_948 : i32
        %get3A_950 = arith.constant 5 : i32
        %get3A_951 = arith.index_cast %get3A_950 : i32 to index
        %get3A_952 = arith.index_cast %scan3A_949 : i32 to index
        %get3A_953 = arith.constant 0 : index
        %get3A_954 = tpu.vector_load %arg6[%get3A_951, %get3A_952, %get3A_953] {strides = array<i32>} : memref<8x100x64xi32, #tpu.memory_space<vmem>>, vector<1x1x16xi32>,
        %get3A_955 = vector.shape_cast %get3A_954 : vector<1x1x16xi32> to vector<16xi32>
        %shift_left3A_956 = arith.constant 16 : i32
        %shift_left3A_957 = vector.broadcast %shift_left3A_956 : i32 to vector<16xi32>
        %shift_left3A_958 = arith.shli %get3A_955, %shift_left3A_957 : vector<16xi32>
        %bitcast_convert_type3A_959 = tpu.bitcast %shift_left3A_958 : vector<16xi32> -> vector<16xf32>
        %bitcast_convert_type3A_960 = tpu.bitcast %get3A_955 : vector<16xi32> -> vector<16xf32>
        %add3A_961 = arith.addf %add3A_907, %bitcast_convert_type3A_959 : vector<16xf32>
        %add3A_962 = arith.addf %add3A_908, %bitcast_convert_type3A_960 : vector<16xf32>
        %get3A_963 = arith.constant 5 : i32
        %get3A_964 = arith.index_cast %get3A_963 : i32 to index
        %get3A_965 = arith.index_cast %scan3A_949 : i32 to index
        %get3A_966 = arith.constant 16 : index
        %get3A_967 = tpu.vector_load %arg6[%get3A_964, %get3A_965, %get3A_966] {strides = array<i32>} : memref<8x100x64xi32, #tpu.memory_space<vmem>>, vector<1x1x16xi32>,
        %get3A_968 = vector.shape_cast %get3A_967 : vector<1x1x16xi32> to vector<16xi32>
        %shift_left3A_969 = arith.constant 16 : i32
        %shift_left3A_970 = vector.broadcast %shift_left3A_969 : i32 to vector<16xi32>
        %shift_left3A_971 = arith.shli %get3A_968, %shift_left3A_970 : vector<16xi32>
        %bitcast_convert_type3A_972 = tpu.bitcast %shift_left3A_971 : vector<16xi32> -> vector<16xf32>
        %bitcast_convert_type3A_973 = tpu.bitcast %get3A_968 : vector<16xi32> -> vector<16xf32>
        %add3A_974 = arith.addf %add3A_920, %bitcast_convert_type3A_972 : vector<16xf32>
        %add3A_975 = arith.addf %add3A_921, %bitcast_convert_type3A_973 : vector<16xf32>
        %get3A_976 = arith.constant 5 : i32
        %get3A_977 = arith.index_cast %get3A_976 : i32 to index
        %get3A_978 = arith.index_cast %scan3A_949 : i32 to index
        %get3A_979 = arith.constant 32 : index
        %get3A_980 = tpu.vector_load %arg6[%get3A_977, %get3A_978, %get3A_979] {strides = array<i32>} : memref<8x100x64xi32, #tpu.memory_space<vmem>>, vector<1x1x16xi32>,
        %get3A_981 = vector.shape_cast %get3A_980 : vector<1x1x16xi32> to vector<16xi32>
        %shift_left3A_982 = arith.constant 16 : i32
        %shift_left3A_983 = vector.broadcast %shift_left3A_982 : i32 to vector<16xi32>
        %shift_left3A_984 = arith.shli %get3A_981, %shift_left3A_983 : vector<16xi32>
        %bitcast_convert_type3A_985 = tpu.bitcast %shift_left3A_984 : vector<16xi32> -> vector<16xf32>
        %bitcast_convert_type3A_986 = tpu.bitcast %get3A_981 : vector<16xi32> -> vector<16xf32>
        %add3A_987 = arith.addf %add3A_933, %bitcast_convert_type3A_985 : vector<16xf32>
        %add3A_988 = arith.addf %add3A_934, %bitcast_convert_type3A_986 : vector<16xf32>
        %get3A_989 = arith.constant 5 : i32
        %get3A_990 = arith.index_cast %get3A_989 : i32 to index
        %get3A_991 = arith.index_cast %scan3A_949 : i32 to index
        %get3A_992 = arith.constant 48 : index
        %get3A_993 = tpu.vector_load %arg6[%get3A_990, %get3A_991, %get3A_992] {strides = array<i32>} : memref<8x100x64xi32, #tpu.memory_space<vmem>>, vector<1x1x16xi32>,
        %get3A_994 = vector.shape_cast %get3A_993 : vector<1x1x16xi32> to vector<16xi32>
        %shift_left3A_995 = arith.constant 16 : i32
        %shift_left3A_996 = vector.broadcast %shift_left3A_995 : i32 to vector<16xi32>
        %shift_left3A_997 = arith.shli %get3A_994, %shift_left3A_996 : vector<16xi32>
        %bitcast_convert_type3A_998 = tpu.bitcast %shift_left3A_997 : vector<16xi32> -> vector<16xf32>
        %bitcast_convert_type3A_999 = tpu.bitcast %get3A_994 : vector<16xi32> -> vector<16xf32>
        %add3A_1000 = arith.addf %add3A_946, %bitcast_convert_type3A_998 : vector<16xf32>
        %add3A_1001 = arith.addf %add3A_947, %bitcast_convert_type3A_999 : vector<16xf32>
        scf.yield %add3A_961, %add3A_974, %add3A_987, %add3A_1000, %add3A_962, %add3A_975, %add3A_988, %add3A_1001 : vector<16xf32>, vector<16xf32>, vector<16xf32>, vector<16xf32>, vector<16xf32>, vector<16xf32>, vector<16xf32>, vector<16xf32>
      }
      %scan3A_631 = arith.constant 100 : i32
      %shift_right_arithmetic3A_632 = arith.constant 1 : i32
      %shift_right_arithmetic3A_633 = arith.shrsi %add3A_591, %shift_right_arithmetic3A_632 : i32
      %mul3A_634 = vector.broadcast %scan3A_88 : f32 to vector<16xf32>
      %mul3A_635 = arith.mulf %scan3A_630#0, %mul3A_634 : vector<16xf32>
      %swap3A_636 = arith.index_cast %shift_right_arithmetic3A_633 : i32 to index
      %swap3A_637 = arith.constant 0 : index
      %swap3A_638 = tpu.vector_load %arg7[%swap3A_636, %swap3A_637] {strides = array<i32>} : memref<128x128xf32, #tpu.memory_space<vmem>>, vector<1x16xf32>,
      %swap3A_639 = vector.shape_cast %swap3A_638 : vector<1x16xf32> to vector<16xf32>
      %swap3A_640 = vector.shape_cast %mul3A_635 : vector<16xf32> to vector<1x16xf32>
      tpu.vector_store %arg7[%swap3A_636, %swap3A_637], %swap3A_640 {add = true, strides = array<i32>} : memref<128x128xf32, #tpu.memory_space<vmem>>, vector<1x16xf32>,
      %mul3A_641 = vector.broadcast %scan3A_88 : f32 to vector<16xf32>
      %mul3A_642 = arith.mulf %scan3A_630#1, %mul3A_641 : vector<16xf32>
      %swap3A_643 = arith.index_cast %shift_right_arithmetic3A_633 : i32 to index
      %swap3A_644 = arith.constant 16 : index
      %swap3A_645 = tpu.vector_load %arg7[%swap3A_643, %swap3A_644] {strides = array<i32>} : memref<128x128xf32, #tpu.memory_space<vmem>>, vector<1x16xf32>,
      %swap3A_646 = vector.shape_cast %swap3A_645 : vector<1x16xf32> to vector<16xf32>
      %swap3A_647 = vector.shape_cast %mul3A_642 : vector<16xf32> to vector<1x16xf32>
      tpu.vector_store %arg7[%swap3A_643, %swap3A_644], %swap3A_647 {add = true, strides = array<i32>} : memref<128x128xf32, #tpu.memory_space<vmem>>, vector<1x16xf32>,
      %mul3A_648 = vector.broadcast %scan3A_88 : f32 to vector<16xf32>
      %mul3A_649 = arith.mulf %scan3A_630#2, %mul3A_648 : vector<16xf32>
      %swap3A_650 = arith.index_cast %shift_right_arithmetic3A_633 : i32 to index
      %swap3A_651 = arith.constant 32 : index
      %swap3A_652 = tpu.vector_load %arg7[%swap3A_650, %swap3A_651] {strides = array<i32>} : memref<128x128xf32, #tpu.memory_space<vmem>>, vector<1x16xf32>,
      %swap3A_653 = vector.shape_cast %swap3A_652 : vector<1x16xf32> to vector<16xf32>
      %swap3A_654 = vector.shape_cast %mul3A_649 : vector<16xf32> to vector<1x16xf32>
      tpu.vector_store %arg7[%swap3A_650, %swap3A_651], %swap3A_654 {add = true, strides = array<i32>} : memref<128x128xf32, #tpu.memory_space<vmem>>, vector<1x16xf32>,
      %mul3A_655 = vector.broadcast %scan3A_88 : f32 to vector<16xf32>
      %mul3A_656 = arith.mulf %scan3A_630#3, %mul3A_655 : vector<16xf32>
      %swap3A_657 = arith.index_cast %shift_right_arithmetic3A_633 : i32 to index
      %swap3A_658 = arith.constant 48 : index
      %swap3A_659 = tpu.vector_load %arg7[%swap3A_657, %swap3A_658] {strides = array<i32>} : memref<128x128xf32, #tpu.memory_space<vmem>>, vector<1x16xf32>,
      %swap3A_660 = vector.shape_cast %swap3A_659 : vector<1x16xf32> to vector<16xf32>
      %swap3A_661 = vector.shape_cast %mul3A_656 : vector<16xf32> to vector<1x16xf32>
      tpu.vector_store %arg7[%swap3A_657, %swap3A_658], %swap3A_661 {add = true, strides = array<i32>} : memref<128x128xf32, #tpu.memory_space<vmem>>, vector<1x16xf32>,
      %mul3A_662 = vector.broadcast %scan3A_88 : f32 to vector<16xf32>
      %mul3A_663 = arith.mulf %scan3A_630#4, %mul3A_662 : vector<16xf32>
      %swap3A_664 = arith.index_cast %shift_right_arithmetic3A_633 : i32 to index
      %swap3A_665 = arith.constant 64 : index
      %swap3A_666 = tpu.vector_load %arg7[%swap3A_664, %swap3A_665] {strides = array<i32>} : memref<128x128xf32, #tpu.memory_space<vmem>>, vector<1x16xf32>,
      %swap3A_667 = vector.shape_cast %swap3A_666 : vector<1x16xf32> to vector<16xf32>
      %swap3A_668 = vector.shape_cast %mul3A_663 : vector<16xf32> to vector<1x16xf32>
      tpu.vector_store %arg7[%swap3A_664, %swap3A_665], %swap3A_668 {add = true, strides = array<i32>} : memref<128x128xf32, #tpu.memory_space<vmem>>, vector<1x16xf32>,
      %mul3A_669 = vector.broadcast %scan3A_88 : f32 to vector<16xf32>
      %mul3A_670 = arith.mulf %scan3A_630#5, %mul3A_669 : vector<16xf32>
      %swap3A_671 = arith.index_cast %shift_right_arithmetic3A_633 : i32 to index
      %swap3A_672 = arith.constant 80 : index
      %swap3A_673 = tpu.vector_load %arg7[%swap3A_671, %swap3A_672] {strides = array<i32>} : memref<128x128xf32, #tpu.memory_space<vmem>>, vector<1x16xf32>,
      %swap3A_674 = vector.shape_cast %swap3A_673 : vector<1x16xf32> to vector<16xf32>
      %swap3A_675 = vector.shape_cast %mul3A_670 : vector<16xf32> to vector<1x16xf32>
      tpu.vector_store %arg7[%swap3A_671, %swap3A_672], %swap3A_675 {add = true, strides = array<i32>} : memref<128x128xf32, #tpu.memory_space<vmem>>, vector<1x16xf32>,
      %mul3A_676 = vector.broadcast %scan3A_88 : f32 to vector<16xf32>
      %mul3A_677 = arith.mulf %scan3A_630#6, %mul3A_676 : vector<16xf32>
      %swap3A_678 = arith.index_cast %shift_right_arithmetic3A_633 : i32 to index
      %swap3A_679 = arith.constant 96 : index
      %swap3A_680 = tpu.vector_load %arg7[%swap3A_678, %swap3A_679] {strides = array<i32>} : memref<128x128xf32, #tpu.memory_space<vmem>>, vector<1x16xf32>,
      %swap3A_681 = vector.shape_cast %swap3A_680 : vector<1x16xf32> to vector<16xf32>
      %swap3A_682 = vector.shape_cast %mul3A_677 : vector<16xf32> to vector<1x16xf32>
      tpu.vector_store %arg7[%swap3A_678, %swap3A_679], %swap3A_682 {add = true, strides = array<i32>} : memref<128x128xf32, #tpu.memory_space<vmem>>, vector<1x16xf32>,
      %mul3A_683 = vector.broadcast %scan3A_88 : f32 to vector<16xf32>
      %mul3A_684 = arith.mulf %scan3A_630#7, %mul3A_683 : vector<16xf32>
      %swap3A_685 = arith.index_cast %shift_right_arithmetic3A_633 : i32 to index
      %swap3A_686 = arith.constant 112 : index
      %swap3A_687 = tpu.vector_load %arg7[%swap3A_685, %swap3A_686] {strides = array<i32>} : memref<128x128xf32, #tpu.memory_space<vmem>>, vector<1x16xf32>,
      %swap3A_688 = vector.shape_cast %swap3A_687 : vector<1x16xf32> to vector<16xf32>
      %swap3A_689 = vector.shape_cast %mul3A_684 : vector<16xf32> to vector<1x16xf32>
      tpu.vector_store %arg7[%swap3A_685, %swap3A_686], %swap3A_689 {add = true, strides = array<i32>} : memref<128x128xf32, #tpu.memory_space<vmem>>, vector<1x16xf32>,
      %add3A_690 = arith.constant 6 : i32
      %add3A_691 = arith.addi %mul3A_96, %add3A_690 : i32
      %add3A_692 = arith.constant 7 : i32
      %add3A_693 = arith.addi %add3A_691, %add3A_692 : i32
      %lt3A_694 = arith.constant 256 : i32
      %lt3A_695 = arith.cmpi slt, %add3A_693, %lt3A_694 : i32
      %convert_element_type3A_696 = arith.extui %lt3A_695 : i1 to i32
      %cond3A_697 = arith.constant 0 : i32
      %cond3A_698 = arith.cmpi ne, %convert_element_type3A_696, %cond3A_697 : i32
      scf.if %cond3A_698 {
        %dma_start3A_890 = arith.constant 5 : i32
        %dma_start3A_891 = arith.constant 0 : i32
        %dma_start3A_892 = arith.constant 0 : i32
        %dma_start3A_893 = tpu.memref_slice %arg6[%dma_start3A_890, %dma_start3A_891, %dma_start3A_892] : memref<8x100x64xi32, #tpu.memory_space<vmem>> -> memref<1x100x64xi32, #tpu.memory_space<vmem>>
        %dma_start3A_894 = tpu.memref_squeeze %dma_start3A_893 : memref<1x100x64xi32, #tpu.memory_space<vmem>> -> memref<100x64xi32, #tpu.memory_space<vmem>>
        %dma_start3A_895 = arith.constant 0 : i32
        %dma_start3A_896 = tpu.memref_slice %arg5[%add3A_693, %dma_start3A_895] : memref<256x100xi32, #tpu.memory_space<vmem>> -> memref<1x100xi32, #tpu.memory_space<vmem>>
        %dma_start3A_897 = tpu.memref_squeeze %dma_start3A_896 : memref<1x100xi32, #tpu.memory_space<vmem>> -> memref<100xi32, #tpu.memory_space<vmem>>
        %dma_start3A_898 = arith.constant 0 : i32
        %dma_start3A_899 = arith.constant 0 : i32
        %dma_start3A_900 = tpu.memref_slice %arg3[%dma_start3A_898, %dma_start3A_899] : memref<100000x64xi32, #tpu.memory_space<hbm>> -> memref<100000x64xi32, #tpu.memory_space<hbm>>
        tpu.enqueue_indirect_dma source(%dma_start3A_900 : memref<100000x64xi32, #tpu.memory_space<hbm>>) target(%dma_start3A_894 : memref<100x64xi32, #tpu.memory_space<vmem>>) offsets(%dma_start3A_897 : memref<100xi32, #tpu.memory_space<vmem>>) semaphore(%arg13 : memref<!tpu.dma_semaphore, #tpu.memory_space<semaphore_mem>>)
      } else {
      }
      %dma_wait3A_699 = arith.constant 6 : i32
      %dma_wait3A_700 = arith.constant 0 : i32
      %dma_wait3A_701 = arith.constant 0 : i32
      %dma_wait3A_702 = tpu.memref_slice %arg6[%dma_wait3A_699, %dma_wait3A_700, %dma_wait3A_701] : memref<8x100x64xi32, #tpu.memory_space<vmem>> -> memref<1x100x64xi32, #tpu.memory_space<vmem>>
      %dma_wait3A_703 = tpu.memref_squeeze %dma_wait3A_702 : memref<1x100x64xi32, #tpu.memory_space<vmem>> -> memref<100x64xi32, #tpu.memory_space<vmem>>
      %dma_wait3A_704 = arith.constant 0 : i32
      %dma_wait3A_705 = tpu.memref_slice %arg5[%add3A_691, %dma_wait3A_704] : memref<256x100xi32, #tpu.memory_space<vmem>> -> memref<1x100xi32, #tpu.memory_space<vmem>>
      %dma_wait3A_706 = tpu.memref_squeeze %dma_wait3A_705 : memref<1x100xi32, #tpu.memory_space<vmem>> -> memref<100xi32, #tpu.memory_space<vmem>>
      %dma_wait3A_707 = arith.constant 0 : i32
      %dma_wait3A_708 = arith.constant 0 : i32
      %dma_wait3A_709 = tpu.memref_slice %arg3[%dma_wait3A_707, %dma_wait3A_708] : memref<100000x64xi32, #tpu.memory_space<hbm>> -> memref<100000x64xi32, #tpu.memory_space<hbm>>
      tpu.wait_indirect_dma semaphore(%arg14 : memref<!tpu.dma_semaphore, #tpu.memory_space<semaphore_mem>>) src(%dma_wait3A_709 : memref<100000x64xi32, #tpu.memory_space<hbm>>) dst(%dma_wait3A_703 : memref<100x64xi32, #tpu.memory_space<vmem>>)
      %broadcast_in_dim3A_710 = arith.constant 0.000000e+00 : f32
      %broadcast_in_dim3A_711 = vector.broadcast %broadcast_in_dim3A_710 : f32 to vector<16xf32>
      %broadcast_in_dim3A_712 = arith.constant 0.000000e+00 : f32
      %broadcast_in_dim3A_713 = vector.broadcast %broadcast_in_dim3A_712 : f32 to vector<16xf32>
      %broadcast_in_dim3A_714 = arith.constant 0.000000e+00 : f32
      %broadcast_in_dim3A_715 = vector.broadcast %broadcast_in_dim3A_714 : f32 to vector<16xf32>
      %broadcast_in_dim3A_716 = arith.constant 0.000000e+00 : f32
      %broadcast_in_dim3A_717 = vector.broadcast %broadcast_in_dim3A_716 : f32 to vector<16xf32>
      %broadcast_in_dim3A_718 = arith.constant 0.000000e+00 : f32
      %broadcast_in_dim3A_719 = vector.broadcast %broadcast_in_dim3A_718 : f32 to vector<16xf32>
      %broadcast_in_dim3A_720 = arith.constant 0.000000e+00 : f32
      %broadcast_in_dim3A_721 = vector.broadcast %broadcast_in_dim3A_720 : f32 to vector<16xf32>
      %broadcast_in_dim3A_722 = arith.constant 0.000000e+00 : f32
      %broadcast_in_dim3A_723 = vector.broadcast %broadcast_in_dim3A_722 : f32 to vector<16xf32>
      %broadcast_in_dim3A_724 = arith.constant 0.000000e+00 : f32
      %broadcast_in_dim3A_725 = vector.broadcast %broadcast_in_dim3A_724 : f32 to vector<16xf32>
      %scan3A_726 = arith.constant 0 : i32
      %scan3A_727 = arith.constant 100 : i32
      %scan3A_728 = arith.addi %scan3A_726, %scan3A_727 : i32
      %scan3A_729 = arith.constant 2 : i32
      %scan3A_730:8 = scf.for %scan3A_890 = %scan3A_726 to %scan3A_728 step %scan3A_729 iter_args(%scan3A_891 = %broadcast_in_dim3A_711, %scan3A_892 = %broadcast_in_dim3A_713, %scan3A_893 = %broadcast_in_dim3A_715, %scan3A_894 = %broadcast_in_dim3A_717, %scan3A_895 = %broadcast_in_dim3A_719, %scan3A_896 = %broadcast_in_dim3A_721, %scan3A_897 = %broadcast_in_dim3A_723, %scan3A_898 = %broadcast_in_dim3A_725) -> (vector<16xf32>, vector<16xf32>, vector<16xf32>, vector<16xf32>, vector<16xf32>, vector<16xf32>, vector<16xf32>, vector<16xf32>)  : i32 {
        %get3A = arith.constant 6 : i32
        %get3A_899 = arith.index_cast %get3A : i32 to index
        %get3A_900 = arith.index_cast %scan3A_890 : i32 to index
        %get3A_901 = arith.constant 0 : index
        %get3A_902 = tpu.vector_load %arg6[%get3A_899, %get3A_900, %get3A_901] {strides = array<i32>} : memref<8x100x64xi32, #tpu.memory_space<vmem>>, vector<1x1x16xi32>,
        %get3A_903 = vector.shape_cast %get3A_902 : vector<1x1x16xi32> to vector<16xi32>
        %shift_left3A = arith.constant 16 : i32
        %shift_left3A_904 = vector.broadcast %shift_left3A : i32 to vector<16xi32>
        %shift_left3A_905 = arith.shli %get3A_903, %shift_left3A_904 : vector<16xi32>
        %bitcast_convert_type3A = tpu.bitcast %shift_left3A_905 : vector<16xi32> -> vector<16xf32>
        %bitcast_convert_type3A_906 = tpu.bitcast %get3A_903 : vector<16xi32> -> vector<16xf32>
        %add3A_907 = arith.addf %scan3A_891, %bitcast_convert_type3A : vector<16xf32>
        %add3A_908 = arith.addf %scan3A_895, %bitcast_convert_type3A_906 : vector<16xf32>
        %get3A_909 = arith.constant 6 : i32
        %get3A_910 = arith.index_cast %get3A_909 : i32 to index
        %get3A_911 = arith.index_cast %scan3A_890 : i32 to index
        %get3A_912 = arith.constant 16 : index
        %get3A_913 = tpu.vector_load %arg6[%get3A_910, %get3A_911, %get3A_912] {strides = array<i32>} : memref<8x100x64xi32, #tpu.memory_space<vmem>>, vector<1x1x16xi32>,
        %get3A_914 = vector.shape_cast %get3A_913 : vector<1x1x16xi32> to vector<16xi32>
        %shift_left3A_915 = arith.constant 16 : i32
        %shift_left3A_916 = vector.broadcast %shift_left3A_915 : i32 to vector<16xi32>
        %shift_left3A_917 = arith.shli %get3A_914, %shift_left3A_916 : vector<16xi32>
        %bitcast_convert_type3A_918 = tpu.bitcast %shift_left3A_917 : vector<16xi32> -> vector<16xf32>
        %bitcast_convert_type3A_919 = tpu.bitcast %get3A_914 : vector<16xi32> -> vector<16xf32>
        %add3A_920 = arith.addf %scan3A_892, %bitcast_convert_type3A_918 : vector<16xf32>
        %add3A_921 = arith.addf %scan3A_896, %bitcast_convert_type3A_919 : vector<16xf32>
        %get3A_922 = arith.constant 6 : i32
        %get3A_923 = arith.index_cast %get3A_922 : i32 to index
        %get3A_924 = arith.index_cast %scan3A_890 : i32 to index
        %get3A_925 = arith.constant 32 : index
        %get3A_926 = tpu.vector_load %arg6[%get3A_923, %get3A_924, %get3A_925] {strides = array<i32>} : memref<8x100x64xi32, #tpu.memory_space<vmem>>, vector<1x1x16xi32>,
        %get3A_927 = vector.shape_cast %get3A_926 : vector<1x1x16xi32> to vector<16xi32>
        %shift_left3A_928 = arith.constant 16 : i32
        %shift_left3A_929 = vector.broadcast %shift_left3A_928 : i32 to vector<16xi32>
        %shift_left3A_930 = arith.shli %get3A_927, %shift_left3A_929 : vector<16xi32>
        %bitcast_convert_type3A_931 = tpu.bitcast %shift_left3A_930 : vector<16xi32> -> vector<16xf32>
        %bitcast_convert_type3A_932 = tpu.bitcast %get3A_927 : vector<16xi32> -> vector<16xf32>
        %add3A_933 = arith.addf %scan3A_893, %bitcast_convert_type3A_931 : vector<16xf32>
        %add3A_934 = arith.addf %scan3A_897, %bitcast_convert_type3A_932 : vector<16xf32>
        %get3A_935 = arith.constant 6 : i32
        %get3A_936 = arith.index_cast %get3A_935 : i32 to index
        %get3A_937 = arith.index_cast %scan3A_890 : i32 to index
        %get3A_938 = arith.constant 48 : index
        %get3A_939 = tpu.vector_load %arg6[%get3A_936, %get3A_937, %get3A_938] {strides = array<i32>} : memref<8x100x64xi32, #tpu.memory_space<vmem>>, vector<1x1x16xi32>,
        %get3A_940 = vector.shape_cast %get3A_939 : vector<1x1x16xi32> to vector<16xi32>
        %shift_left3A_941 = arith.constant 16 : i32
        %shift_left3A_942 = vector.broadcast %shift_left3A_941 : i32 to vector<16xi32>
        %shift_left3A_943 = arith.shli %get3A_940, %shift_left3A_942 : vector<16xi32>
        %bitcast_convert_type3A_944 = tpu.bitcast %shift_left3A_943 : vector<16xi32> -> vector<16xf32>
        %bitcast_convert_type3A_945 = tpu.bitcast %get3A_940 : vector<16xi32> -> vector<16xf32>
        %add3A_946 = arith.addf %scan3A_894, %bitcast_convert_type3A_944 : vector<16xf32>
        %add3A_947 = arith.addf %scan3A_898, %bitcast_convert_type3A_945 : vector<16xf32>
        %scan3A_948 = arith.constant 1 : i32
        %scan3A_949 = arith.addi %scan3A_890, %scan3A_948 : i32
        %get3A_950 = arith.constant 6 : i32
        %get3A_951 = arith.index_cast %get3A_950 : i32 to index
        %get3A_952 = arith.index_cast %scan3A_949 : i32 to index
        %get3A_953 = arith.constant 0 : index
        %get3A_954 = tpu.vector_load %arg6[%get3A_951, %get3A_952, %get3A_953] {strides = array<i32>} : memref<8x100x64xi32, #tpu.memory_space<vmem>>, vector<1x1x16xi32>,
        %get3A_955 = vector.shape_cast %get3A_954 : vector<1x1x16xi32> to vector<16xi32>
        %shift_left3A_956 = arith.constant 16 : i32
        %shift_left3A_957 = vector.broadcast %shift_left3A_956 : i32 to vector<16xi32>
        %shift_left3A_958 = arith.shli %get3A_955, %shift_left3A_957 : vector<16xi32>
        %bitcast_convert_type3A_959 = tpu.bitcast %shift_left3A_958 : vector<16xi32> -> vector<16xf32>
        %bitcast_convert_type3A_960 = tpu.bitcast %get3A_955 : vector<16xi32> -> vector<16xf32>
        %add3A_961 = arith.addf %add3A_907, %bitcast_convert_type3A_959 : vector<16xf32>
        %add3A_962 = arith.addf %add3A_908, %bitcast_convert_type3A_960 : vector<16xf32>
        %get3A_963 = arith.constant 6 : i32
        %get3A_964 = arith.index_cast %get3A_963 : i32 to index
        %get3A_965 = arith.index_cast %scan3A_949 : i32 to index
        %get3A_966 = arith.constant 16 : index
        %get3A_967 = tpu.vector_load %arg6[%get3A_964, %get3A_965, %get3A_966] {strides = array<i32>} : memref<8x100x64xi32, #tpu.memory_space<vmem>>, vector<1x1x16xi32>,
        %get3A_968 = vector.shape_cast %get3A_967 : vector<1x1x16xi32> to vector<16xi32>
        %shift_left3A_969 = arith.constant 16 : i32
        %shift_left3A_970 = vector.broadcast %shift_left3A_969 : i32 to vector<16xi32>
        %shift_left3A_971 = arith.shli %get3A_968, %shift_left3A_970 : vector<16xi32>
        %bitcast_convert_type3A_972 = tpu.bitcast %shift_left3A_971 : vector<16xi32> -> vector<16xf32>
        %bitcast_convert_type3A_973 = tpu.bitcast %get3A_968 : vector<16xi32> -> vector<16xf32>
        %add3A_974 = arith.addf %add3A_920, %bitcast_convert_type3A_972 : vector<16xf32>
        %add3A_975 = arith.addf %add3A_921, %bitcast_convert_type3A_973 : vector<16xf32>
        %get3A_976 = arith.constant 6 : i32
        %get3A_977 = arith.index_cast %get3A_976 : i32 to index
        %get3A_978 = arith.index_cast %scan3A_949 : i32 to index
        %get3A_979 = arith.constant 32 : index
        %get3A_980 = tpu.vector_load %arg6[%get3A_977, %get3A_978, %get3A_979] {strides = array<i32>} : memref<8x100x64xi32, #tpu.memory_space<vmem>>, vector<1x1x16xi32>,
        %get3A_981 = vector.shape_cast %get3A_980 : vector<1x1x16xi32> to vector<16xi32>
        %shift_left3A_982 = arith.constant 16 : i32
        %shift_left3A_983 = vector.broadcast %shift_left3A_982 : i32 to vector<16xi32>
        %shift_left3A_984 = arith.shli %get3A_981, %shift_left3A_983 : vector<16xi32>
        %bitcast_convert_type3A_985 = tpu.bitcast %shift_left3A_984 : vector<16xi32> -> vector<16xf32>
        %bitcast_convert_type3A_986 = tpu.bitcast %get3A_981 : vector<16xi32> -> vector<16xf32>
        %add3A_987 = arith.addf %add3A_933, %bitcast_convert_type3A_985 : vector<16xf32>
        %add3A_988 = arith.addf %add3A_934, %bitcast_convert_type3A_986 : vector<16xf32>
        %get3A_989 = arith.constant 6 : i32
        %get3A_990 = arith.index_cast %get3A_989 : i32 to index
        %get3A_991 = arith.index_cast %scan3A_949 : i32 to index
        %get3A_992 = arith.constant 48 : index
        %get3A_993 = tpu.vector_load %arg6[%get3A_990, %get3A_991, %get3A_992] {strides = array<i32>} : memref<8x100x64xi32, #tpu.memory_space<vmem>>, vector<1x1x16xi32>,
        %get3A_994 = vector.shape_cast %get3A_993 : vector<1x1x16xi32> to vector<16xi32>
        %shift_left3A_995 = arith.constant 16 : i32
        %shift_left3A_996 = vector.broadcast %shift_left3A_995 : i32 to vector<16xi32>
        %shift_left3A_997 = arith.shli %get3A_994, %shift_left3A_996 : vector<16xi32>
        %bitcast_convert_type3A_998 = tpu.bitcast %shift_left3A_997 : vector<16xi32> -> vector<16xf32>
        %bitcast_convert_type3A_999 = tpu.bitcast %get3A_994 : vector<16xi32> -> vector<16xf32>
        %add3A_1000 = arith.addf %add3A_946, %bitcast_convert_type3A_998 : vector<16xf32>
        %add3A_1001 = arith.addf %add3A_947, %bitcast_convert_type3A_999 : vector<16xf32>
        scf.yield %add3A_961, %add3A_974, %add3A_987, %add3A_1000, %add3A_962, %add3A_975, %add3A_988, %add3A_1001 : vector<16xf32>, vector<16xf32>, vector<16xf32>, vector<16xf32>, vector<16xf32>, vector<16xf32>, vector<16xf32>, vector<16xf32>
      }
      %scan3A_731 = arith.constant 100 : i32
      %shift_right_arithmetic3A_732 = arith.constant 1 : i32
      %shift_right_arithmetic3A_733 = arith.shrsi %add3A_691, %shift_right_arithmetic3A_732 : i32
      %mul3A_734 = vector.broadcast %scan3A_88 : f32 to vector<16xf32>
      %mul3A_735 = arith.mulf %scan3A_730#0, %mul3A_734 : vector<16xf32>
      %swap3A_736 = arith.index_cast %shift_right_arithmetic3A_733 : i32 to index
      %swap3A_737 = arith.constant 0 : index
      %swap3A_738 = tpu.vector_load %arg7[%swap3A_736, %swap3A_737] {strides = array<i32>} : memref<128x128xf32, #tpu.memory_space<vmem>>, vector<1x16xf32>,
      %swap3A_739 = vector.shape_cast %swap3A_738 : vector<1x16xf32> to vector<16xf32>
      %swap3A_740 = vector.shape_cast %mul3A_735 : vector<16xf32> to vector<1x16xf32>
      tpu.vector_store %arg7[%swap3A_736, %swap3A_737], %swap3A_740 {strides = array<i32>} : memref<128x128xf32, #tpu.memory_space<vmem>>, vector<1x16xf32>,
      %mul3A_741 = vector.broadcast %scan3A_88 : f32 to vector<16xf32>
      %mul3A_742 = arith.mulf %scan3A_730#1, %mul3A_741 : vector<16xf32>
      %swap3A_743 = arith.index_cast %shift_right_arithmetic3A_733 : i32 to index
      %swap3A_744 = arith.constant 16 : index
      %swap3A_745 = tpu.vector_load %arg7[%swap3A_743, %swap3A_744] {strides = array<i32>} : memref<128x128xf32, #tpu.memory_space<vmem>>, vector<1x16xf32>,
      %swap3A_746 = vector.shape_cast %swap3A_745 : vector<1x16xf32> to vector<16xf32>
      %swap3A_747 = vector.shape_cast %mul3A_742 : vector<16xf32> to vector<1x16xf32>
      tpu.vector_store %arg7[%swap3A_743, %swap3A_744], %swap3A_747 {strides = array<i32>} : memref<128x128xf32, #tpu.memory_space<vmem>>, vector<1x16xf32>,
      %mul3A_748 = vector.broadcast %scan3A_88 : f32 to vector<16xf32>
      %mul3A_749 = arith.mulf %scan3A_730#2, %mul3A_748 : vector<16xf32>
      %swap3A_750 = arith.index_cast %shift_right_arithmetic3A_733 : i32 to index
      %swap3A_751 = arith.constant 32 : index
      %swap3A_752 = tpu.vector_load %arg7[%swap3A_750, %swap3A_751] {strides = array<i32>} : memref<128x128xf32, #tpu.memory_space<vmem>>, vector<1x16xf32>,
      %swap3A_753 = vector.shape_cast %swap3A_752 : vector<1x16xf32> to vector<16xf32>
      %swap3A_754 = vector.shape_cast %mul3A_749 : vector<16xf32> to vector<1x16xf32>
      tpu.vector_store %arg7[%swap3A_750, %swap3A_751], %swap3A_754 {strides = array<i32>} : memref<128x128xf32, #tpu.memory_space<vmem>>, vector<1x16xf32>,
      %mul3A_755 = vector.broadcast %scan3A_88 : f32 to vector<16xf32>
      %mul3A_756 = arith.mulf %scan3A_730#3, %mul3A_755 : vector<16xf32>
      %swap3A_757 = arith.index_cast %shift_right_arithmetic3A_733 : i32 to index
      %swap3A_758 = arith.constant 48 : index
      %swap3A_759 = tpu.vector_load %arg7[%swap3A_757, %swap3A_758] {strides = array<i32>} : memref<128x128xf32, #tpu.memory_space<vmem>>, vector<1x16xf32>,
      %swap3A_760 = vector.shape_cast %swap3A_759 : vector<1x16xf32> to vector<16xf32>
      %swap3A_761 = vector.shape_cast %mul3A_756 : vector<16xf32> to vector<1x16xf32>
      tpu.vector_store %arg7[%swap3A_757, %swap3A_758], %swap3A_761 {strides = array<i32>} : memref<128x128xf32, #tpu.memory_space<vmem>>, vector<1x16xf32>,
      %mul3A_762 = vector.broadcast %scan3A_88 : f32 to vector<16xf32>
      %mul3A_763 = arith.mulf %scan3A_730#4, %mul3A_762 : vector<16xf32>
      %swap3A_764 = arith.index_cast %shift_right_arithmetic3A_733 : i32 to index
      %swap3A_765 = arith.constant 64 : index
      %swap3A_766 = tpu.vector_load %arg7[%swap3A_764, %swap3A_765] {strides = array<i32>} : memref<128x128xf32, #tpu.memory_space<vmem>>, vector<1x16xf32>,
      %swap3A_767 = vector.shape_cast %swap3A_766 : vector<1x16xf32> to vector<16xf32>
      %swap3A_768 = vector.shape_cast %mul3A_763 : vector<16xf32> to vector<1x16xf32>
      tpu.vector_store %arg7[%swap3A_764, %swap3A_765], %swap3A_768 {strides = array<i32>} : memref<128x128xf32, #tpu.memory_space<vmem>>, vector<1x16xf32>,
      %mul3A_769 = vector.broadcast %scan3A_88 : f32 to vector<16xf32>
      %mul3A_770 = arith.mulf %scan3A_730#5, %mul3A_769 : vector<16xf32>
      %swap3A_771 = arith.index_cast %shift_right_arithmetic3A_733 : i32 to index
      %swap3A_772 = arith.constant 80 : index
      %swap3A_773 = tpu.vector_load %arg7[%swap3A_771, %swap3A_772] {strides = array<i32>} : memref<128x128xf32, #tpu.memory_space<vmem>>, vector<1x16xf32>,
      %swap3A_774 = vector.shape_cast %swap3A_773 : vector<1x16xf32> to vector<16xf32>
      %swap3A_775 = vector.shape_cast %mul3A_770 : vector<16xf32> to vector<1x16xf32>
      tpu.vector_store %arg7[%swap3A_771, %swap3A_772], %swap3A_775 {strides = array<i32>} : memref<128x128xf32, #tpu.memory_space<vmem>>, vector<1x16xf32>,
      %mul3A_776 = vector.broadcast %scan3A_88 : f32 to vector<16xf32>
      %mul3A_777 = arith.mulf %scan3A_730#6, %mul3A_776 : vector<16xf32>
      %swap3A_778 = arith.index_cast %shift_right_arithmetic3A_733 : i32 to index
      %swap3A_779 = arith.constant 96 : index
      %swap3A_780 = tpu.vector_load %arg7[%swap3A_778, %swap3A_779] {strides = array<i32>} : memref<128x128xf32, #tpu.memory_space<vmem>>, vector<1x16xf32>,
      %swap3A_781 = vector.shape_cast %swap3A_780 : vector<1x16xf32> to vector<16xf32>
      %swap3A_782 = vector.shape_cast %mul3A_777 : vector<16xf32> to vector<1x16xf32>
      tpu.vector_store %arg7[%swap3A_778, %swap3A_779], %swap3A_782 {strides = array<i32>} : memref<128x128xf32, #tpu.memory_space<vmem>>, vector<1x16xf32>,
      %mul3A_783 = vector.broadcast %scan3A_88 : f32 to vector<16xf32>
      %mul3A_784 = arith.mulf %scan3A_730#7, %mul3A_783 : vector<16xf32>
      %swap3A_785 = arith.index_cast %shift_right_arithmetic3A_733 : i32 to index
      %swap3A_786 = arith.constant 112 : index
      %swap3A_787 = tpu.vector_load %arg7[%swap3A_785, %swap3A_786] {strides = array<i32>} : memref<128x128xf32, #tpu.memory_space<vmem>>, vector<1x16xf32>,
      %swap3A_788 = vector.shape_cast %swap3A_787 : vector<1x16xf32> to vector<16xf32>
      %swap3A_789 = vector.shape_cast %mul3A_784 : vector<16xf32> to vector<1x16xf32>
      tpu.vector_store %arg7[%swap3A_785, %swap3A_786], %swap3A_789 {strides = array<i32>} : memref<128x128xf32, #tpu.memory_space<vmem>>, vector<1x16xf32>,
      %add3A_790 = arith.constant 7 : i32
      %add3A_791 = arith.addi %mul3A_96, %add3A_790 : i32
      %add3A_792 = arith.constant 7 : i32
      %add3A_793 = arith.addi %add3A_791, %add3A_792 : i32
      %lt3A_794 = arith.constant 256 : i32
      %lt3A_795 = arith.cmpi slt, %add3A_793, %lt3A_794 : i32
      %convert_element_type3A_796 = arith.extui %lt3A_795 : i1 to i32
      %cond3A_797 = arith.constant 0 : i32
      %cond3A_798 = arith.cmpi ne, %convert_element_type3A_796, %cond3A_797 : i32
      scf.if %cond3A_798 {
        %dma_start3A_890 = arith.constant 6 : i32
        %dma_start3A_891 = arith.constant 0 : i32
        %dma_start3A_892 = arith.constant 0 : i32
        %dma_start3A_893 = tpu.memref_slice %arg6[%dma_start3A_890, %dma_start3A_891, %dma_start3A_892] : memref<8x100x64xi32, #tpu.memory_space<vmem>> -> memref<1x100x64xi32, #tpu.memory_space<vmem>>
        %dma_start3A_894 = tpu.memref_squeeze %dma_start3A_893 : memref<1x100x64xi32, #tpu.memory_space<vmem>> -> memref<100x64xi32, #tpu.memory_space<vmem>>
        %dma_start3A_895 = arith.constant 0 : i32
        %dma_start3A_896 = tpu.memref_slice %arg5[%add3A_793, %dma_start3A_895] : memref<256x100xi32, #tpu.memory_space<vmem>> -> memref<1x100xi32, #tpu.memory_space<vmem>>
        %dma_start3A_897 = tpu.memref_squeeze %dma_start3A_896 : memref<1x100xi32, #tpu.memory_space<vmem>> -> memref<100xi32, #tpu.memory_space<vmem>>
        %dma_start3A_898 = arith.constant 0 : i32
        %dma_start3A_899 = arith.constant 0 : i32
        %dma_start3A_900 = tpu.memref_slice %arg3[%dma_start3A_898, %dma_start3A_899] : memref<100000x64xi32, #tpu.memory_space<hbm>> -> memref<100000x64xi32, #tpu.memory_space<hbm>>
        tpu.enqueue_indirect_dma source(%dma_start3A_900 : memref<100000x64xi32, #tpu.memory_space<hbm>>) target(%dma_start3A_894 : memref<100x64xi32, #tpu.memory_space<vmem>>) offsets(%dma_start3A_897 : memref<100xi32, #tpu.memory_space<vmem>>) semaphore(%arg14 : memref<!tpu.dma_semaphore, #tpu.memory_space<semaphore_mem>>)
      } else {
      }
      %dma_wait3A_799 = arith.constant 7 : i32
      %dma_wait3A_800 = arith.constant 0 : i32
      %dma_wait3A_801 = arith.constant 0 : i32
      %dma_wait3A_802 = tpu.memref_slice %arg6[%dma_wait3A_799, %dma_wait3A_800, %dma_wait3A_801] : memref<8x100x64xi32, #tpu.memory_space<vmem>> -> memref<1x100x64xi32, #tpu.memory_space<vmem>>
      %dma_wait3A_803 = tpu.memref_squeeze %dma_wait3A_802 : memref<1x100x64xi32, #tpu.memory_space<vmem>> -> memref<100x64xi32, #tpu.memory_space<vmem>>
      %dma_wait3A_804 = arith.constant 0 : i32
      %dma_wait3A_805 = tpu.memref_slice %arg5[%add3A_791, %dma_wait3A_804] : memref<256x100xi32, #tpu.memory_space<vmem>> -> memref<1x100xi32, #tpu.memory_space<vmem>>
      %dma_wait3A_806 = tpu.memref_squeeze %dma_wait3A_805 : memref<1x100xi32, #tpu.memory_space<vmem>> -> memref<100xi32, #tpu.memory_space<vmem>>
      %dma_wait3A_807 = arith.constant 0 : i32
      %dma_wait3A_808 = arith.constant 0 : i32
      %dma_wait3A_809 = tpu.memref_slice %arg3[%dma_wait3A_807, %dma_wait3A_808] : memref<100000x64xi32, #tpu.memory_space<hbm>> -> memref<100000x64xi32, #tpu.memory_space<hbm>>
      tpu.wait_indirect_dma semaphore(%arg15 : memref<!tpu.dma_semaphore, #tpu.memory_space<semaphore_mem>>) src(%dma_wait3A_809 : memref<100000x64xi32, #tpu.memory_space<hbm>>) dst(%dma_wait3A_803 : memref<100x64xi32, #tpu.memory_space<vmem>>)
      %broadcast_in_dim3A_810 = arith.constant 0.000000e+00 : f32
      %broadcast_in_dim3A_811 = vector.broadcast %broadcast_in_dim3A_810 : f32 to vector<16xf32>
      %broadcast_in_dim3A_812 = arith.constant 0.000000e+00 : f32
      %broadcast_in_dim3A_813 = vector.broadcast %broadcast_in_dim3A_812 : f32 to vector<16xf32>
      %broadcast_in_dim3A_814 = arith.constant 0.000000e+00 : f32
      %broadcast_in_dim3A_815 = vector.broadcast %broadcast_in_dim3A_814 : f32 to vector<16xf32>
      %broadcast_in_dim3A_816 = arith.constant 0.000000e+00 : f32
      %broadcast_in_dim3A_817 = vector.broadcast %broadcast_in_dim3A_816 : f32 to vector<16xf32>
      %broadcast_in_dim3A_818 = arith.constant 0.000000e+00 : f32
      %broadcast_in_dim3A_819 = vector.broadcast %broadcast_in_dim3A_818 : f32 to vector<16xf32>
      %broadcast_in_dim3A_820 = arith.constant 0.000000e+00 : f32
      %broadcast_in_dim3A_821 = vector.broadcast %broadcast_in_dim3A_820 : f32 to vector<16xf32>
      %broadcast_in_dim3A_822 = arith.constant 0.000000e+00 : f32
      %broadcast_in_dim3A_823 = vector.broadcast %broadcast_in_dim3A_822 : f32 to vector<16xf32>
      %broadcast_in_dim3A_824 = arith.constant 0.000000e+00 : f32
      %broadcast_in_dim3A_825 = vector.broadcast %broadcast_in_dim3A_824 : f32 to vector<16xf32>
      %scan3A_826 = arith.constant 0 : i32
      %scan3A_827 = arith.constant 100 : i32
      %scan3A_828 = arith.addi %scan3A_826, %scan3A_827 : i32
      %scan3A_829 = arith.constant 2 : i32
      %scan3A_830:8 = scf.for %scan3A_890 = %scan3A_826 to %scan3A_828 step %scan3A_829 iter_args(%scan3A_891 = %broadcast_in_dim3A_811, %scan3A_892 = %broadcast_in_dim3A_813, %scan3A_893 = %broadcast_in_dim3A_815, %scan3A_894 = %broadcast_in_dim3A_817, %scan3A_895 = %broadcast_in_dim3A_819, %scan3A_896 = %broadcast_in_dim3A_821, %scan3A_897 = %broadcast_in_dim3A_823, %scan3A_898 = %broadcast_in_dim3A_825) -> (vector<16xf32>, vector<16xf32>, vector<16xf32>, vector<16xf32>, vector<16xf32>, vector<16xf32>, vector<16xf32>, vector<16xf32>)  : i32 {
        %get3A = arith.constant 7 : i32
        %get3A_899 = arith.index_cast %get3A : i32 to index
        %get3A_900 = arith.index_cast %scan3A_890 : i32 to index
        %get3A_901 = arith.constant 0 : index
        %get3A_902 = tpu.vector_load %arg6[%get3A_899, %get3A_900, %get3A_901] {strides = array<i32>} : memref<8x100x64xi32, #tpu.memory_space<vmem>>, vector<1x1x16xi32>,
        %get3A_903 = vector.shape_cast %get3A_902 : vector<1x1x16xi32> to vector<16xi32>
        %shift_left3A = arith.constant 16 : i32
        %shift_left3A_904 = vector.broadcast %shift_left3A : i32 to vector<16xi32>
        %shift_left3A_905 = arith.shli %get3A_903, %shift_left3A_904 : vector<16xi32>
        %bitcast_convert_type3A = tpu.bitcast %shift_left3A_905 : vector<16xi32> -> vector<16xf32>
        %bitcast_convert_type3A_906 = tpu.bitcast %get3A_903 : vector<16xi32> -> vector<16xf32>
        %add3A_907 = arith.addf %scan3A_891, %bitcast_convert_type3A : vector<16xf32>
        %add3A_908 = arith.addf %scan3A_895, %bitcast_convert_type3A_906 : vector<16xf32>
        %get3A_909 = arith.constant 7 : i32
        %get3A_910 = arith.index_cast %get3A_909 : i32 to index
        %get3A_911 = arith.index_cast %scan3A_890 : i32 to index
        %get3A_912 = arith.constant 16 : index
        %get3A_913 = tpu.vector_load %arg6[%get3A_910, %get3A_911, %get3A_912] {strides = array<i32>} : memref<8x100x64xi32, #tpu.memory_space<vmem>>, vector<1x1x16xi32>,
        %get3A_914 = vector.shape_cast %get3A_913 : vector<1x1x16xi32> to vector<16xi32>
        %shift_left3A_915 = arith.constant 16 : i32
        %shift_left3A_916 = vector.broadcast %shift_left3A_915 : i32 to vector<16xi32>
        %shift_left3A_917 = arith.shli %get3A_914, %shift_left3A_916 : vector<16xi32>
        %bitcast_convert_type3A_918 = tpu.bitcast %shift_left3A_917 : vector<16xi32> -> vector<16xf32>
        %bitcast_convert_type3A_919 = tpu.bitcast %get3A_914 : vector<16xi32> -> vector<16xf32>
        %add3A_920 = arith.addf %scan3A_892, %bitcast_convert_type3A_918 : vector<16xf32>
        %add3A_921 = arith.addf %scan3A_896, %bitcast_convert_type3A_919 : vector<16xf32>
        %get3A_922 = arith.constant 7 : i32
        %get3A_923 = arith.index_cast %get3A_922 : i32 to index
        %get3A_924 = arith.index_cast %scan3A_890 : i32 to index
        %get3A_925 = arith.constant 32 : index
        %get3A_926 = tpu.vector_load %arg6[%get3A_923, %get3A_924, %get3A_925] {strides = array<i32>} : memref<8x100x64xi32, #tpu.memory_space<vmem>>, vector<1x1x16xi32>,
        %get3A_927 = vector.shape_cast %get3A_926 : vector<1x1x16xi32> to vector<16xi32>
        %shift_left3A_928 = arith.constant 16 : i32
        %shift_left3A_929 = vector.broadcast %shift_left3A_928 : i32 to vector<16xi32>
        %shift_left3A_930 = arith.shli %get3A_927, %shift_left3A_929 : vector<16xi32>
        %bitcast_convert_type3A_931 = tpu.bitcast %shift_left3A_930 : vector<16xi32> -> vector<16xf32>
        %bitcast_convert_type3A_932 = tpu.bitcast %get3A_927 : vector<16xi32> -> vector<16xf32>
        %add3A_933 = arith.addf %scan3A_893, %bitcast_convert_type3A_931 : vector<16xf32>
        %add3A_934 = arith.addf %scan3A_897, %bitcast_convert_type3A_932 : vector<16xf32>
        %get3A_935 = arith.constant 7 : i32
        %get3A_936 = arith.index_cast %get3A_935 : i32 to index
        %get3A_937 = arith.index_cast %scan3A_890 : i32 to index
        %get3A_938 = arith.constant 48 : index
        %get3A_939 = tpu.vector_load %arg6[%get3A_936, %get3A_937, %get3A_938] {strides = array<i32>} : memref<8x100x64xi32, #tpu.memory_space<vmem>>, vector<1x1x16xi32>,
        %get3A_940 = vector.shape_cast %get3A_939 : vector<1x1x16xi32> to vector<16xi32>
        %shift_left3A_941 = arith.constant 16 : i32
        %shift_left3A_942 = vector.broadcast %shift_left3A_941 : i32 to vector<16xi32>
        %shift_left3A_943 = arith.shli %get3A_940, %shift_left3A_942 : vector<16xi32>
        %bitcast_convert_type3A_944 = tpu.bitcast %shift_left3A_943 : vector<16xi32> -> vector<16xf32>
        %bitcast_convert_type3A_945 = tpu.bitcast %get3A_940 : vector<16xi32> -> vector<16xf32>
        %add3A_946 = arith.addf %scan3A_894, %bitcast_convert_type3A_944 : vector<16xf32>
        %add3A_947 = arith.addf %scan3A_898, %bitcast_convert_type3A_945 : vector<16xf32>
        %scan3A_948 = arith.constant 1 : i32
        %scan3A_949 = arith.addi %scan3A_890, %scan3A_948 : i32
        %get3A_950 = arith.constant 7 : i32
        %get3A_951 = arith.index_cast %get3A_950 : i32 to index
        %get3A_952 = arith.index_cast %scan3A_949 : i32 to index
        %get3A_953 = arith.constant 0 : index
        %get3A_954 = tpu.vector_load %arg6[%get3A_951, %get3A_952, %get3A_953] {strides = array<i32>} : memref<8x100x64xi32, #tpu.memory_space<vmem>>, vector<1x1x16xi32>,
        %get3A_955 = vector.shape_cast %get3A_954 : vector<1x1x16xi32> to vector<16xi32>
        %shift_left3A_956 = arith.constant 16 : i32
        %shift_left3A_957 = vector.broadcast %shift_left3A_956 : i32 to vector<16xi32>
        %shift_left3A_958 = arith.shli %get3A_955, %shift_left3A_957 : vector<16xi32>
        %bitcast_convert_type3A_959 = tpu.bitcast %shift_left3A_958 : vector<16xi32> -> vector<16xf32>
        %bitcast_convert_type3A_960 = tpu.bitcast %get3A_955 : vector<16xi32> -> vector<16xf32>
        %add3A_961 = arith.addf %add3A_907, %bitcast_convert_type3A_959 : vector<16xf32>
        %add3A_962 = arith.addf %add3A_908, %bitcast_convert_type3A_960 : vector<16xf32>
        %get3A_963 = arith.constant 7 : i32
        %get3A_964 = arith.index_cast %get3A_963 : i32 to index
        %get3A_965 = arith.index_cast %scan3A_949 : i32 to index
        %get3A_966 = arith.constant 16 : index
        %get3A_967 = tpu.vector_load %arg6[%get3A_964, %get3A_965, %get3A_966] {strides = array<i32>} : memref<8x100x64xi32, #tpu.memory_space<vmem>>, vector<1x1x16xi32>,
        %get3A_968 = vector.shape_cast %get3A_967 : vector<1x1x16xi32> to vector<16xi32>
        %shift_left3A_969 = arith.constant 16 : i32
        %shift_left3A_970 = vector.broadcast %shift_left3A_969 : i32 to vector<16xi32>
        %shift_left3A_971 = arith.shli %get3A_968, %shift_left3A_970 : vector<16xi32>
        %bitcast_convert_type3A_972 = tpu.bitcast %shift_left3A_971 : vector<16xi32> -> vector<16xf32>
        %bitcast_convert_type3A_973 = tpu.bitcast %get3A_968 : vector<16xi32> -> vector<16xf32>
        %add3A_974 = arith.addf %add3A_920, %bitcast_convert_type3A_972 : vector<16xf32>
        %add3A_975 = arith.addf %add3A_921, %bitcast_convert_type3A_973 : vector<16xf32>
        %get3A_976 = arith.constant 7 : i32
        %get3A_977 = arith.index_cast %get3A_976 : i32 to index
        %get3A_978 = arith.index_cast %scan3A_949 : i32 to index
        %get3A_979 = arith.constant 32 : index
        %get3A_980 = tpu.vector_load %arg6[%get3A_977, %get3A_978, %get3A_979] {strides = array<i32>} : memref<8x100x64xi32, #tpu.memory_space<vmem>>, vector<1x1x16xi32>,
        %get3A_981 = vector.shape_cast %get3A_980 : vector<1x1x16xi32> to vector<16xi32>
        %shift_left3A_982 = arith.constant 16 : i32
        %shift_left3A_983 = vector.broadcast %shift_left3A_982 : i32 to vector<16xi32>
        %shift_left3A_984 = arith.shli %get3A_981, %shift_left3A_983 : vector<16xi32>
        %bitcast_convert_type3A_985 = tpu.bitcast %shift_left3A_984 : vector<16xi32> -> vector<16xf32>
        %bitcast_convert_type3A_986 = tpu.bitcast %get3A_981 : vector<16xi32> -> vector<16xf32>
        %add3A_987 = arith.addf %add3A_933, %bitcast_convert_type3A_985 : vector<16xf32>
        %add3A_988 = arith.addf %add3A_934, %bitcast_convert_type3A_986 : vector<16xf32>
        %get3A_989 = arith.constant 7 : i32
        %get3A_990 = arith.index_cast %get3A_989 : i32 to index
        %get3A_991 = arith.index_cast %scan3A_949 : i32 to index
        %get3A_992 = arith.constant 48 : index
        %get3A_993 = tpu.vector_load %arg6[%get3A_990, %get3A_991, %get3A_992] {strides = array<i32>} : memref<8x100x64xi32, #tpu.memory_space<vmem>>, vector<1x1x16xi32>,
        %get3A_994 = vector.shape_cast %get3A_993 : vector<1x1x16xi32> to vector<16xi32>
        %shift_left3A_995 = arith.constant 16 : i32
        %shift_left3A_996 = vector.broadcast %shift_left3A_995 : i32 to vector<16xi32>
        %shift_left3A_997 = arith.shli %get3A_994, %shift_left3A_996 : vector<16xi32>
        %bitcast_convert_type3A_998 = tpu.bitcast %shift_left3A_997 : vector<16xi32> -> vector<16xf32>
        %bitcast_convert_type3A_999 = tpu.bitcast %get3A_994 : vector<16xi32> -> vector<16xf32>
        %add3A_1000 = arith.addf %add3A_946, %bitcast_convert_type3A_998 : vector<16xf32>
        %add3A_1001 = arith.addf %add3A_947, %bitcast_convert_type3A_999 : vector<16xf32>
        scf.yield %add3A_961, %add3A_974, %add3A_987, %add3A_1000, %add3A_962, %add3A_975, %add3A_988, %add3A_1001 : vector<16xf32>, vector<16xf32>, vector<16xf32>, vector<16xf32>, vector<16xf32>, vector<16xf32>, vector<16xf32>, vector<16xf32>
      }
      %scan3A_831 = arith.constant 100 : i32
      %shift_right_arithmetic3A_832 = arith.constant 1 : i32
      %shift_right_arithmetic3A_833 = arith.shrsi %add3A_791, %shift_right_arithmetic3A_832 : i32
      %mul3A_834 = vector.broadcast %scan3A_88 : f32 to vector<16xf32>
      %mul3A_835 = arith.mulf %scan3A_830#0, %mul3A_834 : vector<16xf32>
      %swap3A_836 = arith.index_cast %shift_right_arithmetic3A_833 : i32 to index
      %swap3A_837 = arith.constant 0 : index
      %swap3A_838 = tpu.vector_load %arg7[%swap3A_836, %swap3A_837] {strides = array<i32>} : memref<128x128xf32, #tpu.memory_space<vmem>>, vector<1x16xf32>,
      %swap3A_839 = vector.shape_cast %swap3A_838 : vector<1x16xf32> to vector<16xf32>
      %swap3A_840 = vector.shape_cast %mul3A_835 : vector<16xf32> to vector<1x16xf32>
      tpu.vector_store %arg7[%swap3A_836, %swap3A_837], %swap3A_840 {add = true, strides = array<i32>} : memref<128x128xf32, #tpu.memory_space<vmem>>, vector<1x16xf32>,
      %mul3A_841 = vector.broadcast %scan3A_88 : f32 to vector<16xf32>
      %mul3A_842 = arith.mulf %scan3A_830#1, %mul3A_841 : vector<16xf32>
      %swap3A_843 = arith.index_cast %shift_right_arithmetic3A_833 : i32 to index
      %swap3A_844 = arith.constant 16 : index
      %swap3A_845 = tpu.vector_load %arg7[%swap3A_843, %swap3A_844] {strides = array<i32>} : memref<128x128xf32, #tpu.memory_space<vmem>>, vector<1x16xf32>,
      %swap3A_846 = vector.shape_cast %swap3A_845 : vector<1x16xf32> to vector<16xf32>
      %swap3A_847 = vector.shape_cast %mul3A_842 : vector<16xf32> to vector<1x16xf32>
      tpu.vector_store %arg7[%swap3A_843, %swap3A_844], %swap3A_847 {add = true, strides = array<i32>} : memref<128x128xf32, #tpu.memory_space<vmem>>, vector<1x16xf32>,
      %mul3A_848 = vector.broadcast %scan3A_88 : f32 to vector<16xf32>
      %mul3A_849 = arith.mulf %scan3A_830#2, %mul3A_848 : vector<16xf32>
      %swap3A_850 = arith.index_cast %shift_right_arithmetic3A_833 : i32 to index
      %swap3A_851 = arith.constant 32 : index
      %swap3A_852 = tpu.vector_load %arg7[%swap3A_850, %swap3A_851] {strides = array<i32>} : memref<128x128xf32, #tpu.memory_space<vmem>>, vector<1x16xf32>,
      %swap3A_853 = vector.shape_cast %swap3A_852 : vector<1x16xf32> to vector<16xf32>
      %swap3A_854 = vector.shape_cast %mul3A_849 : vector<16xf32> to vector<1x16xf32>
      tpu.vector_store %arg7[%swap3A_850, %swap3A_851], %swap3A_854 {add = true, strides = array<i32>} : memref<128x128xf32, #tpu.memory_space<vmem>>, vector<1x16xf32>,
      %mul3A_855 = vector.broadcast %scan3A_88 : f32 to vector<16xf32>
      %mul3A_856 = arith.mulf %scan3A_830#3, %mul3A_855 : vector<16xf32>
      %swap3A_857 = arith.index_cast %shift_right_arithmetic3A_833 : i32 to index
      %swap3A_858 = arith.constant 48 : index
      %swap3A_859 = tpu.vector_load %arg7[%swap3A_857, %swap3A_858] {strides = array<i32>} : memref<128x128xf32, #tpu.memory_space<vmem>>, vector<1x16xf32>,
      %swap3A_860 = vector.shape_cast %swap3A_859 : vector<1x16xf32> to vector<16xf32>
      %swap3A_861 = vector.shape_cast %mul3A_856 : vector<16xf32> to vector<1x16xf32>
      tpu.vector_store %arg7[%swap3A_857, %swap3A_858], %swap3A_861 {add = true, strides = array<i32>} : memref<128x128xf32, #tpu.memory_space<vmem>>, vector<1x16xf32>,
      %mul3A_862 = vector.broadcast %scan3A_88 : f32 to vector<16xf32>
      %mul3A_863 = arith.mulf %scan3A_830#4, %mul3A_862 : vector<16xf32>
      %swap3A_864 = arith.index_cast %shift_right_arithmetic3A_833 : i32 to index
      %swap3A_865 = arith.constant 64 : index
      %swap3A_866 = tpu.vector_load %arg7[%swap3A_864, %swap3A_865] {strides = array<i32>} : memref<128x128xf32, #tpu.memory_space<vmem>>, vector<1x16xf32>,
      %swap3A_867 = vector.shape_cast %swap3A_866 : vector<1x16xf32> to vector<16xf32>
      %swap3A_868 = vector.shape_cast %mul3A_863 : vector<16xf32> to vector<1x16xf32>
      tpu.vector_store %arg7[%swap3A_864, %swap3A_865], %swap3A_868 {add = true, strides = array<i32>} : memref<128x128xf32, #tpu.memory_space<vmem>>, vector<1x16xf32>,
      %mul3A_869 = vector.broadcast %scan3A_88 : f32 to vector<16xf32>
      %mul3A_870 = arith.mulf %scan3A_830#5, %mul3A_869 : vector<16xf32>
      %swap3A_871 = arith.index_cast %shift_right_arithmetic3A_833 : i32 to index
      %swap3A_872 = arith.constant 80 : index
      %swap3A_873 = tpu.vector_load %arg7[%swap3A_871, %swap3A_872] {strides = array<i32>} : memref<128x128xf32, #tpu.memory_space<vmem>>, vector<1x16xf32>,
      %swap3A_874 = vector.shape_cast %swap3A_873 : vector<1x16xf32> to vector<16xf32>
      %swap3A_875 = vector.shape_cast %mul3A_870 : vector<16xf32> to vector<1x16xf32>
      tpu.vector_store %arg7[%swap3A_871, %swap3A_872], %swap3A_875 {add = true, strides = array<i32>} : memref<128x128xf32, #tpu.memory_space<vmem>>, vector<1x16xf32>,
      %mul3A_876 = vector.broadcast %scan3A_88 : f32 to vector<16xf32>
      %mul3A_877 = arith.mulf %scan3A_830#6, %mul3A_876 : vector<16xf32>
      %swap3A_878 = arith.index_cast %shift_right_arithmetic3A_833 : i32 to index
      %swap3A_879 = arith.constant 96 : index
      %swap3A_880 = tpu.vector_load %arg7[%swap3A_878, %swap3A_879] {strides = array<i32>} : memref<128x128xf32, #tpu.memory_space<vmem>>, vector<1x16xf32>,
      %swap3A_881 = vector.shape_cast %swap3A_880 : vector<1x16xf32> to vector<16xf32>
      %swap3A_882 = vector.shape_cast %mul3A_877 : vector<16xf32> to vector<1x16xf32>
      tpu.vector_store %arg7[%swap3A_878, %swap3A_879], %swap3A_882 {add = true, strides = array<i32>} : memref<128x128xf32, #tpu.memory_space<vmem>>, vector<1x16xf32>,
      %mul3A_883 = vector.broadcast %scan3A_88 : f32 to vector<16xf32>
      %mul3A_884 = arith.mulf %scan3A_830#7, %mul3A_883 : vector<16xf32>
      %swap3A_885 = arith.index_cast %shift_right_arithmetic3A_833 : i32 to index
      %swap3A_886 = arith.constant 112 : index
      %swap3A_887 = tpu.vector_load %arg7[%swap3A_885, %swap3A_886] {strides = array<i32>} : memref<128x128xf32, #tpu.memory_space<vmem>>, vector<1x16xf32>,
      %swap3A_888 = vector.shape_cast %swap3A_887 : vector<1x16xf32> to vector<16xf32>
      %swap3A_889 = vector.shape_cast %mul3A_884 : vector<16xf32> to vector<1x16xf32>
      tpu.vector_store %arg7[%swap3A_885, %swap3A_886], %swap3A_889 {add = true, strides = array<i32>} : memref<128x128xf32, #tpu.memory_space<vmem>>, vector<1x16xf32>,
    }
    %scan3A_93 = arith.constant 32 : i32
    "tpu.region"() ({
      %run_scoped3A = tpu.sem_alloc : memref<!tpu.dma_semaphore, #tpu.memory_space<semaphore_mem>>
      %dma_start3A_94 = arith.constant 0 : i32
      %dma_start3A_95 = tpu.memref_slice %arg4[%mul3A_2, %dma_start3A_94] : memref<4096x128xf32, #tpu.memory_space<hbm>> -> memref<128x128xf32, #tpu.memory_space<hbm>>
      %dma_start3A_96 = arith.constant 0 : i32
      %dma_start3A_97 = tpu.memref_slice %arg4[%mul3A_2, %dma_start3A_96] : memref<4096x128xf32, #tpu.memory_space<hbm>> -> memref<128x128xf32, #tpu.memory_space<hbm>>
      tpu.enqueue_dma source(%arg7 : memref<128x128xf32, #tpu.memory_space<vmem>>) target(%dma_start3A_97 : memref<128x128xf32, #tpu.memory_space<hbm>>) target_semaphore(%run_scoped3A : memref<!tpu.dma_semaphore, #tpu.memory_space<semaphore_mem>>)
      %dma_wait3A = arith.constant 0 : i32
      %dma_wait3A_98 = tpu.memref_slice %arg4[%mul3A_2, %dma_wait3A] : memref<4096x128xf32, #tpu.memory_space<hbm>> -> memref<128x128xf32, #tpu.memory_space<hbm>>
      %dma_wait3A_99 = arith.constant 0 : i32
      %dma_wait3A_100 = tpu.memref_slice %arg4[%mul3A_2, %dma_wait3A_99] : memref<4096x128xf32, #tpu.memory_space<hbm>> -> memref<128x128xf32, #tpu.memory_space<hbm>>
      tpu.wait_dma2 semaphore(%run_scoped3A : memref<!tpu.dma_semaphore, #tpu.memory_space<semaphore_mem>>) src(%arg7 : memref<128x128xf32, #tpu.memory_space<vmem>>) dst(%dma_wait3A_100 : memref<128x128xf32, #tpu.memory_space<hbm>>)
      tpu.yield
    }) : () -> ()
    return
  }
}

module attributes {stable_mosaic.version = 14 : i64} {
  func.func @_pack_body(%arg0: i32, %arg1: memref<5000x128xf32, #tpu.memory_space<vmem>>, %arg2: memref<5000x128xf32, #tpu.memory_space<vmem>>, %arg3: memref<5000x128xi32, #tpu.memory_space<vmem>>) attributes {dimension_semantics = [#tpu.dimension_semantics<arbitrary>], iteration_bounds = array<i64: 10>, scalar_prefetch = 0 : i64, scratch_operands = 0 : i64, tpu.core_type = #tpu.core_type<tc>, window_params = [{transform_indices = @transform_0, window_bounds = array<i64: 5000, 128>}, {transform_indices = @transform_1, window_bounds = array<i64: 5000, 128>}, {transform_indices = @transform_2, window_bounds = array<i64: 5000, 128>}]} {
    %get3A = arith.constant 0 : index
    %get3A_0 = arith.constant 0 : index
    %get3A_1 = vector.load %arg1[%get3A, %get3A_0] : memref<5000x128xf32, #tpu.memory_space<vmem>>, vector<5000x128xf32>
    %bitcast_convert_type3A = tpu.bitcast %get3A_1 : vector<5000x128xf32> -> vector<5000x128xi32>
    %get3A_2 = arith.constant 0 : index
    %get3A_3 = arith.constant 0 : index
    %get3A_4 = vector.load %arg2[%get3A_2, %get3A_3] : memref<5000x128xf32, #tpu.memory_space<vmem>>, vector<5000x128xf32>
    %bitcast_convert_type3A_5 = tpu.bitcast %get3A_4 : vector<5000x128xf32> -> vector<5000x128xi32>
    %slice3A = vector.extract_strided_slice %bitcast_convert_type3A {offsets = [0, 0], sizes = [5000, 64], strides = [1, 1]} : vector<5000x128xi32> to vector<5000x64xi32>
    %shift_right_logical3A = arith.constant 16 : i32
    %shift_right_logical3A_6 = vector.broadcast %shift_right_logical3A : i32 to vector<5000x64xi32>
    %shift_right_logical3A_7 = arith.shrui %slice3A, %shift_right_logical3A_6 : vector<5000x64xi32>
    %slice3A_8 = vector.extract_strided_slice %bitcast_convert_type3A {offsets = [0, 64], sizes = [5000, 64], strides = [1, 1]} : vector<5000x128xi32> to vector<5000x64xi32>
    %and3A = arith.constant -65536 : i32
    %and3A_9 = vector.broadcast %and3A : i32 to vector<5000x64xi32>
    %and3A_10 = arith.andi %slice3A_8, %and3A_9 : vector<5000x64xi32>
    %or3A = arith.ori %shift_right_logical3A_7, %and3A_10 : vector<5000x64xi32>
    %slice3A_11 = vector.extract_strided_slice %bitcast_convert_type3A_5 {offsets = [0, 0], sizes = [5000, 64], strides = [1, 1]} : vector<5000x128xi32> to vector<5000x64xi32>
    %shift_right_logical3A_12 = arith.constant 16 : i32
    %shift_right_logical3A_13 = vector.broadcast %shift_right_logical3A_12 : i32 to vector<5000x64xi32>
    %shift_right_logical3A_14 = arith.shrui %slice3A_11, %shift_right_logical3A_13 : vector<5000x64xi32>
    %slice3A_15 = vector.extract_strided_slice %bitcast_convert_type3A_5 {offsets = [0, 64], sizes = [5000, 64], strides = [1, 1]} : vector<5000x128xi32> to vector<5000x64xi32>
    %and3A_16 = arith.constant -65536 : i32
    %and3A_17 = vector.broadcast %and3A_16 : i32 to vector<5000x64xi32>
    %and3A_18 = arith.andi %slice3A_15, %and3A_17 : vector<5000x64xi32>
    %or3A_19 = arith.ori %shift_right_logical3A_14, %and3A_18 : vector<5000x64xi32>
    %concatenate3A = tpu.concatenate %or3A, %or3A_19 in 1 : vector<5000x64xi32>, vector<5000x64xi32> -> vector<5000x128xi32>
    %bitcast_convert_type3A_20 = tpu.bitcast %concatenate3A : vector<5000x128xi32> -> vector<5000x128xi32>
    %swap3A = arith.constant 0 : index
    %swap3A_21 = arith.constant 0 : index
    %swap3A_22 = vector.load %arg3[%swap3A, %swap3A_21] : memref<5000x128xi32, #tpu.memory_space<vmem>>, vector<5000x128xi32>
    tpu.vector_store %arg3[%swap3A, %swap3A_21], %bitcast_convert_type3A_20 {strides = array<i32>} : memref<5000x128xi32, #tpu.memory_space<vmem>>, vector<5000x128xi32>,
    return
  }
  func.func @transform_0(%arg0: i32) -> (i32, i32) {
    %c0_i32 = arith.constant 0 : i32
    %c0_i32_0 = arith.constant 0 : i32
    return %arg0, %c0_i32 : i32, i32
  }
  func.func @transform_1(%arg0: i32) -> (i32, i32) {
    %add3A = arith.constant 10 : i32
    %add3A_0 = arith.addi %arg0, %add3A : i32
    %c0_i32 = arith.constant 0 : i32
    %c0_i32_1 = arith.constant 0 : i32
    return %add3A_0, %c0_i32 : i32, i32
  }
  func.func @transform_2(%arg0: i32) -> (i32, i32) {
    %c0_i32 = arith.constant 0 : i32
    %c0_i32_0 = arith.constant 0 : i32
    return %arg0, %c0_i32 : i32, i32
  }
}

module attributes {stable_mosaic.version = 14 : i64} {
  func.func @_mlp_body(%arg0: memref<4096x128xf32, #tpu.memory_space<vmem>>, %arg1: memref<128x128xf32, #tpu.memory_space<vmem>>, %arg2: memref<1x128xf32, #tpu.memory_space<vmem>>, %arg3: memref<128x20xf32, #tpu.memory_space<vmem>>, %arg4: memref<1x20xf32, #tpu.memory_space<vmem>>, %arg5: memref<4096x20xf32, #tpu.memory_space<vmem>>) attributes {dimension_semantics = [], scalar_prefetch = 0 : i64, scratch_operands = 0 : i64, tpu.core_type = #tpu.core_type<tc>} {
    %get3A = arith.constant 0 : index
    %get3A_0 = arith.constant 0 : index
    %get3A_1 = vector.load %arg0[%get3A, %get3A_0] : memref<4096x128xf32, #tpu.memory_space<vmem>>, vector<4096x128xf32>
    %get3A_2 = arith.constant 0 : index
    %get3A_3 = arith.constant 0 : index
    %get3A_4 = vector.load %arg1[%get3A_2, %get3A_3] : memref<128x128xf32, #tpu.memory_space<vmem>>, vector<128x128xf32>
    %dot_general3A = arith.constant dense<0.000000e+00> : vector<4096x128xf32>
    %dot_general3A_5 = tpu.matmul %get3A_1, %get3A_4, %dot_general3A {dimension_numbers = #tpu.dot_dimension_numbers<[1], [0], [0], [1], [0, 0, 1, 1], [], []>, transpose_lhs_hint = false} : vector<4096x128xf32>, vector<128x128xf32>, vector<4096x128xf32> -> vector<4096x128xf32>
    %get3A_6 = arith.constant 0 : index
    %get3A_7 = arith.constant 0 : index
    %get3A_8 = vector.load %arg2[%get3A_6, %get3A_7] : memref<1x128xf32, #tpu.memory_space<vmem>>, vector<1x128xf32>
    %add3A = vector.broadcast %get3A_8 : vector<1x128xf32> to vector<4096x128xf32>
    %add3A_9 = arith.addf %dot_general3A_5, %add3A : vector<4096x128xf32>
    %ge3A = arith.constant 0.000000e+00 : f32
    %ge3A_10 = vector.broadcast %ge3A : f32 to vector<4096x128xf32>
    %ge3A_11 = arith.cmpf oge, %add3A_9, %ge3A_10 : vector<4096x128xf32>
    %mul3A = arith.constant 0.00999999977 : f32
    %mul3A_12 = vector.broadcast %mul3A : f32 to vector<4096x128xf32>
    %mul3A_13 = arith.mulf %add3A_9, %mul3A_12 : vector<4096x128xf32>
    %select_n3A = arith.select %ge3A_11, %add3A_9, %mul3A_13 : vector<4096x128xi1>, vector<4096x128xf32>
    %get3A_14 = arith.constant 0 : index
    %get3A_15 = arith.constant 0 : index
    %get3A_16 = vector.load %arg3[%get3A_14, %get3A_15] : memref<128x20xf32, #tpu.memory_space<vmem>>, vector<128x20xf32>
    %dot_general3A_17 = arith.constant dense<0.000000e+00> : vector<4096x20xf32>
    %dot_general3A_18 = tpu.matmul %select_n3A, %get3A_16, %dot_general3A_17 {dimension_numbers = #tpu.dot_dimension_numbers<[1], [0], [0], [1], [0, 0, 1, 1], [], []>, transpose_lhs_hint = false} : vector<4096x128xf32>, vector<128x20xf32>, vector<4096x20xf32> -> vector<4096x20xf32>
    %get3A_19 = arith.constant 0 : index
    %get3A_20 = arith.constant 0 : index
    %get3A_21 = vector.load %arg4[%get3A_19, %get3A_20] : memref<1x20xf32, #tpu.memory_space<vmem>>, vector<1x20xf32>
    %add3A_22 = vector.broadcast %get3A_21 : vector<1x20xf32> to vector<4096x20xf32>
    %add3A_23 = arith.addf %dot_general3A_18, %add3A_22 : vector<4096x20xf32>
    %swap3A = arith.constant 0 : index
    %swap3A_24 = arith.constant 0 : index
    %swap3A_25 = vector.load %arg5[%swap3A, %swap3A_24] : memref<4096x20xf32, #tpu.memory_space<vmem>>, vector<4096x20xf32>
    tpu.vector_store %arg5[%swap3A, %swap3A_24], %add3A_23 {strides = array<i32>} : memref<4096x20xf32, #tpu.memory_space<vmem>>, vector<4096x20xf32>,
    return
  }
}

</mosaic_0001>

<sc_bundles>
// kernel: kernel.5.cloned.1.call-start
scs
__scs_entry_jumppad:
0x0: {  	(pc) =	sbr.rel $0x88, $3  }
0x1: {  	(tag) =	ssettag $0x0;
	lr =	simm.s32 $0x1  }
0x2: {  	[smem:$0x3F9B] =	sst lr;
	_ =	strace $0xD0000000  }
0x3: {  	_ = 	snop  }
0x4: {  	_ = 	snop  }
0x5: {  	_ = 	snop  }
0x6: {  	_ = 	snop  }
0x7: {  	_ = 	snop  }
__scs_overlays_trampoline_lowered:
0x8: {  	[smem:$0x3FAA] =	sst s0  }
0x9: {  	[smem:$0x3FAB] =	sst s1  }
0xa: {  	[smem:$0x3FAC] =	sst s2  }
0xb: {  	[smem:$0x3FAD] =	sst s3  }
0xc: {  	[smem:$0x3FAE] =	sst s4  }
0xd: {  	[smem:$0x3FAF] =	sst s5  }
0xe: {  	[smem:$0x3FB0] =	sst s6  }
0xf: {  	[smem:$0x3FB1] =	sst s7  }
0x10: {  	[smem:$0x3FB2] =	sst s8  }
0x11: {  	[smem:$0x3FB3] =	sst s9;
	s0 =	simm.s32 @!p0 $0x0  }
0x12: {  	s1 =	sld [smem:$0x3F99];
	s0 =	simm.s32 @p0 $0x1  }
0x13: {  	[smem:$0x3FB4] =	sst s0;
	s0 =	simm.s32 @!p1 $0x0  }
0x14: {  	s2 =	sld [smem:$0x3F98];
	s0 =	simm.s32 @p1 $0x1  }
0x15: {  	[smem:$0x3FB5] =	sst s0;
	s0 =	simm.s32 @!p2 $0x0  }
0x16: {  	s3 =	sld [smem:$0x3FDB];
	s0 =	simm.s32 @p2 $0x1  }
0x17: {  	s4 =	simm.s32 $0x1BF5;
	[smem:$0x3FB7] =	sst s0  }
0x18: {  	s0 =	sld [smem:$0x3F9A];
	_ =	swait.ge [sflag:s4], $0x0  }
0x19: {  	s7 =	sld [smem:$0x3F9B]  }
0x1a: {  	s8 =	sadd.s32 $0xFFFFE003, lr  }
0x1b: {  	s9 =	sadd.s32 $0xFFFFFEF7, lr;
	s5 =	simm.s32 $0xFFFFFFFF;
	p2 =	slt.u32 s8, $0xFFFFF086  }
0x1c: {  	p1 =	slt.u32 s9, $0xF7A;
	s5 =	simm.s32 @!p2 $0x0  }
0x1d: {  	s5 =	simm.s32 @p1 $0x1;
	p0 =	seq.s32 s7, s2  }
0x1e: {  	s7 =	smul.u32 @!p0 $0xF7A, s2;
	p2 =	seq.s32 @!p0 s5, $0x0  }
0x1f: {  	s9 =	smul.u32 $0xF7A, s1;
	s8 =	simm.s32 @!p0 $0x1BF5;
	p2 =	por !p2, p0  }
0x20: {  	[sflag:s8] =	ssyncset.s32 @!p0 $0xFFFFF086;
	s6 =	sadd.s32 @!p0 s3, s7;
	s7 =	simm.s32 @!p0 $0x108  }
0x21: {  	s3 =	sadd.s32 s3, s9;
	s6 =	sadd.s32 @!p0 $0x88, s6;
	s7 =	simm.s32 @p2 $0x1082  }
0x22: {  	[simem:s7], [sflag:s8] =	dma.local @!p0 [hbm:s6], $0xF7A  }
0x23: {  	s9 =	sor.u32 $0xD0000000, s2;
	s6 =	simm.s32 $0x108;
	_ =	swait.ge @!p0 [sflag:s8], $0x0  }
0x24: {  	s3 =	sadd.s32 $0x88, s3;
	s6 =	simm.s32 @!p1 $0x1082;
	[sflag:s4] =	ssyncset.s32 $0xFFFFF086  }
0x25: {  	[simem:s6], [sflag:s4] =	dma.local [hbm:s3], $0xF7A  }
0x26: {  	[smem:$0x3F9B] =	sst s1;
	(tag) =	ssettag s2;
	_ =	strace s9  }
0x27: {  	s1 =	sld [smem:$0x3FAB]  }
0x28: {  	s2 =	sld [smem:$0x3FAC]  }
0x29: {  	s4 =	sld [smem:$0x3FAE]  }
0x2a: {  	p0 =	seq.s32 s5, $0x0;
	s5 =	sld [smem:$0x3FAF]  }
0x2b: {  	s6 =	sld [smem:$0x3FB0]  }
0x2c: {  	s7 =	sld [smem:$0x3FB1]  }
0x2d: {  	s3 =	simm.s32 $0x108;
	s8 =	sld [smem:$0x3FB2]  }
0x2e: {  	s3 =	simm.s32 @!p0 $0x1082;
	s9 =	sld [smem:$0x3FB3]  }
0x2f: {  	lr =	sadd.s32 s0, s3;
	s0 =	sld [smem:$0x3FAA]  }
0x30: {  	s3 =	sld [smem:$0x3FAD]  }
0x31: {  	[smem:$0x3FB6] =	sst s10  }
0x32: {  	s10 =	sld [smem:$0x3FB4];
	_ =	sdelay $0x3  }
0x33: {  	p0 =	seq.s32 s10, $0x1;
	s10 =	sld [smem:$0x3FB6];
	_ =	sdelay $0x3  }
0x34: {  	[smem:$0x3FB6] =	sst s10  }
0x35: {  	s10 =	sld [smem:$0x3FB5];
	_ =	sdelay $0x3  }
0x36: {  	p1 =	seq.s32 s10, $0x1;
	s10 =	sld [smem:$0x3FB6];
	_ =	sdelay $0x3  }
0x37: {  	[smem:$0x3FB6] =	sst s10  }
0x38: {  	s10 =	sld [smem:$0x3FB7]  }
0x39: {  	_ = 	snop;
	(pc) =	sbr.ind lr, $3  }
0x3a: {  	_ = 	snop  }
0x3b: {  	_ = 	snop  }
0x3c: {  	p2 =	seq.s32 s10, $0x1;
	s10 =	sld [smem:$0x3FB6]  }
0x3d: {  	_ =	shalt  }
0x3e: {  	_ =	shalt  }
0x3f: {  	_ =	shalt  }
0x40: {  	_ =	shalt  }
0x41: {  	_ =	shalt  }
0x42: {  	_ =	shalt  }
0x43: {  	_ =	shalt  }
0x44: {  	_ =	shalt  }
0x45: {  	_ =	shalt  }
0x46: {  	_ =	shalt  }
0x47: {  	_ =	shalt  }
0x48: {  	_ =	shalt  }
0x49: {  	_ =	shalt  }
0x4a: {  	_ =	shalt  }
0x4b: {  	_ =	shalt  }
0x4c: {  	_ =	shalt  }
0x4d: {  	_ =	shalt  }
0x4e: {  	_ =	shalt  }
0x4f: {  	_ =	shalt  }
0x50: {  	_ =	shalt  }
0x51: {  	_ =	shalt  }
0x52: {  	_ =	shalt  }
0x53: {  	_ =	shalt  }
0x54: {  	_ =	shalt  }
0x55: {  	_ =	shalt  }
0x56: {  	_ =	shalt  }
0x57: {  	_ =	shalt  }
0x58: {  	_ =	shalt  }
0x59: {  	_ =	shalt  }
0x5a: {  	_ =	shalt  }
0x5b: {  	_ =	shalt  }
0x5c: {  	_ =	shalt  }
0x5d: {  	_ =	shalt  }
0x5e: {  	_ =	shalt  }
0x5f: {  	_ =	shalt  }
0x60: {  	_ =	shalt  }
0x61: {  	_ =	shalt  }
0x62: {  	_ =	shalt  }
0x63: {  	_ =	shalt  }
0x64: {  	_ =	shalt  }
0x65: {  	_ =	shalt  }
0x66: {  	_ =	shalt  }
0x67: {  	_ =	shalt  }
0x68: {  	_ =	shalt  }
0x69: {  	_ =	shalt  }
0x6a: {  	_ =	shalt  }
0x6b: {  	_ =	shalt  }
0x6c: {  	_ =	shalt  }
0x6d: {  	_ =	shalt  }
0x6e: {  	_ =	shalt  }
0x6f: {  	_ =	shalt  }
0x70: {  	_ =	shalt  }
0x71: {  	_ =	shalt  }
0x72: {  	_ =	shalt  }
0x73: {  	_ =	shalt  }
0x74: {  	_ =	shalt  }
0x75: {  	_ =	shalt  }
0x76: {  	_ =	shalt  }
0x77: {  	_ =	shalt  }
0x78: {  	_ =	shalt  }
0x79: {  	_ =	shalt  }
0x7a: {  	_ =	shalt  }
0x7b: {  	_ =	shalt  }
0x7c: {  	_ =	shalt  }
0x7d: {  	_ =	shalt  }
0x7e: {  	_ =	shalt  }
0x7f: {  	_ =	shalt  }
0x80: {  	_ =	shalt  }
0x81: {  	_ =	shalt  }
0x82: {  	_ =	shalt  }
0x83: {  	_ =	shalt  }
0x84: {  	_ =	shalt  }
0x85: {  	_ =	shalt  }
0x86: {  	_ =	shalt  }
0x87: {  	_ =	shalt  }
.Lfunc_end0:
.L_simem_size_0:
called_computation_lowered:
.L_overlay_start_0:
0x88: {  	s2 =	sld [smem:$0x3FD9]  }
0x89: {  	s3 =	sld [smem:$0x3FFE];
	_ =	sdelay $0x1  }
0x8a: {  	s1 =	srdreg.scid  }
0x8b: {  	s0 =	sand.u32 $0x1, s1  }
0x8c: {  	s16 =	sshll.u32 s0, $0xA;
	s2 =	sadd.s32 s3, s2  }
0x8d: {  	s2 =	sadd.s32 s2, s16  }
0x8e: {  	[smem:$0x3FC2] =	sst s2  }
0x8f: {  	_ = 	snop  }
0x90: {  	(tm) =	ssettm $0x1  }
0x91: {  	s17 =	sld [smem:$0x3FFB];
	_ =	sdelay $0x3  }
0x92: {  	_ =	strace s17  }
0x93: {  	s2 =	sld [smem:$0x3FFC];
	_ =	sdelay $0x3  }
0x94: {  	_ =	strace s2  }
0x95: {  	s2 =	sld [smem:$0x3FFD];
	_ =	sdelay $0x3  }
0x96: {  	_ =	strace s2  }
0x97: {  	_ =	strace $0x8FFFFFFF  }
0x98: {  	s18 =	sld [smem:$0x3FDB];
	_ =	sdelay $0x1  }
0x99: {  	s19 =	simm.s32 $_scs_section_size  }
0x9a: {  	s4 =	simm.s32 $_size__tile_overlayer_lowered;
	s5 =	simm.s32 $_tile_overlayer_lowered  }
0x9b: {  	s22 =	simm.s32 $0x1BFF;
	s21 =	sshll.u32 s5, $0x1;
	s2 =	sadd.s32 s19, s18  }
0x9c: {  	s6 =	simm.s32 $0x0;
	s20 =	sshll.u32 s4, $0x1;
	s4 =	sadd.s32 s21, s2  }
0x9d: {  	[timem:s6], [sflag:s22] =	dma.local [hbm:s4], s20  }
0x9e: {  	_ =	swait.ge [sflag:s22], s20  }
0x9f: {  	s3 =	ssub.s32 $0x0, s20;
	[sflag:s22] =	ssyncset.done $0x0  }
0xa0: {  	[sflag:s22] =	ssyncadd.s32 s3;
	_ =	sdelay $0x1  }
0xa1: {  	s23 =	simm.s32 $0x1B8B  }
0xa2: {  	_ =	swait.ge [sflag:s23], $0x1  }
0xa3: {  	[sflag:s23] =	ssyncset.done $0x0  }
0xa4: {  	s25 =	simm.s32 $0x1B8E;
	s24 =	sld [smem:$0x3FFE];
	[sflag:s23] =	ssyncadd.s32 $0xFFFFFFFF  }
0xa5: {  	s26 =	simm.s32 $execute0_lowered;
	[smem:$0x3FD2] =	sst s25  }
0xa6: {  	s4 =	sshll.u32 s26, $0x1;
	_ =	strace $0x80000046;
	[dreg:$0x1] =	wrdreg $0xFFFFFFFF  }
0xa7: {  	s28 =	simm.s32 $_size_execute0_lowered;
	s2 =	sadd.s32 s2, s4;
	[dreg:$0x0] =	wrdreg $0x0  }
0xa8: {  	s4 =	sshll.u32 s28, $0x1;
	[dreg:$0x2] =	wrdreg s2  }
0xa9: {  	[dreg:$0x3] =	wrdreg s4  }
0xaa: {  	[dreg:$0x4] =	wrdreg $0xC0  }
0xab: {  	_ =	task [dreg:s6], $0x5FFFF  }
0xac: {  	[dreg:$0x1] =	wrdreg $0xFFFFFFFF  }
0xad: {  	[dreg:$0x0] =	wrdreg $0x60  }
0xae: {  	[dreg:$0x2] =	wrdreg s24  }
0xaf: {  	[dreg:$0x3] =	wrdreg $0x9  }
0xb0: {  	_ =	task.clear_ibuf [dreg:s6], $0x4FFFF;
	_ =	strace $0x90000046  }
0xb1: {  	s29 =	simm.s32 $0x9;
	_ =	strace $0x80000048  }
0xb2: {  	_ =	swait.ge [sflag:s29], $0x1  }
0xb3: {  	[sflag:s29] =	ssyncadd.s32 $0xFFFFFFFF  }
0xb4: {  	_ =	strace $0x90000048  }
0xb5: {  	_ =	sfence  }
0xb6: {  	s30 =	sld [smem:$0x0];
	_ =	sdelay $0x2  }
0xb7: {  	s31 =	sshll.u32 s1, $0xD;
	s1 =	sshrl.u32 s1, $0x2  }
0xb8: {  	s3 =	sand.u32 $0x4000, s31;
	s1 =	sadd.s32 s1, s30  }
0xb9: {  	s0 =	sor.u32 s3, s0;
	s1 =	sshll.u32 s1, $0x11  }
0xba: {  	s0 =	sor.u32 s1, s0  }
0xbb: {  	s0 =	sadd.s32 $0x8F2B, s0  }
0xbc: {  	[sflag:s0] =	ssyncadd.remote.s32 $0x1  }
0xbd: {  	_ =	sfence.sel $0xFFFF  }
0xbe: {  	[dreg:$0x0] =	wrdreg $0xFFFFFFFF;
	(pc) =	sbr.abs _section_cstart, $3  }
0xbf: {  	[dreg:$0x1] =	wrdreg $0xFFFFFFFF  }
0xc0: {  	_ =	task.clear_ibuf [dreg:s6], $0x2FFFF;
	_ =	strace $0x9FFFFFFF  }
0xc1: {  	(tm) =	ssettm $0x7FFFFFFF  }
tec
execute0_lowered:
.L_overlay_start_1:
0x0: {  	(tag) =	ssettag $0x1  }
0x1: {  	s0 =	srdreg.scid  }
0x2: {  	s2 =	stileid.u32;
	s1 =	rddreg [dreg:$0x0]  }
0x3: {  	s7 =	simm.s32 $0x9;
	s8 =	simm.s32 $0x64;
	s16 =	simm.s32 $0x1A0  }
0x4: {  	s17 =	simm.s32 $0xCC00;
	s18 =	simm.s32 $0x208;
	s19 =	simm.s32 $0xE500  }
0x5: {  	s20 =	simm.s32 $0x270;
	s21 =	simm.s32 $0xFE00;
	s22 =	simm.s32 $0x11700  }
0x6: {  	s23 =	simm.s32 $0x1;
	s24 =	simm.s32 $0x2;
	s25 =	simm.s32 $0x3  }
0x7: {  	s28 =	simm.s32 $0x5;
	s29 =	simm.s32 $0x6;
	s30 =	simm.s32 $0x7  }
0x8: {  	s0 =	sand.u32 $0x1, s0;
	s3 =	sshll.u32 s2, $0x1;
	s2 =	simm.s32 $0x0  }
0x9: {  	s31 =	simm.s32 $0x8;
	s3 =	sor.u32 s0, s3;
	[smem:$0x7FF] =	sst s2  }
0xa: {  	s0 =	ssub.s32 $0x2, s0;
	s4 =	smul.u32 $0xD00, s3;
	_ =	strace $0x80000047  }
0xb: {  	s5 =	sshll.u32 s3, $0xB;
	s3 =	sadd.s32 $0x1AE00, s1;
	s26 =	sshrl.u32 s0, $0x1  }
0xc: {  	s0 =	ssub.s32 s0, s26;
	s26 =	simm.s32 $0x4;
	s4 =	sadd.s32 s4, s1  }
0xd: {  	s1 =	sadd.s32 s5, s1;
	s6 =	smax.u32 s0, $0x1;
	s0 =	simm.s32 $0x0  }
0xe: {  	s4 =	sadd.s32 $0xE00, s4;
	s5 =	sadd.s32 $0xDE400, s1;
	s1 =	simm.s32 $0x13000  }
.LBB2_1:
0xf: {  	[tilespmem:s2], [sflag:$0x9] =	stream.linear.gather [hbm4b:s4+s2], $0x6800, $0x38;
	[tilespmem:$0x17000] =	vst v63  }
0x10: {  	_ =	swait.ge [sflag:s7], $0x6800  }
0x11: {  	[sflag:s7] =	ssyncset.done $0x0  }
0x12: {  	s9 =	simm.s32 $0x6800;
	[sflag:s7] =	ssyncadd.s32 $0xFFFF9800  }
0x13: {  	[tilespmem:s9], [sflag:$0x1] =	stream.indirect.gather [hbm4b:s3+s8], $0x40, s2, s8, $0xb8;
	[tilespmem:$0x17000] =	vst v63  }
0x14: {  	s11 =	simm.s32 $0x68;
	s10 =	simm.s32 $0x8100  }
0x15: {  	[tilespmem:s10], [sflag:$0x2] =	stream.indirect.gather [hbm4b:s3+s8], $0x40, s11, s8, $0xb8;
	[tilespmem:$0x17000] =	vst v63  }
0x16: {  	s12 =	simm.s32 $0xD0;
	s13 =	simm.s32 $0x9A00  }
0x17: {  	[tilespmem:s13], [sflag:$0x3] =	stream.indirect.gather [hbm4b:s3+s8], $0x40, s12, s8, $0xb8;
	[tilespmem:$0x17000] =	vst v63  }
0x18: {  	s14 =	simm.s32 $0x138;
	s15 =	simm.s32 $0xB300  }
0x19: {  	[tilespmem:s15], [sflag:$0x4] =	stream.indirect.gather [hbm4b:s3+s8], $0x40, s14, s8, $0xb8;
	[tilespmem:$0x17000] =	vst v63  }
0x1a: {  	_ = 	snop  }
0x1b: {  	[tilespmem:s17], [sflag:$0x5] =	stream.indirect.gather [hbm4b:s3+s8], $0x40, s16, s8, $0xb8;
	[tilespmem:$0x17000] =	vst v63  }
0x1c: {  	_ = 	snop  }
0x1d: {  	[tilespmem:s19], [sflag:$0x6] =	stream.indirect.gather [hbm4b:s3+s8], $0x40, s18, s8, $0xb8;
	[tilespmem:$0x17000] =	vst v63  }
0x1e: {  	s9 =	simm.s32 $0x0  }
0x1f: {  	[tilespmem:s21], [sflag:$0x7] =	stream.indirect.gather [hbm4b:s3+s8], $0x40, s20, s8, $0xb8;
	[tilespmem:$0x17000] =	vst v63  }
.LBB2_2:
0x20: {  	s10 =	sshllo.u32 s9, $0x3  }
0x21: {  	s11 =	smul.u32 $0x1A0, s10;
	_ =	sdelay $0x1  }
0x22: {  	s11 =	sshra.s32 s11, $0x2  }
0x23: {  	[tilespmem:s22], [sflag:$0x8] =	stream.indirect.gather [hbm4b:s3+s8], $0x40, s11, s8, $0xb8;
	[tilespmem:$0x17000] =	vst v63  }
0x24: {  	_ =	swait.ge [sflag:s23], $0x1900  }
0x25: {  	[sflag:s23] =	ssyncset.done $0x0  }
0x26: {  	s12 =	simm.s32 $0x6840;
	[sflag:s23] =	ssyncadd.s32 $0xFFFFE700  }
0x27: {  	v4 =	vld [tilespmem:s12+$0xFFFFFFC0]  }
0x28: {  	v5 =	vld [tilespmem:s12+$0xFFFFFFD0]  }
0x29: {  	v1 =	vld [tilespmem:s12+$0x0]  }
0x2a: {  	v0 =	vld [tilespmem:s12+$0x10]  }
0x2b: {  	v6 =	vimm.f32 $0.0e+00;
	v11 =	vimm.f32 $0.0e+00;
	v3 =	vld [tilespmem:s12+$0xFFFFFFE0]  }
0x2c: {  	v8 =	vimm.f32 $0.0e+00;
	v2 =	vld [tilespmem:s12+$0xFFFFFFF0];
	v7 =	vshll.u32 v4, $0x10;
	v9 =	vadd.f32 v4, v6  }
0x2d: {  	v4 =	vld [tilespmem:s12+$0x20];
	v10 =	vadd.f32 v5, v6;
	v13 =	vadd.f32 v7, v6;
	v7 =	vshll.u32 v5, $0x10  }
0x2e: {  	s11 =	simm.s32 $0x0;
	v14 =	vshll.u32 v1, $0x10;
	v5 =	vld [tilespmem:s12+$0x30];
	s12 =	simm.s32 $0x68C0;
	v12 =	vadd.f32 v7, v6;
	v7 =	vimm.f32 $0.0e+00  }
.LBB2_3:
0x2f: {  	v15 =	vld [tilespmem:s12+$0xFFFFFFC0];
	v13 =	vadd.f32 v14, v13;
	v9 =	vadd.f32 v1, v9;
	v1 =	vshll.u32 v0, $0x10  }
0x30: {  	s11 =	sadd.s32 $0x2, s11;
	v14 =	vld [tilespmem:s12+$0xFFFFFFD0];
	v16 =	vshll.u32 v3, $0x10;
	v12 =	vadd.f32 v1, v12;
	v10 =	vadd.f32 v0, v10  }
0x31: {  	v7 =	vadd.f32 v3, v7;
	p0 =	slt.u32 s11, $0x62;
	v1 =	vld [tilespmem:s12+$0x0];
	v6 =	vadd.f32 v16, v6;
	v3 =	vshll.u32 v2, $0x10  }
.Ltmp0:
0x32: {  	v8 =	vadd.f32 v2, v8;
	v0 =	vld [tilespmem:s12+$0x10];
	v11 =	vadd.f32 v3, v11;
	v2 =	vshll.u32 v4, $0x10;
	(pc) =	sbr.rel @p0 .LBB2_3-.Ltmp0, $4  }
0x33: {  	v7 =	vadd.f32 v4, v7;
	v3 =	vld [tilespmem:s12+$0xFFFFFFE0];
	v6 =	vadd.f32 v2, v6;
	v4 =	vshll.u32 v5, $0x10  }
0x34: {  	v8 =	vadd.f32 v5, v8;
	v16 =	vshll.u32 v15, $0x10;
	v2 =	vld [tilespmem:s12+$0xFFFFFFF0];
	v11 =	vadd.f32 v4, v11  }
0x35: {  	v9 =	vadd.f32 v15, v9;
	v13 =	vadd.f32 v16, v13;
	v5 =	vshll.u32 v14, $0x10;
	v4 =	vld [tilespmem:s12+$0x20]  }
0x36: {  	v10 =	vadd.f32 v14, v10;
	v12 =	vadd.f32 v5, v12;
	v14 =	vshll.u32 v1, $0x10;
	v5 =	vld [tilespmem:s12+$0x30];
	s12 =	sadd.s32 $0x80, s12  }
0x37: {  	v13 =	vadd.f32 v14, v13;
	v15 =	vshll.u32 v0, $0x10  }
0x38: {  	v1 =	vadd.f32 v1, v9;
	v12 =	vadd.f32 v15, v12  }
0x39: {  	v14 =	vshll.u32 v3, $0x10;
	v3 =	vadd.f32 v3, v7;
	v0 =	vadd.f32 v0, v10  }
0x3a: {  	s11 =	sshll.u32 s9, $0x9;
	v6 =	vadd.f32 v14, v6;
	v14 =	vshll.u32 v2, $0x10;
	v13 =	vmul.f32 $4.999999890e-03, v13  }
0x3b: {  	s11 =	sand.u32 $0x3FFFFE00, s11;
	v2 =	vadd.f32 v2, v8;
	v1 =	vmul.f32 $4.999999890e-03, v1;
	v11 =	vadd.f32 v14, v11  }
0x3c: {  	v14 =	vshll.u32 v4, $0x10;
	v12 =	vmul.f32 $4.999999890e-03, v12;
	v3 =	vadd.f32 v4, v3;
	[tilespmem:s11+$0x13000] =	vst v13  }
0x3d: {  	v0 =	vmul.f32 $4.999999890e-03, v0;
	v6 =	vadd.f32 v14, v6;
	[tilespmem:s11+$0x13040] =	vst v1  }
0x3e: {  	v14 =	vshll.u32 v5, $0x10;
	v2 =	vadd.f32 v5, v2;
	[tilespmem:s11+$0x13010] =	vst v12;
	v1 =	vmul.f32 $4.999999890e-03, v3  }
0x3f: {  	p0 =	seq.s32 s9, $0x1F;
	v11 =	vadd.f32 v14, v11;
	[tilespmem:s11+$0x13050] =	vst v0;
	v6 =	vmul.f32 $4.999999890e-03, v6  }
0x40: {  	s12 =	smul.u32 @!p0 $0xD00, s9;
	v0 =	vmul.f32 $4.999999890e-03, v2;
	[tilespmem:s11+$0x13060] =	vst v1  }
0x41: {  	v7 =	vmul.f32 $4.999999890e-03, v11;
	[tilespmem:s11+$0x13020] =	vst v6  }
0x42: {  	s12 =	sshra.s32 @!p0 s12, $0x2;
	[tilespmem:s11+$0x13070] =	vst v0  }
0x43: {  	s14 =	simm.s32 @!p0 $0x64;
	s15 =	simm.s32 @!p0 $0x6800;
	s13 =	sadd.s32 @!p0 $0x340, s12;
	[tilespmem:s11+$0x13030] =	vst v7  }
0x44: {  	[tilespmem:s15], [sflag:$0x1] =	stream.indirect.gather @!p0 [hbm4b:s3+s14], $0x40, s13, s14, $0xb8;
	[tilespmem:$0x17000] =	vst v63  }
0x45: {  	_ =	swait.ge [sflag:s24], $0x1900  }
0x46: {  	[sflag:s24] =	ssyncset.done $0x0  }
0x47: {  	s15 =	simm.s32 $0x8170;
	[sflag:s24] =	ssyncadd.s32 $0xFFFFE700  }
0x48: {  	v4 =	vld [tilespmem:s15+$0xFFFFFF90]  }
0x49: {  	v5 =	vld [tilespmem:s15+$0xFFFFFFA0]  }
0x4a: {  	v1 =	vld [tilespmem:s15+$0xFFFFFFD0]  }
0x4b: {  	v0 =	vld [tilespmem:s15+$0xFFFFFFE0]  }
0x4c: {  	v9 =	vimm.f32 $0.0e+00;
	v6 =	vimm.f32 $0.0e+00;
	v3 =	vld [tilespmem:s15+$0xFFFFFFB0]  }
0x4d: {  	v8 =	vimm.f32 $0.0e+00;
	v2 =	vld [tilespmem:s15+$0xFFFFFFC0];
	v7 =	vshll.u32 v4, $0x10;
	v10 =	vadd.f32 v4, v6  }
0x4e: {  	v4 =	vld [tilespmem:s15+$0xFFFFFFF0];
	v11 =	vadd.f32 v5, v6;
	v13 =	vadd.f32 v7, v6;
	v7 =	vshll.u32 v5, $0x10  }
0x4f: {  	s13 =	simm.s32 $0x0;
	s14 =	simm.s32 $0x81F0;
	v14 =	vshll.u32 v1, $0x10;
	v5 =	vld [tilespmem:s15+$0x0];
	v12 =	vadd.f32 v7, v6;
	v7 =	vimm.f32 $0.0e+00  }
.LBB2_5:
0x50: {  	v15 =	vld [tilespmem:s14+$0xFFFFFF90];
	v13 =	vadd.f32 v14, v13;
	v10 =	vadd.f32 v1, v10;
	v1 =	vshll.u32 v0, $0x10  }
0x51: {  	s13 =	sadd.s32 $0x2, s13;
	v14 =	vld [tilespmem:s14+$0xFFFFFFA0];
	v16 =	vshll.u32 v3, $0x10;
	v12 =	vadd.f32 v1, v12;
	v11 =	vadd.f32 v0, v11  }
0x52: {  	v7 =	vadd.f32 v3, v7;
	p1 =	slt.u32 s13, $0x62;
	v1 =	vld [tilespmem:s14+$0xFFFFFFD0];
	v6 =	vadd.f32 v16, v6;
	v3 =	vshll.u32 v2, $0x10  }
.Ltmp1:
0x53: {  	v8 =	vadd.f32 v2, v8;
	v0 =	vld [tilespmem:s14+$0xFFFFFFE0];
	v9 =	vadd.f32 v3, v9;
	v2 =	vshll.u32 v4, $0x10;
	(pc) =	sbr.rel @p1 .LBB2_5-.Ltmp1, $4  }
0x54: {  	v7 =	vadd.f32 v4, v7;
	v3 =	vld [tilespmem:s14+$0xFFFFFFB0];
	v6 =	vadd.f32 v2, v6;
	v4 =	vshll.u32 v5, $0x10  }
0x55: {  	v8 =	vadd.f32 v5, v8;
	v16 =	vshll.u32 v15, $0x10;
	v2 =	vld [tilespmem:s14+$0xFFFFFFC0];
	v9 =	vadd.f32 v4, v9  }
0x56: {  	v10 =	vadd.f32 v15, v10;
	v13 =	vadd.f32 v16, v13;
	v5 =	vshll.u32 v14, $0x10;
	v4 =	vld [tilespmem:s14+$0xFFFFFFF0]  }
0x57: {  	v11 =	vadd.f32 v14, v11;
	v12 =	vadd.f32 v5, v12;
	v14 =	vshll.u32 v1, $0x10;
	v5 =	vld [tilespmem:s14+$0x0];
	s14 =	sadd.s32 $0x80, s14  }
0x58: {  	v13 =	vadd.f32 v14, v13;
	v15 =	vshll.u32 v0, $0x10  }
0x59: {  	v1 =	vadd.f32 v1, v10;
	v12 =	vadd.f32 v15, v12  }
0x5a: {  	v14 =	vshll.u32 v3, $0x10;
	v3 =	vadd.f32 v3, v7;
	v0 =	vadd.f32 v0, v11  }
0x5b: {  	v6 =	vadd.f32 v14, v6;
	v14 =	vshll.u32 v2, $0x10;
	v13 =	vmul.f32 $4.999999890e-03, v13  }
0x5c: {  	v2 =	vadd.f32 v2, v8;
	v1 =	vmul.f32 $4.999999890e-03, v1;
	v9 =	vadd.f32 v14, v9  }
0x5d: {  	v14 =	vshll.u32 v4, $0x10;
	v12 =	vmul.f32 $4.999999890e-03, v12;
	v3 =	vadd.f32 v4, v3;
	[tilespmem:s11+$0x13000] =	vst.add.f32.msk $0xffff, v13  }
0x5e: {  	v0 =	vmul.f32 $4.999999890e-03, v0;
	v6 =	vadd.f32 v14, v6;
	[tilespmem:s11+$0x13040] =	vst.add.f32.msk $0xffff, v1  }
0x5f: {  	v14 =	vshll.u32 v5, $0x10;
	v2 =	vadd.f32 v5, v2;
	[tilespmem:s11+$0x13010] =	vst.add.f32.msk $0xffff, v12;
	v1 =	vmul.f32 $4.999999890e-03, v3  }
0x60: {  	v9 =	vadd.f32 v14, v9;
	[tilespmem:s11+$0x13050] =	vst.add.f32.msk $0xffff, v0;
	v6 =	vmul.f32 $4.999999890e-03, v6  }
0x61: {  	v0 =	vmul.f32 $4.999999890e-03, v2;
	[tilespmem:s11+$0x13060] =	vst.add.f32.msk $0xffff, v1  }
0x62: {  	v7 =	vmul.f32 $4.999999890e-03, v9;
	[tilespmem:s11+$0x13020] =	vst.add.f32.msk $0xffff, v6  }
0x63: {  	[tilespmem:s11+$0x13070] =	vst.add.f32.msk $0xffff, v0  }
0x64: {  	s13 =	sadd.s32 @!p0 $0x3A8, s12;
	s14 =	simm.s32 @!p0 $0x64;
	s15 =	simm.s32 @!p0 $0x8100;
	[tilespmem:s11+$0x13030] =	vst.add.f32.msk $0xffff, v7  }
0x65: {  	[tilespmem:s15], [sflag:$0x2] =	stream.indirect.gather @!p0 [hbm4b:s3+s14], $0x40, s13, s14, $0xb8;
	[tilespmem:$0x17000] =	vst v63  }
0x66: {  	_ =	swait.ge [sflag:s25], $0x1900  }
0x67: {  	[sflag:s25] =	ssyncset.done $0x0  }
0x68: {  	s15 =	simm.s32 $0x9A70;
	[sflag:s25] =	ssyncadd.s32 $0xFFFFE700  }
0x69: {  	v4 =	vld [tilespmem:s15+$0xFFFFFF90]  }
0x6a: {  	v5 =	vld [tilespmem:s15+$0xFFFFFFA0]  }
0x6b: {  	v1 =	vld [tilespmem:s15+$0xFFFFFFD0]  }
0x6c: {  	v0 =	vld [tilespmem:s15+$0xFFFFFFE0]  }
0x6d: {  	v8 =	vimm.f32 $0.0e+00;
	v6 =	vimm.f32 $0.0e+00;
	v3 =	vld [tilespmem:s15+$0xFFFFFFB0]  }
0x6e: {  	v9 =	vimm.f32 $0.0e+00;
	v2 =	vld [tilespmem:s15+$0xFFFFFFC0];
	v7 =	vshll.u32 v4, $0x10;
	v10 =	vadd.f32 v4, v6  }
0x6f: {  	v4 =	vld [tilespmem:s15+$0xFFFFFFF0];
	v11 =	vadd.f32 v5, v6;
	v13 =	vadd.f32 v7, v6;
	v7 =	vshll.u32 v5, $0x10  }
0x70: {  	s13 =	simm.s32 $0x0;
	s14 =	simm.s32 $0x9AF0;
	v14 =	vshll.u32 v1, $0x10;
	v5 =	vld [tilespmem:s15+$0x0];
	v12 =	vadd.f32 v7, v6;
	v7 =	vimm.f32 $0.0e+00  }
.LBB2_7:
0x71: {  	v15 =	vld [tilespmem:s14+$0xFFFFFF90];
	v13 =	vadd.f32 v14, v13;
	v10 =	vadd.f32 v1, v10;
	v1 =	vshll.u32 v0, $0x10  }
0x72: {  	s13 =	sadd.s32 $0x2, s13;
	v14 =	vld [tilespmem:s14+$0xFFFFFFA0];
	v16 =	vshll.u32 v3, $0x10;
	v12 =	vadd.f32 v1, v12;
	v11 =	vadd.f32 v0, v11  }
0x73: {  	v7 =	vadd.f32 v3, v7;
	p1 =	slt.u32 s13, $0x62;
	v1 =	vld [tilespmem:s14+$0xFFFFFFD0];
	v6 =	vadd.f32 v16, v6;
	v3 =	vshll.u32 v2, $0x10  }
.Ltmp2:
0x74: {  	v8 =	vadd.f32 v2, v8;
	v0 =	vld [tilespmem:s14+$0xFFFFFFE0];
	v9 =	vadd.f32 v3, v9;
	v2 =	vshll.u32 v4, $0x10;
	(pc) =	sbr.rel @p1 .LBB2_7-.Ltmp2, $4  }
0x75: {  	v7 =	vadd.f32 v4, v7;
	v3 =	vld [tilespmem:s14+$0xFFFFFFB0];
	v6 =	vadd.f32 v2, v6;
	v4 =	vshll.u32 v5, $0x10  }
0x76: {  	v8 =	vadd.f32 v5, v8;
	v16 =	vshll.u32 v15, $0x10;
	v2 =	vld [tilespmem:s14+$0xFFFFFFC0];
	v9 =	vadd.f32 v4, v9  }
0x77: {  	v10 =	vadd.f32 v15, v10;
	v13 =	vadd.f32 v16, v13;
	v5 =	vshll.u32 v14, $0x10;
	v4 =	vld [tilespmem:s14+$0xFFFFFFF0]  }
0x78: {  	v11 =	vadd.f32 v14, v11;
	v12 =	vadd.f32 v5, v12;
	v14 =	vshll.u32 v1, $0x10;
	v5 =	vld [tilespmem:s14+$0x0];
	s14 =	sadd.s32 $0x80, s14  }
0x79: {  	v13 =	vadd.f32 v14, v13;
	v15 =	vshll.u32 v0, $0x10  }
0x7a: {  	v1 =	vadd.f32 v1, v10;
	v12 =	vadd.f32 v15, v12  }
0x7b: {  	v14 =	vshll.u32 v3, $0x10;
	v3 =	vadd.f32 v3, v7;
	v0 =	vadd.f32 v0, v11  }
0x7c: {  	v6 =	vadd.f32 v14, v6;
	v14 =	vshll.u32 v2, $0x10;
	v13 =	vmul.f32 $4.999999890e-03, v13  }
0x7d: {  	v2 =	vadd.f32 v2, v8;
	v1 =	vmul.f32 $4.999999890e-03, v1;
	v9 =	vadd.f32 v14, v9  }
0x7e: {  	v14 =	vshll.u32 v4, $0x10;
	v12 =	vmul.f32 $4.999999890e-03, v12;
	v3 =	vadd.f32 v4, v3;
	[tilespmem:s11+$0x13080] =	vst v13  }
0x7f: {  	v0 =	vmul.f32 $4.999999890e-03, v0;
	v6 =	vadd.f32 v14, v6;
	[tilespmem:s11+$0x130C0] =	vst v1  }
0x80: {  	v14 =	vshll.u32 v5, $0x10;
	v2 =	vadd.f32 v5, v2;
	[tilespmem:s11+$0x13090] =	vst v12;
	v1 =	vmul.f32 $4.999999890e-03, v3  }
0x81: {  	v9 =	vadd.f32 v14, v9;
	[tilespmem:s11+$0x130D0] =	vst v0;
	v6 =	vmul.f32 $4.999999890e-03, v6  }
0x82: {  	v0 =	vmul.f32 $4.999999890e-03, v2;
	[tilespmem:s11+$0x130E0] =	vst v1  }
0x83: {  	v7 =	vmul.f32 $4.999999890e-03, v9;
	[tilespmem:s11+$0x130A0] =	vst v6  }
0x84: {  	[tilespmem:s11+$0x130F0] =	vst v0  }
0x85: {  	s13 =	sadd.s32 @!p0 $0x410, s12;
	s14 =	simm.s32 @!p0 $0x64;
	s15 =	simm.s32 @!p0 $0x9A00;
	[tilespmem:s11+$0x130B0] =	vst v7  }
0x86: {  	[tilespmem:s15], [sflag:$0x3] =	stream.indirect.gather @!p0 [hbm4b:s3+s14], $0x40, s13, s14, $0xb8;
	[tilespmem:$0x17000] =	vst v63  }
0x87: {  	_ =	swait.ge [sflag:s26], $0x1900  }
0x88: {  	[sflag:s26] =	ssyncset.done $0x0  }
0x89: {  	s15 =	simm.s32 $0xB300;
	[sflag:s26] =	ssyncadd.s32 $0xFFFFE700  }
0x8a: {  	v4 =	vld [tilespmem:s15+$0x0]  }
0x8b: {  	v5 =	vld [tilespmem:s15+$0x10]  }
0x8c: {  	v1 =	vld [tilespmem:s15+$0x40]  }
0x8d: {  	v0 =	vld [tilespmem:s15+$0x50]  }
0x8e: {  	v8 =	vimm.f32 $0.0e+00;
	v6 =	vimm.f32 $0.0e+00;
	v3 =	vld [tilespmem:s15+$0x20]  }
0x8f: {  	v9 =	vimm.f32 $0.0e+00;
	v2 =	vld [tilespmem:s15+$0x30];
	v7 =	vshll.u32 v4, $0x10;
	v10 =	vadd.f32 v4, v6  }
0x90: {  	v4 =	vld [tilespmem:s15+$0x60];
	v11 =	vadd.f32 v5, v6;
	v13 =	vadd.f32 v7, v6;
	v7 =	vshll.u32 v5, $0x10  }
0x91: {  	s13 =	simm.s32 $0x0;
	s14 =	simm.s32 $0xB380;
	v14 =	vshll.u32 v1, $0x10;
	v5 =	vld [tilespmem:s15+$0x70];
	v12 =	vadd.f32 v7, v6;
	v7 =	vimm.f32 $0.0e+00  }
.LBB2_9:
0x92: {  	v15 =	vld [tilespmem:s14+$0x0];
	v13 =	vadd.f32 v14, v13;
	v10 =	vadd.f32 v1, v10;
	v1 =	vshll.u32 v0, $0x10  }
0x93: {  	s13 =	sadd.s32 $0x2, s13;
	v14 =	vld [tilespmem:s14+$0x10];
	v16 =	vshll.u32 v3, $0x10;
	v12 =	vadd.f32 v1, v12;
	v11 =	vadd.f32 v0, v11  }
0x94: {  	v7 =	vadd.f32 v3, v7;
	p1 =	slt.u32 s13, $0x62;
	v1 =	vld [tilespmem:s14+$0x40];
	v6 =	vadd.f32 v16, v6;
	v3 =	vshll.u32 v2, $0x10  }
.Ltmp3:
0x95: {  	v8 =	vadd.f32 v2, v8;
	v0 =	vld [tilespmem:s14+$0x50];
	v9 =	vadd.f32 v3, v9;
	v2 =	vshll.u32 v4, $0x10;
	(pc) =	sbr.rel @p1 .LBB2_9-.Ltmp3, $4  }
0x96: {  	v7 =	vadd.f32 v4, v7;
	v3 =	vld [tilespmem:s14+$0x20];
	v6 =	vadd.f32 v2, v6;
	v4 =	vshll.u32 v5, $0x10  }
0x97: {  	v8 =	vadd.f32 v5, v8;
	v16 =	vshll.u32 v15, $0x10;
	v2 =	vld [tilespmem:s14+$0x30];
	v9 =	vadd.f32 v4, v9  }
0x98: {  	v10 =	vadd.f32 v15, v10;
	v13 =	vadd.f32 v16, v13;
	v5 =	vshll.u32 v14, $0x10;
	v4 =	vld [tilespmem:s14+$0x60]  }
0x99: {  	v11 =	vadd.f32 v14, v11;
	v12 =	vadd.f32 v5, v12;
	v14 =	vshll.u32 v1, $0x10;
	v5 =	vld [tilespmem:s14+$0x70];
	s14 =	sadd.s32 $0x80, s14  }
0x9a: {  	v13 =	vadd.f32 v14, v13;
	v15 =	vshll.u32 v0, $0x10  }
0x9b: {  	v1 =	vadd.f32 v1, v10;
	v12 =	vadd.f32 v15, v12  }
0x9c: {  	v14 =	vshll.u32 v3, $0x10;
	v3 =	vadd.f32 v3, v7;
	v0 =	vadd.f32 v0, v11  }
0x9d: {  	v6 =	vadd.f32 v14, v6;
	v14 =	vshll.u32 v2, $0x10;
	v13 =	vmul.f32 $4.999999890e-03, v13  }
0x9e: {  	v2 =	vadd.f32 v2, v8;
	v1 =	vmul.f32 $4.999999890e-03, v1;
	v9 =	vadd.f32 v14, v9  }
0x9f: {  	v14 =	vshll.u32 v4, $0x10;
	v12 =	vmul.f32 $4.999999890e-03, v12;
	v3 =	vadd.f32 v4, v3;
	[tilespmem:s11+$0x13080] =	vst.add.f32.msk $0xffff, v13  }
0xa0: {  	v0 =	vmul.f32 $4.999999890e-03, v0;
	v6 =	vadd.f32 v14, v6;
	[tilespmem:s11+$0x130C0] =	vst.add.f32.msk $0xffff, v1  }
0xa1: {  	v14 =	vshll.u32 v5, $0x10;
	v2 =	vadd.f32 v5, v2;
	[tilespmem:s11+$0x13090] =	vst.add.f32.msk $0xffff, v12;
	v1 =	vmul.f32 $4.999999890e-03, v3  }
0xa2: {  	v9 =	vadd.f32 v14, v9;
	[tilespmem:s11+$0x130D0] =	vst.add.f32.msk $0xffff, v0;
	v6 =	vmul.f32 $4.999999890e-03, v6  }
0xa3: {  	v0 =	vmul.f32 $4.999999890e-03, v2;
	[tilespmem:s11+$0x130E0] =	vst.add.f32.msk $0xffff, v1  }
0xa4: {  	v7 =	vmul.f32 $4.999999890e-03, v9;
	[tilespmem:s11+$0x130A0] =	vst.add.f32.msk $0xffff, v6  }
0xa5: {  	[tilespmem:s11+$0x130F0] =	vst.add.f32.msk $0xffff, v0  }
0xa6: {  	s13 =	sadd.s32 @!p0 $0x478, s12;
	s14 =	simm.s32 @!p0 $0x64;
	s15 =	simm.s32 @!p0 $0xB300;
	[tilespmem:s11+$0x130B0] =	vst.add.f32.msk $0xffff, v7  }
0xa7: {  	[tilespmem:s15], [sflag:$0x4] =	stream.indirect.gather @!p0 [hbm4b:s3+s14], $0x40, s13, s14, $0xb8;
	[tilespmem:$0x17000] =	vst v63  }
0xa8: {  	_ =	swait.ge [sflag:s28], $0x1900  }
0xa9: {  	[sflag:s28] =	ssyncset.done $0x0  }
0xaa: {  	s15 =	simm.s32 $0xCC00;
	[sflag:s28] =	ssyncadd.s32 $0xFFFFE700  }
0xab: {  	v4 =	vld [tilespmem:s15+$0x0]  }
0xac: {  	v5 =	vld [tilespmem:s15+$0x10]  }
0xad: {  	v1 =	vld [tilespmem:s15+$0x40]  }
0xae: {  	v0 =	vld [tilespmem:s15+$0x50]  }
0xaf: {  	v8 =	vimm.f32 $0.0e+00;
	v6 =	vimm.f32 $0.0e+00;
	v3 =	vld [tilespmem:s15+$0x20]  }
0xb0: {  	v9 =	vimm.f32 $0.0e+00;
	v2 =	vld [tilespmem:s15+$0x30];
	v7 =	vshll.u32 v4, $0x10;
	v10 =	vadd.f32 v4, v6  }
0xb1: {  	v4 =	vld [tilespmem:s15+$0x60];
	v11 =	vadd.f32 v5, v6;
	v13 =	vadd.f32 v7, v6;
	v7 =	vshll.u32 v5, $0x10  }
0xb2: {  	s13 =	simm.s32 $0x0;
	s14 =	simm.s32 $0xCC80;
	v14 =	vshll.u32 v1, $0x10;
	v5 =	vld [tilespmem:s15+$0x70];
	v12 =	vadd.f32 v7, v6;
	v7 =	vimm.f32 $0.0e+00  }
.LBB2_11:
0xb3: {  	v15 =	vld [tilespmem:s14+$0x0];
	v13 =	vadd.f32 v14, v13;
	v10 =	vadd.f32 v1, v10;
	v1 =	vshll.u32 v0, $0x10  }
0xb4: {  	s13 =	sadd.s32 $0x2, s13;
	v14 =	vld [tilespmem:s14+$0x10];
	v16 =	vshll.u32 v3, $0x10;
	v12 =	vadd.f32 v1, v12;
	v11 =	vadd.f32 v0, v11  }
0xb5: {  	v7 =	vadd.f32 v3, v7;
	p1 =	slt.u32 s13, $0x62;
	v1 =	vld [tilespmem:s14+$0x40];
	v6 =	vadd.f32 v16, v6;
	v3 =	vshll.u32 v2, $0x10  }
.Ltmp4:
0xb6: {  	v8 =	vadd.f32 v2, v8;
	v0 =	vld [tilespmem:s14+$0x50];
	v9 =	vadd.f32 v3, v9;
	v2 =	vshll.u32 v4, $0x10;
	(pc) =	sbr.rel @p1 .LBB2_11-.Ltmp4, $4  }
0xb7: {  	v7 =	vadd.f32 v4, v7;
	v3 =	vld [tilespmem:s14+$0x20];
	v6 =	vadd.f32 v2, v6;
	v4 =	vshll.u32 v5, $0x10  }
0xb8: {  	v8 =	vadd.f32 v5, v8;
	v16 =	vshll.u32 v15, $0x10;
	v2 =	vld [tilespmem:s14+$0x30];
	v9 =	vadd.f32 v4, v9  }
0xb9: {  	v10 =	vadd.f32 v15, v10;
	v13 =	vadd.f32 v16, v13;
	v5 =	vshll.u32 v14, $0x10;
	v4 =	vld [tilespmem:s14+$0x60]  }
0xba: {  	v11 =	vadd.f32 v14, v11;
	v12 =	vadd.f32 v5, v12;
	v14 =	vshll.u32 v1, $0x10;
	v5 =	vld [tilespmem:s14+$0x70];
	s14 =	sadd.s32 $0x80, s14  }
0xbb: {  	v13 =	vadd.f32 v14, v13;
	v15 =	vshll.u32 v0, $0x10  }
0xbc: {  	v1 =	vadd.f32 v1, v10;
	v12 =	vadd.f32 v15, v12  }
0xbd: {  	v14 =	vshll.u32 v3, $0x10;
	v3 =	vadd.f32 v3, v7;
	v0 =	vadd.f32 v0, v11  }
0xbe: {  	v6 =	vadd.f32 v14, v6;
	v14 =	vshll.u32 v2, $0x10;
	v13 =	vmul.f32 $4.999999890e-03, v13  }
0xbf: {  	v2 =	vadd.f32 v2, v8;
	v1 =	vmul.f32 $4.999999890e-03, v1;
	v9 =	vadd.f32 v14, v9  }
0xc0: {  	v14 =	vshll.u32 v4, $0x10;
	v12 =	vmul.f32 $4.999999890e-03, v12;
	v3 =	vadd.f32 v4, v3;
	[tilespmem:s11+$0x13100] =	vst v13  }
0xc1: {  	v0 =	vmul.f32 $4.999999890e-03, v0;
	v6 =	vadd.f32 v14, v6;
	[tilespmem:s11+$0x13140] =	vst v1  }
0xc2: {  	v14 =	vshll.u32 v5, $0x10;
	v2 =	vadd.f32 v5, v2;
	[tilespmem:s11+$0x13110] =	vst v12;
	v1 =	vmul.f32 $4.999999890e-03, v3  }
0xc3: {  	v9 =	vadd.f32 v14, v9;
	[tilespmem:s11+$0x13150] =	vst v0;
	v6 =	vmul.f32 $4.999999890e-03, v6  }
0xc4: {  	v0 =	vmul.f32 $4.999999890e-03, v2;
	[tilespmem:s11+$0x13160] =	vst v1  }
0xc5: {  	v7 =	vmul.f32 $4.999999890e-03, v9;
	[tilespmem:s11+$0x13120] =	vst v6  }
0xc6: {  	[tilespmem:s11+$0x13170] =	vst v0  }
0xc7: {  	s13 =	sadd.s32 @!p0 $0x4E0, s12;
	s14 =	simm.s32 @!p0 $0x64;
	s15 =	simm.s32 @!p0 $0xCC00;
	[tilespmem:s11+$0x13130] =	vst v7  }
0xc8: {  	[tilespmem:s15], [sflag:$0x5] =	stream.indirect.gather @!p0 [hbm4b:s3+s14], $0x40, s13, s14, $0xb8;
	[tilespmem:$0x17000] =	vst v63  }
0xc9: {  	_ =	swait.ge [sflag:s29], $0x1900  }
0xca: {  	[sflag:s29] =	ssyncset.done $0x0  }
0xcb: {  	s15 =	simm.s32 $0xE500;
	[sflag:s29] =	ssyncadd.s32 $0xFFFFE700  }
0xcc: {  	v4 =	vld [tilespmem:s15+$0x0]  }
0xcd: {  	v5 =	vld [tilespmem:s15+$0x10]  }
0xce: {  	v1 =	vld [tilespmem:s15+$0x40]  }
0xcf: {  	v0 =	vld [tilespmem:s15+$0x50]  }
0xd0: {  	v8 =	vimm.f32 $0.0e+00;
	v6 =	vimm.f32 $0.0e+00;
	v3 =	vld [tilespmem:s15+$0x20]  }
0xd1: {  	v9 =	vimm.f32 $0.0e+00;
	v2 =	vld [tilespmem:s15+$0x30];
	v7 =	vshll.u32 v4, $0x10;
	v10 =	vadd.f32 v4, v6  }
0xd2: {  	v4 =	vld [tilespmem:s15+$0x60];
	v11 =	vadd.f32 v5, v6;
	v13 =	vadd.f32 v7, v6;
	v7 =	vshll.u32 v5, $0x10  }
0xd3: {  	s13 =	simm.s32 $0x0;
	s14 =	simm.s32 $0xE580;
	v14 =	vshll.u32 v1, $0x10;
	v5 =	vld [tilespmem:s15+$0x70];
	v12 =	vadd.f32 v7, v6;
	v7 =	vimm.f32 $0.0e+00  }
.LBB2_13:
0xd4: {  	v15 =	vld [tilespmem:s14+$0x0];
	v13 =	vadd.f32 v14, v13;
	v10 =	vadd.f32 v1, v10;
	v1 =	vshll.u32 v0, $0x10  }
0xd5: {  	s13 =	sadd.s32 $0x2, s13;
	v14 =	vld [tilespmem:s14+$0x10];
	v16 =	vshll.u32 v3, $0x10;
	v12 =	vadd.f32 v1, v12;
	v11 =	vadd.f32 v0, v11  }
0xd6: {  	v7 =	vadd.f32 v3, v7;
	p1 =	slt.u32 s13, $0x62;
	v1 =	vld [tilespmem:s14+$0x40];
	v6 =	vadd.f32 v16, v6;
	v3 =	vshll.u32 v2, $0x10  }
.Ltmp5:
0xd7: {  	v8 =	vadd.f32 v2, v8;
	v0 =	vld [tilespmem:s14+$0x50];
	v9 =	vadd.f32 v3, v9;
	v2 =	vshll.u32 v4, $0x10;
	(pc) =	sbr.rel @p1 .LBB2_13-.Ltmp5, $4  }
0xd8: {  	v7 =	vadd.f32 v4, v7;
	v3 =	vld [tilespmem:s14+$0x20];
	v6 =	vadd.f32 v2, v6;
	v4 =	vshll.u32 v5, $0x10  }
0xd9: {  	v8 =	vadd.f32 v5, v8;
	v16 =	vshll.u32 v15, $0x10;
	v2 =	vld [tilespmem:s14+$0x30];
	v9 =	vadd.f32 v4, v9  }
0xda: {  	v10 =	vadd.f32 v15, v10;
	v13 =	vadd.f32 v16, v13;
	v5 =	vshll.u32 v14, $0x10;
	v4 =	vld [tilespmem:s14+$0x60]  }
0xdb: {  	v11 =	vadd.f32 v14, v11;
	v12 =	vadd.f32 v5, v12;
	v14 =	vshll.u32 v1, $0x10;
	v5 =	vld [tilespmem:s14+$0x70];
	s14 =	sadd.s32 $0x80, s14  }
0xdc: {  	v13 =	vadd.f32 v14, v13;
	v15 =	vshll.u32 v0, $0x10  }
0xdd: {  	v1 =	vadd.f32 v1, v10;
	v12 =	vadd.f32 v15, v12  }
0xde: {  	v14 =	vshll.u32 v3, $0x10;
	v3 =	vadd.f32 v3, v7;
	v0 =	vadd.f32 v0, v11  }
0xdf: {  	v6 =	vadd.f32 v14, v6;
	v14 =	vshll.u32 v2, $0x10;
	v13 =	vmul.f32 $4.999999890e-03, v13  }
0xe0: {  	v2 =	vadd.f32 v2, v8;
	v1 =	vmul.f32 $4.999999890e-03, v1;
	v9 =	vadd.f32 v14, v9  }
0xe1: {  	v14 =	vshll.u32 v4, $0x10;
	v12 =	vmul.f32 $4.999999890e-03, v12;
	v3 =	vadd.f32 v4, v3;
	[tilespmem:s11+$0x13100] =	vst.add.f32.msk $0xffff, v13  }
0xe2: {  	v0 =	vmul.f32 $4.999999890e-03, v0;
	v6 =	vadd.f32 v14, v6;
	[tilespmem:s11+$0x13140] =	vst.add.f32.msk $0xffff, v1  }
0xe3: {  	v14 =	vshll.u32 v5, $0x10;
	v2 =	vadd.f32 v5, v2;
	[tilespmem:s11+$0x13110] =	vst.add.f32.msk $0xffff, v12;
	v1 =	vmul.f32 $4.999999890e-03, v3  }
0xe4: {  	v9 =	vadd.f32 v14, v9;
	[tilespmem:s11+$0x13150] =	vst.add.f32.msk $0xffff, v0;
	v6 =	vmul.f32 $4.999999890e-03, v6  }
0xe5: {  	v0 =	vmul.f32 $4.999999890e-03, v2;
	[tilespmem:s11+$0x13160] =	vst.add.f32.msk $0xffff, v1  }
0xe6: {  	v7 =	vmul.f32 $4.999999890e-03, v9;
	[tilespmem:s11+$0x13120] =	vst.add.f32.msk $0xffff, v6  }
0xe7: {  	[tilespmem:s11+$0x13170] =	vst.add.f32.msk $0xffff, v0  }
0xe8: {  	s13 =	sadd.s32 @!p0 $0x548, s12;
	s14 =	simm.s32 @!p0 $0x64;
	s15 =	simm.s32 @!p0 $0xE500;
	[tilespmem:s11+$0x13130] =	vst.add.f32.msk $0xffff, v7  }
0xe9: {  	[tilespmem:s15], [sflag:$0x6] =	stream.indirect.gather @!p0 [hbm4b:s3+s14], $0x40, s13, s14, $0xb8;
	[tilespmem:$0x17000] =	vst v63  }
0xea: {  	_ =	swait.ge [sflag:s30], $0x1900  }
0xeb: {  	[sflag:s30] =	ssyncset.done $0x0  }
0xec: {  	s15 =	simm.s32 $0xFE00;
	[sflag:s30] =	ssyncadd.s32 $0xFFFFE700  }
0xed: {  	v4 =	vld [tilespmem:s15+$0x0]  }
0xee: {  	v5 =	vld [tilespmem:s15+$0x10]  }
0xef: {  	v1 =	vld [tilespmem:s15+$0x40]  }
0xf0: {  	v0 =	vld [tilespmem:s15+$0x50]  }
0xf1: {  	v8 =	vimm.f32 $0.0e+00;
	v6 =	vimm.f32 $0.0e+00;
	v3 =	vld [tilespmem:s15+$0x20]  }
0xf2: {  	v9 =	vimm.f32 $0.0e+00;
	v2 =	vld [tilespmem:s15+$0x30];
	v7 =	vshll.u32 v4, $0x10;
	v10 =	vadd.f32 v4, v6  }
0xf3: {  	v4 =	vld [tilespmem:s15+$0x60];
	v11 =	vadd.f32 v5, v6;
	v13 =	vadd.f32 v7, v6;
	v7 =	vshll.u32 v5, $0x10  }
0xf4: {  	s13 =	simm.s32 $0x0;
	s14 =	simm.s32 $0xFE80;
	v14 =	vshll.u32 v1, $0x10;
	v5 =	vld [tilespmem:s15+$0x70];
	v12 =	vadd.f32 v7, v6;
	v7 =	vimm.f32 $0.0e+00  }
.LBB2_15:
0xf5: {  	v15 =	vld [tilespmem:s14+$0x0];
	v13 =	vadd.f32 v14, v13;
	v10 =	vadd.f32 v1, v10;
	v1 =	vshll.u32 v0, $0x10  }
0xf6: {  	s13 =	sadd.s32 $0x2, s13;
	v14 =	vld [tilespmem:s14+$0x10];
	v16 =	vshll.u32 v3, $0x10;
	v12 =	vadd.f32 v1, v12;
	v11 =	vadd.f32 v0, v11  }
0xf7: {  	v7 =	vadd.f32 v3, v7;
	p1 =	slt.u32 s13, $0x62;
	v1 =	vld [tilespmem:s14+$0x40];
	v6 =	vadd.f32 v16, v6;
	v3 =	vshll.u32 v2, $0x10  }
.Ltmp6:
0xf8: {  	v8 =	vadd.f32 v2, v8;
	v0 =	vld [tilespmem:s14+$0x50];
	v9 =	vadd.f32 v3, v9;
	v2 =	vshll.u32 v4, $0x10;
	(pc) =	sbr.rel @p1 .LBB2_15-.Ltmp6, $4  }
0xf9: {  	v7 =	vadd.f32 v4, v7;
	v3 =	vld [tilespmem:s14+$0x20];
	v6 =	vadd.f32 v2, v6;
	v4 =	vshll.u32 v5, $0x10  }
0xfa: {  	v8 =	vadd.f32 v5, v8;
	v16 =	vshll.u32 v15, $0x10;
	v2 =	vld [tilespmem:s14+$0x30];
	v9 =	vadd.f32 v4, v9  }
0xfb: {  	v10 =	vadd.f32 v15, v10;
	v13 =	vadd.f32 v16, v13;
	v5 =	vshll.u32 v14, $0x10;
	v4 =	vld [tilespmem:s14+$0x60]  }
0xfc: {  	v11 =	vadd.f32 v14, v11;
	v12 =	vadd.f32 v5, v12;
	v14 =	vshll.u32 v1, $0x10;
	v5 =	vld [tilespmem:s14+$0x70];
	s14 =	sadd.s32 $0x80, s14  }
0xfd: {  	v13 =	vadd.f32 v14, v13;
	v15 =	vshll.u32 v0, $0x10  }
0xfe: {  	v1 =	vadd.f32 v1, v10;
	v12 =	vadd.f32 v15, v12  }
0xff: {  	v14 =	vshll.u32 v3, $0x10;
	v3 =	vadd.f32 v3, v7;
	v0 =	vadd.f32 v0, v11  }
0x100: {  	v6 =	vadd.f32 v14, v6;
	v14 =	vshll.u32 v2, $0x10;
	v13 =	vmul.f32 $4.999999890e-03, v13  }
0x101: {  	v2 =	vadd.f32 v2, v8;
	v1 =	vmul.f32 $4.999999890e-03, v1;
	v9 =	vadd.f32 v14, v9  }
0x102: {  	v14 =	vshll.u32 v4, $0x10;
	v12 =	vmul.f32 $4.999999890e-03, v12;
	v3 =	vadd.f32 v4, v3;
	[tilespmem:s11+$0x13180] =	vst v13  }
0x103: {  	v0 =	vmul.f32 $4.999999890e-03, v0;
	v6 =	vadd.f32 v14, v6;
	[tilespmem:s11+$0x131C0] =	vst v1  }
0x104: {  	v14 =	vshll.u32 v5, $0x10;
	v2 =	vadd.f32 v5, v2;
	[tilespmem:s11+$0x13190] =	vst v12;
	v1 =	vmul.f32 $4.999999890e-03, v3  }
0x105: {  	v9 =	vadd.f32 v14, v9;
	[tilespmem:s11+$0x131D0] =	vst v0;
	v6 =	vmul.f32 $4.999999890e-03, v6  }
0x106: {  	v0 =	vmul.f32 $4.999999890e-03, v2;
	[tilespmem:s11+$0x131E0] =	vst v1  }
0x107: {  	v7 =	vmul.f32 $4.999999890e-03, v9;
	[tilespmem:s11+$0x131A0] =	vst v6  }
0x108: {  	[tilespmem:s11+$0x131F0] =	vst v0  }
0x109: {  	s13 =	simm.s32 @!p0 $0xFE00;
	[tilespmem:s11+$0x131B0] =	vst v7;
	s11 =	sadd.s32 @!p0 $0x5B0, s12;
	s12 =	simm.s32 @!p0 $0x64  }
0x10a: {  	[tilespmem:s13], [sflag:$0x7] =	stream.indirect.gather @!p0 [hbm4b:s3+s12], $0x40, s11, s12, $0xb8;
	[tilespmem:$0x17000] =	vst v63  }
0x10b: {  	_ =	swait.ge [sflag:s31], $0x1900  }
0x10c: {  	[sflag:s31] =	ssyncset.done $0x0  }
0x10d: {  	s15 =	simm.s32 $0x11700;
	[sflag:s31] =	ssyncadd.s32 $0xFFFFE700  }
0x10e: {  	v4 =	vld [tilespmem:s15+$0x0]  }
0x10f: {  	v5 =	vld [tilespmem:s15+$0x10]  }
0x110: {  	v1 =	vld [tilespmem:s15+$0x40]  }
0x111: {  	v0 =	vld [tilespmem:s15+$0x50]  }
0x112: {  	v11 =	vimm.f32 $0.0e+00;
	v6 =	vimm.f32 $0.0e+00;
	v3 =	vld [tilespmem:s15+$0x20]  }
0x113: {  	v8 =	vimm.f32 $0.0e+00;
	v2 =	vld [tilespmem:s15+$0x30];
	v7 =	vshll.u32 v4, $0x10;
	v9 =	vadd.f32 v4, v6  }
0x114: {  	v4 =	vld [tilespmem:s15+$0x60];
	v10 =	vadd.f32 v5, v6;
	v13 =	vadd.f32 v7, v6;
	v7 =	vshll.u32 v5, $0x10  }
0x115: {  	s11 =	simm.s32 $0x0;
	s12 =	simm.s32 $0x11780;
	v14 =	vshll.u32 v1, $0x10;
	v5 =	vld [tilespmem:s15+$0x70];
	v12 =	vadd.f32 v7, v6;
	v7 =	vimm.f32 $0.0e+00  }
.LBB2_17:
0x116: {  	v15 =	vld [tilespmem:s12+$0x0];
	v13 =	vadd.f32 v14, v13;
	v9 =	vadd.f32 v1, v9;
	v1 =	vshll.u32 v0, $0x10  }
0x117: {  	s11 =	sadd.s32 $0x2, s11;
	v14 =	vld [tilespmem:s12+$0x10];
	v16 =	vshll.u32 v3, $0x10;
	v12 =	vadd.f32 v1, v12;
	v10 =	vadd.f32 v0, v10  }
0x118: {  	v7 =	vadd.f32 v3, v7;
	p0 =	slt.u32 s11, $0x62;
	v1 =	vld [tilespmem:s12+$0x40];
	v6 =	vadd.f32 v16, v6;
	v3 =	vshll.u32 v2, $0x10  }
.Ltmp7:
0x119: {  	v8 =	vadd.f32 v2, v8;
	v0 =	vld [tilespmem:s12+$0x50];
	v11 =	vadd.f32 v3, v11;
	v2 =	vshll.u32 v4, $0x10;
	(pc) =	sbr.rel @p0 .LBB2_17-.Ltmp7, $4  }
0x11a: {  	v7 =	vadd.f32 v4, v7;
	v3 =	vld [tilespmem:s12+$0x20];
	v6 =	vadd.f32 v2, v6;
	v4 =	vshll.u32 v5, $0x10  }
0x11b: {  	v8 =	vadd.f32 v5, v8;
	v16 =	vshll.u32 v15, $0x10;
	v2 =	vld [tilespmem:s12+$0x30];
	v11 =	vadd.f32 v4, v11  }
0x11c: {  	v9 =	vadd.f32 v15, v9;
	v13 =	vadd.f32 v16, v13;
	v5 =	vshll.u32 v14, $0x10;
	v4 =	vld [tilespmem:s12+$0x60]  }
0x11d: {  	v10 =	vadd.f32 v14, v10;
	v12 =	vadd.f32 v5, v12;
	v14 =	vshll.u32 v1, $0x10;
	v5 =	vld [tilespmem:s12+$0x70];
	s12 =	sadd.s32 $0x80, s12  }
0x11e: {  	_ = 	snop  }
0x11f: {  	v13 =	vadd.f32 v14, v13;
	v54 =	vshll.u32 v3, $0x10  }
0x120: {  	v15 =	vshll.u32 v0, $0x10;
	v6 =	vadd.f32 v54, v6;
	v55 =	vshll.u32 v2, $0x10  }
0x121: {  	v12 =	vadd.f32 v15, v12;
	v11 =	vadd.f32 v55, v11;
	v56 =	vshll.u32 v4, $0x10  }
0x122: {  	s10 =	sshll.u32 s10, $0x6;
	v13 =	vmul.f32 $4.999999890e-03, v13;
	v6 =	vadd.f32 v56, v6;
	v57 =	vshll.u32 v5, $0x10  }
0x123: {  	s11 =	sand.u32 $0x3F80, s10;
	v12 =	vmul.f32 $4.999999890e-03, v12;
	v11 =	vadd.f32 v57, v11  }
0x124: {  	v1 =	vadd.f32 v1, v9;
	v58 =	vadd.f32 v3, v7;
	[tilespmem:s11+$0x13000] =	vst.add.f32.msk $0xffff, v13;
	v6 =	vmul.f32 $4.999999890e-03, v6  }
0x125: {  	s9 =	sadd.s32 $0x1, s9;
	v59 =	vadd.f32 v0, v10;
	v60 =	vadd.f32 v2, v8;
	[tilespmem:s11+$0x13010] =	vst.add.f32.msk $0xffff, v12;
	v61 =	vmul.f32 $4.999999890e-03, v11  }
0x126: {  	p0 =	sne.s32 s9, $0x20;
	v1 =	vmul.f32 $4.999999890e-03, v1;
	v3 =	vadd.f32 v4, v58;
	[tilespmem:s11+$0x13020] =	vst.add.f32.msk $0xffff, v6  }
.Ltmp8:
0x127: {  	v0 =	vmul.f32 $4.999999890e-03, v59;
	v2 =	vadd.f32 v5, v60;
	[tilespmem:s11+$0x13030] =	vst.add.f32.msk $0xffff, v61;
	(pc) =	sbr.rel @p0 .LBB2_2-.Ltmp8, $4  }
0x128: {  	s14 =	sor.u32 $0x50, s10;
	v62 =	vmul.f32 $4.999999890e-03, v3;
	[tilespmem:s10+$0x13000] =	vst.add.f32.msk $0xffff, v1  }
0x129: {  	s15 =	sor.u32 $0x60, s10;
	v63 =	vmul.f32 $4.999999890e-03, v2;
	[tilespmem:s14+$0x13000] =	vst.add.f32.msk $0xffff, v0  }
0x12a: {  	s10 =	sor.u32 $0x70, s10;
	[tilespmem:s15+$0x13000] =	vst.add.f32.msk $0xffff, v62  }
0x12b: {  	[tilespmem:s10+$0x13000] =	vst.add.f32.msk $0xffff, v63  }
0x12c: {  	s0 =	sadd.s32 $0x1, s0  }
0x12d: {  	p0 =	sne.s32 s0, s6  }
.Ltmp9:
0x12e: {  	_ = 	snop;
	(pc) =	sbr.rel @p0 .LBB2_1-.Ltmp9, $4  }
0x12f: {  	[hbm4b:s5+s2] =	stream.linear.scatter [tilespmem:s1], [sflag:$0x9], $0x4000, $0x38;
	[tilespmem:$0x17000] =	vst v63  }
0x130: {  	_ =	swait.ge [sflag:s7], $0x4000  }
0x131: {  	[sflag:s7] =	ssyncset.done $0x0  }
0x132: {  	[sflag:s7] =	ssyncadd.s32 $0xFFFFC000  }
0x133: {  	_ =	sfence.sel $0x180000  }
0x134: {  	[bflag:$0x0] =	sbarrier.arrive $0xFFFF  }
0x135: {  	_ =	strace $0x90000047  }
0x136: {  	s0 =	stileid.u32;
	[bflag:$0x2] =	sbarrier.arrive $0xFFFF  }
0x137: {  	p0 =	sne.s32 s0, $0x0;
	s0 =	rddreg [dreg:$0x1]  }
0x138: {  	s0 =	sadd.s32 @!p0 $0x100000, s0  }
0x139: {  	[sflag:s0] =	ssyncadd.tile.s32 @!p0 $0x1;
	_ =	shalt  }
.Lfunc_end2:
_tile_overlayer_lowered:
.L_overlay_start_2:
0x13a: {  	(tag) =	ssettag $0x2  }
0x13b: {  	s0 =	rddreg [dreg:$0x0];
	s2 =	stileid.u32  }
0x13c: {  	s1 =	rddreg [dreg:$0x1];
	p0 =	sne.s32 s2, $0x0  }
0x13d: {  	s3 =	rddreg [dreg:$0x2];
	[bflag:$0x3] =	sbarrier.arrive $0xFFFF;
	s2 =	simm.s32 @!p0 $0x1C09  }
0x13e: {  	[timem:s3], [sflag:s2] =	dma.local @!p0 [hbm:s0], s1  }
0x13f: {  	s0 =	simm.s32 @!p0 $0x9  }
0x140: {  	_ =	swait.ge @!p0 [sflag:s0], s1  }
0x141: {  	s1 =	ssub.s32 @!p0 $0x0, s1;
	[sflag:s0] =	ssyncset.done @!p0 $0x0  }
0x142: {  	[sflag:s0] =	ssyncadd.s32 @!p0 s1  }
0x143: {  	[bflag:$0x3] =	sbarrier.arrive $0xFFFF  }
0x144: {  	_ =	shalt  }

</sc_bundles>
